<compile_context>
chip_gen: v7x
topology: tpu7x:2x2x1
jax: 0.10.2.dev20260603
libtpu: 0.0.44.dev20260713+nightly
codegen_flags: <defaults>
</compile_context>

<pallas_src>
import jax
import jax.numpy as jnp
from jax import lax
from jax.experimental import pallas as pl
from jax.experimental.pallas import tpu as pltpu
from jax.experimental.pallas import tpu_sc as plsc

F32 = jnp.float32
I32 = jnp.int32

N_PEDS = 10000
NNZ = 80000
FEAT = 96
ATT_DIM = 32
OUT_C = 128
NPAIRS = 8

NC = 2
NS = 16
PAIRS_PER_CORE = NPAIRS // NC
NPAD = 10240
ROWS_PER_TILE = NPAD // NS
NNZ_TILE = NNZ // NS
CHUNK = 128
NCHUNK = NNZ_TILE // CHUNK
TAIL = NNZ_TILE - NCHUNK * CHUNK
CC0 = 2496
CC1 = NNZ_TILE - CC0
RCHUNK = 32
NRCHUNK = ROWS_PER_TILE // RCHUNK
NLANE = 16


def _tc_matmul_body(x_ref, att_ref, wtop_ref, wbot_ref, out_ref):
    xb = x_ref[0, 0]
    ab = att_ref[0, 0]
    top = lax.dot_general(xb, wtop_ref[...], (((0,), (0,)), ((), ())),
                          preferred_element_type=F32)
    bot = lax.dot_general(ab, wbot_ref[...], (((1,), (0,)), ((), ())),
                          preferred_element_type=F32)
    out_ref[0, pl.ds(0, top.shape[0]), :] = top + bot


def _tc_matmul(xt, att, lin_w):
    b, t, f, n = xt.shape
    wtop = lin_w[:FEAT]
    wbot = lin_w[FEAT:]
    return pl.pallas_call(
        _tc_matmul_body,
        grid=(NPAIRS,),
        in_specs=[
            pl.BlockSpec((1, 1, FEAT, n),
                         lambda p: (lax.div(p, 4), lax.rem(p, 4), 0, 0)),
            pl.BlockSpec((1, 1, n, ATT_DIM),
                         lambda p: (lax.div(p, 4), lax.rem(p, 4), 0, 0)),
            pl.BlockSpec((FEAT, OUT_C), lambda p: (0, 0)),
            pl.BlockSpec((ATT_DIM, OUT_C), lambda p: (0, 0)),
        ],
        out_specs=pl.BlockSpec((1, NPAD, OUT_C), lambda p: (p, 0, 0)),
        out_shape=jax.ShapeDtypeStruct((NPAIRS, NPAD, OUT_C), F32),
    )(xt, att, wtop, wbot)


def _tc_scale_body(raw_ref, dcnt_ref, bias_ref, out_ref):
    n = out_ref.shape[1]
    d = dcnt_ref[0, 0, :]
    inv = 1.0 / jnp.maximum(d, 1.0)
    out_ref[0] = (raw_ref[0, :n, :] * inv[:n, None]) + bias_ref[0][None, :]


def _tc_scale(raw, dcnt, bias, n):
    return pl.pallas_call(
        _tc_scale_body,
        grid=(NPAIRS,),
        in_specs=[
            pl.BlockSpec((1, NPAD, OUT_C), lambda p: (p, 0, 0)),
            pl.BlockSpec((1, 1, NPAD), lambda p: (p, 0, 0)),
            pl.BlockSpec((1, OUT_C), lambda p: (0, 0)),
        ],
        out_specs=pl.BlockSpec((1, n, OUT_C), lambda p: (p, 0, 0)),
        out_shape=jax.ShapeDtypeStruct((NPAIRS, n, OUT_C), F32),
    )(raw, dcnt.reshape(NPAIRS, 1, NPAD), bias.reshape(1, OUT_C))


def _sc_body(xlf, nidx, eidx, zeros2d, zeros1d,
             out_h, dcnt_h, edge_h,
             table, bcnt, dcnt,
             nidx_v, eil_v, rowbuf, ones_c, rowchunk, cnt_v,
             sem0):
    c = lax.axis_index("c")
    s = lax.axis_index("s")
    r0 = s * ROWS_PER_TILE

    ones16 = jnp.ones((NLANE,), F32)

    @pl.loop(0, ones_c.shape[0] // NLANE)
    def _(i):
        ones_c[pl.ds(i * NLANE, NLANE)] = ones16

    pltpu.sync_copy(zeros2d.at[pl.ds(r0, ROWS_PER_TILE)],
                    table.at[pl.ds(r0, ROWS_PER_TILE)])
    pltpu.sync_copy(zeros1d.at[pl.ds(r0, ROWS_PER_TILE)],
                    bcnt.at[pl.ds(r0, ROWS_PER_TILE)])
    pltpu.sync_copy(zeros1d.at[pl.ds(r0, ROWS_PER_TILE)],
                    dcnt.at[pl.ds(r0, ROWS_PER_TILE)])
    plsc.subcore_barrier()

    @pl.loop(0, PAIRS_PER_CORE)
    def _(q):
        p = c * PAIRS_PER_CORE + q
        base = p * NPAD

        pltpu.sync_copy(nidx.at[p, s], nidx_v)
        pltpu.sync_copy(eidx.at[p, s], eil_v)

        pltpu.sync_copy(ones_c.at[pl.ds(0, CC0)],
                        bcnt.at[eil_v.at[pl.ds(0, CC0)]], add=True)
        pltpu.sync_copy(ones_c.at[pl.ds(0, CC1)],
                        bcnt.at[eil_v.at[pl.ds(CC0, CC1)]], add=True)

        @pl.loop(0, NCHUNK)
        def _(j):
            pltpu.async_copy(
                xlf.at[nidx_v.at[pl.ds(j * CHUNK, CHUNK)]], rowbuf, sem0
            ).wait()
            pltpu.sync_copy(rowbuf,
                            table.at[eil_v.at[pl.ds(j * CHUNK, CHUNK)]],
                            add=True)

        pltpu.async_copy(
            xlf.at[nidx_v.at[pl.ds(NCHUNK * CHUNK, TAIL)]],
            rowbuf.at[pl.ds(0, TAIL)], sem0).wait()
        pltpu.sync_copy(rowbuf.at[pl.ds(0, TAIL)],
                        table.at[eil_v.at[pl.ds(NCHUNK * CHUNK, TAIL)]],
                        add=True)

        off16 = jnp.full((NLANE,), base, I32)

        @pl.loop(0, NNZ_TILE // NLANE)
        def _(i):
            nidx_v[pl.ds(i * NLANE, NLANE)] = (
                nidx_v[pl.ds(i * NLANE, NLANE)] - off16)
            eil_v[pl.ds(i * NLANE, NLANE)] = (
                eil_v[pl.ds(i * NLANE, NLANE)] + off16)

        tmask = lax.iota(I32, NLANE) >= 2 * NLANE - (NNZ_TILE % NLANE) - NLANE
        tbase = NNZ_TILE - NLANE
        nv = nidx_v[pl.ds(tbase, NLANE)]
        nidx_v[pl.ds(tbase, NLANE)] = jnp.where(tmask, nv - off16, nv)
        ev = eil_v[pl.ds(tbase, NLANE)]
        eil_v[pl.ds(tbase, NLANE)] = jnp.where(tmask, ev + off16, ev)

        plsc.subcore_barrier()

        pltpu.sync_copy(bcnt.at[pl.ds(r0, ROWS_PER_TILE)], cnt_v)

        @pl.loop(0, ROWS_PER_TILE // NLANE)
        def _(k):
            cv = cnt_v[pl.ds(k * NLANE, NLANE)]
            cnt_v[pl.ds(k * NLANE, NLANE)] = 1.0 / jnp.maximum(cv, 1.0)

        @pl.loop(0, NRCHUNK)
        def _(i):
            pltpu.sync_copy(table.at[pl.ds(r0 + i * RCHUNK, RCHUNK)], rowchunk)

            @pl.loop(0, RCHUNK // NLANE)
            def _(g):
                invv = cnt_v[pl.ds(i * RCHUNK + g * NLANE, NLANE)]
                for r in range(NLANE):
                    inv = jnp.full((NLANE,), invv[r], F32)
                    row = g * NLANE + r
                    for cc in range(OUT_C // NLANE):
                        rowchunk[row, pl.ds(cc * NLANE, NLANE)] = (
                            rowchunk[row, pl.ds(cc * NLANE, NLANE)] * inv)

            pltpu.sync_copy(
                rowchunk, edge_h.at[pl.ds(base + r0 + i * RCHUNK, RCHUNK)])

        pltpu.sync_copy(zeros2d.at[pl.ds(r0, ROWS_PER_TILE)],
                        table.at[pl.ds(r0, ROWS_PER_TILE)])
        pltpu.sync_copy(zeros1d.at[pl.ds(r0, ROWS_PER_TILE)],
                        bcnt.at[pl.ds(r0, ROWS_PER_TILE)])
        plsc.subcore_barrier()

        pltpu.sync_copy(ones_c.at[pl.ds(0, CC0)],
                        dcnt.at[nidx_v.at[pl.ds(0, CC0)]], add=True)
        pltpu.sync_copy(ones_c.at[pl.ds(0, CC1)],
                        dcnt.at[nidx_v.at[pl.ds(CC0, CC1)]], add=True)

        @pl.loop(0, NCHUNK)
        def _(j):
            pltpu.async_copy(
                edge_h.at[eil_v.at[pl.ds(j * CHUNK, CHUNK)]], rowbuf, sem0
            ).wait()
            pltpu.sync_copy(rowbuf,
                            table.at[nidx_v.at[pl.ds(j * CHUNK, CHUNK)]],
                            add=True)

        pltpu.async_copy(
            edge_h.at[eil_v.at[pl.ds(NCHUNK * CHUNK, TAIL)]],
            rowbuf.at[pl.ds(0, TAIL)], sem0).wait()
        pltpu.sync_copy(rowbuf.at[pl.ds(0, TAIL)],
                        table.at[nidx_v.at[pl.ds(NCHUNK * CHUNK, TAIL)]],
                        add=True)

        plsc.subcore_barrier()

        pltpu.sync_copy(table.at[pl.ds(r0, ROWS_PER_TILE)],
                        out_h.at[pl.ds(base + r0, ROWS_PER_TILE)])
        pltpu.sync_copy(dcnt.at[pl.ds(r0, ROWS_PER_TILE)],
                        dcnt_h.at[pl.ds(base + r0, ROWS_PER_TILE)])
        pltpu.sync_copy(zeros2d.at[pl.ds(r0, ROWS_PER_TILE)],
                        table.at[pl.ds(r0, ROWS_PER_TILE)])
        pltpu.sync_copy(zeros1d.at[pl.ds(r0, ROWS_PER_TILE)],
                        dcnt.at[pl.ds(r0, ROWS_PER_TILE)])
        plsc.subcore_barrier()


def _sc_hyperconv(xlf, nidx, eidx, zeros2d, zeros1d):
    mesh = plsc.VectorSubcoreMesh(core_axis_name="c", subcore_axis_name="s",
                                  num_cores=NC, num_subcores=NS)
    f = pl.kernel(
        _sc_body,
        out_type=(
            jax.ShapeDtypeStruct((NPAIRS * NPAD, OUT_C), F32),
            jax.ShapeDtypeStruct((NPAIRS * NPAD,), F32),
            jax.ShapeDtypeStruct((NPAIRS * NPAD, OUT_C), F32),
        ),
        mesh=mesh,
        scratch_types=[
            pltpu.VMEM_SHARED((NPAD, OUT_C), F32),
            pltpu.VMEM_SHARED((NPAD,), F32),
            pltpu.VMEM_SHARED((NPAD,), F32),
            pltpu.VMEM((NNZ_TILE,), I32),
            pltpu.VMEM((NNZ_TILE,), I32),
            pltpu.VMEM((CHUNK, OUT_C), F32),
            pltpu.VMEM((CC1 + NLANE - CC1 % NLANE,), F32),
            pltpu.VMEM((RCHUNK, OUT_C), F32),
            pltpu.VMEM((ROWS_PER_TILE,), F32),
            pltpu.SemaphoreType.DMA,
        ],
    )
    return f(xlf, nidx, eidx, zeros2d, zeros1d)


@jax.jit
def kernel(x, H, sequential_scene_attention, W, lin_w, bias):
    b, f, t, n = x.shape
    xt = jnp.transpose(x, (0, 2, 1, 3))
    xl = _tc_matmul(xt, sequential_scene_attention, lin_w)

    poff = (jnp.arange(NPAIRS, dtype=I32) * NPAD).reshape(NPAIRS, 1, 1)
    nidx = H[:, :, 0, :].reshape(NPAIRS, NS, NNZ_TILE) + poff
    eidx = H[:, :, 1, :].reshape(NPAIRS, NS, NNZ_TILE)
    zeros2d = jnp.zeros((NPAD, OUT_C), F32)
    zeros1d = jnp.zeros((NPAD,), F32)

    raw, dcnt, _ = _sc_hyperconv(xl.reshape(NPAIRS * NPAD, OUT_C),
                                 nidx, eidx, zeros2d, zeros1d)
    out = _tc_scale(raw.reshape(NPAIRS, NPAD, OUT_C),
                    dcnt.reshape(NPAIRS, NPAD), bias, n)
    return out.reshape(b, OUT_C, t, n)

# --- scband reference (transcript-rebuilt; emitter-appended) ---
"""Pipeline reference for scband-hyper-graph-conv-2808908612025 (READ-ONLY COPY).

The authoritative reference and input builder live on the scoring server;
editing this copy changes nothing except your own understanding.
"""

import jax, jax.numpy as jnp
import numpy as np

IN_C = 128
OUT_C = 128
N_PEDS = 10000
N_HYPEREDGES = 10000
BATCHES = 2
OBS_LEN = 4
NNZ = 80000
FEAT = 96
ATT_DIM = 32


def setup_inputs(seed: int = 0) -> dict:
    key = jax.random.key(seed)
    k0, k1, k2, k3, k4, k5 = jax.random.split(key, 6)
    x = jax.random.normal(k0, (BATCHES, FEAT, OBS_LEN, N_PEDS), dtype=jnp.float32)
    # hyperedge_index per (batch, t): row 0 = node idx in [0, N_PEDS), row 1 = hyperedge idx in [0, N_HYPEREDGES)
    H = jax.random.randint(k1, (BATCHES, OBS_LEN, 2, NNZ), 0, N_PEDS, dtype=jnp.int32)
    sequential_scene_attention = jax.random.normal(k2, (BATCHES, OBS_LEN, N_PEDS, ATT_DIM), dtype=jnp.float32)
    W = jax.random.uniform(k3, (BATCHES, OBS_LEN, N_HYPEREDGES), dtype=jnp.float32)
    # learned params of the inner HypergraphConv (linear weight + bias)
    lin_w = jax.random.normal(k4, (IN_C, OUT_C), dtype=jnp.float32) * (1.0 / np.sqrt(IN_C))
    bias = jax.random.normal(k5, (OUT_C,), dtype=jnp.float32) * 0.01
    return {"x": x, "H": H, "sequential_scene_attention": sequential_scene_attention, "W": W, "lin_w": lin_w, "bias": bias}


def _hyperconv_one(xf, hidx, lin_w, bias):
    # xf: [N_PEDS, IN_C]; hidx: [2, NNZ]
    xl = xf @ lin_w  # [N_PEDS, OUT_C]
    node_idx = hidx[0]
    edge_idx = hidx[1]
    ones = jnp.ones((node_idx.shape[0],), dtype=xl.dtype)
    # node degree D (hyperedge_weight defaults to ones in PyG call), hyperedge degree B
    D = jax.ops.segment_sum(ones, node_idx, num_segments=N_PEDS)
    Dinv = jnp.where(D > 0, 1.0 / D, 0.0)
    Bdeg = jax.ops.segment_sum(ones, edge_idx, num_segments=N_HYPEREDGES)
    Binv = jnp.where(Bdeg > 0, 1.0 / Bdeg, 0.0)
    # node -> hyperedge: out_e = B^{-1} sum_{v in e} x_v Theta
    msg1 = xl[node_idx] * Binv[edge_idx][:, None]
    edge_feat = jax.ops.segment_sum(msg1, edge_idx, num_segments=N_HYPEREDGES)
    # hyperedge -> node: out_v = D^{-1} sum_{e ni v} out_e
    msg2 = edge_feat[edge_idx] * Dinv[node_idx][:, None]
    node_out = jax.ops.segment_sum(msg2, node_idx, num_segments=N_PEDS)
    return node_out + bias


def reference(x, H, sequential_scene_attention, W, lin_w, bias):
    batches, features, obs_len, num_of_peds = x.shape
    xp = jnp.transpose(x, (0, 2, 3, 1))  # [B, T, N, F]
    att = sequential_scene_attention
    if att.shape[0] != batches:
        att = jnp.tile(att, (batches, 1, 1, 1))
    xc = jnp.concatenate([xp, att], axis=3)  # [B, T, N, IN_C]
    # W is thresholded then discarded in the original forward (never passed to hyper_conv)
    conv = jax.vmap(jax.vmap(lambda xf, hidx: _hyperconv_one(xf, hidx, lin_w, bias)))
    out = conv(xc, H)  # [B, T, N, OUT_C]
    # original uses a raw reshape (NOT a permute) to [B, OUT_C, T, N]
    out = out.reshape(batches, OUT_C, obs_len, num_of_peds)
    return out

if __name__ == "__main__":
    import jax
    _d = setup_inputs()
    print(jax.jit(kernel)(*tuple(_d.values())))

</pallas_src>

<mosaic_0001>
#map = affine_map<(d0, d1) -> (0, 0)>
#map1 = affine_map<(d0, d1) -> (0, 0, 0)>
#map2 = affine_map<(d0, d1) -> (0)>
module attributes {stable_mosaic.version = 14 : i64} {
  func.func @_sc_body(%arg0: i32, %arg1: i32, %arg2: memref<81920x128xf32, #tpu.memory_space<hbm>>, %arg3: memref<8x16x5000xi32, #tpu.memory_space<hbm>>, %arg4: memref<8x16x5000xi32, #tpu.memory_space<hbm>>, %arg5: memref<10240x128xf32, #tpu.memory_space<hbm>>, %arg6: memref<10240xf32, #tpu.memory_space<hbm>>, %arg7: memref<81920x128xf32, #tpu.memory_space<hbm>>, %arg8: memref<81920xf32, #tpu.memory_space<hbm>>, %arg9: memref<81920x128xf32, #tpu.memory_space<hbm>>, %arg10: memref<10240x128xf32, #tpu.memory_space<vmem_shared>>, %arg11: memref<10240xf32, #tpu.memory_space<vmem_shared>>, %arg12: memref<10240xf32, #tpu.memory_space<vmem_shared>>, %arg13: memref<5000xi32, #tpu.memory_space<vmem>>, %arg14: memref<5000xi32, #tpu.memory_space<vmem>>, %arg15: memref<128x128xf32, #tpu.memory_space<vmem>>, %arg16: memref<2512xf32, #tpu.memory_space<vmem>>, %arg17: memref<32x128xf32, #tpu.memory_space<vmem>>, %arg18: memref<640xf32, #tpu.memory_space<vmem>>, %arg19: memref<!tpu.dma_semaphore, #tpu.memory_space<semaphore_mem>>) attributes {dimension_semantics = [#tpu.dimension_semantics<core_parallel>, #tpu.dimension_semantics<subcore_parallel>], iteration_bounds = array<i64: 2, 16>, scalar_prefetch = 0 : i64, scratch_operands = 10 : i64, tpu.core_type = #tpu.core_type<sc_vector_subcore>, window_params = [{transform_indices = #map}, {transform_indices = #map1}, {transform_indices = #map1}, {transform_indices = #map}, {transform_indices = #map2}, {transform_indices = #map}, {transform_indices = #map2}, {transform_indices = #map}]} {
    %mul3A = arith.constant 640 : i32
    %mul3A_0 = arith.muli %arg1, %mul3A : i32
    %broadcast_in_dim3A = arith.constant 1.000000e+00 : f32
    %broadcast_in_dim3A_1 = vector.broadcast %broadcast_in_dim3A : f32 to vector<16xf32>
    %scan3A = arith.constant 0 : i32
    %scan3A_2 = arith.constant 157 : i32
    %scan3A_3 = arith.addi %scan3A, %scan3A_2 : i32
    %scan3A_4 = arith.constant 1 : i32
    scf.for %scan3A_11 = %scan3A to %scan3A_3 step %scan3A_4  : i32 {
      %mul3A_12 = arith.constant 1 : i32
      %mul3A_13 = arith.muli %scan3A_11, %mul3A_12 : i32
      %add3A = arith.constant 0 : i32
      %add3A_14 = arith.addi %add3A, %mul3A_13 : i32
      %mul3A_15 = arith.constant 16 : i32
      %mul3A_16 = arith.muli %add3A_14, %mul3A_15 : i32
      %swap3A = arith.index_cast %mul3A_16 : i32 to index
      %swap3A_17 = tpu.vector_load %arg16[%swap3A] {strides = array<i32>} : memref<2512xf32, #tpu.memory_space<vmem>>, vector<16xf32>,
      %swap3A_18 = vector.shape_cast %swap3A_17 : vector<16xf32> to vector<16xf32>
      %swap3A_19 = vector.shape_cast %broadcast_in_dim3A_1 : vector<16xf32> to vector<16xf32>
      tpu.vector_store %arg16[%swap3A], %swap3A_19 {strides = array<i32>} : memref<2512xf32, #tpu.memory_space<vmem>>, vector<16xf32>,
    }
    %scan3A_5 = arith.constant 157 : i32
    "tpu.region"() ({
      %run_scoped3A = tpu.sem_alloc : memref<!tpu.dma_semaphore, #tpu.memory_space<semaphore_mem>>
      %dma_start3A = arith.constant 0 : i32
      %dma_start3A_11 = tpu.memref_slice %arg10[%mul3A_0, %dma_start3A] : memref<10240x128xf32, #tpu.memory_space<vmem_shared>> -> memref<640x128xf32, #tpu.memory_space<vmem_shared>>
      %dma_start3A_12 = arith.constant 0 : i32
      %dma_start3A_13 = tpu.memref_slice %arg5[%mul3A_0, %dma_start3A_12] : memref<10240x128xf32, #tpu.memory_space<hbm>> -> memref<640x128xf32, #tpu.memory_space<hbm>>
      tpu.enqueue_dma source(%dma_start3A_13 : memref<640x128xf32, #tpu.memory_space<hbm>>) target(%dma_start3A_11 : memref<640x128xf32, #tpu.memory_space<vmem_shared>>) target_semaphore(%run_scoped3A : memref<!tpu.dma_semaphore, #tpu.memory_space<semaphore_mem>>)
      %dma_wait3A = arith.constant 0 : i32
      %dma_wait3A_14 = tpu.memref_slice %arg10[%mul3A_0, %dma_wait3A] : memref<10240x128xf32, #tpu.memory_space<vmem_shared>> -> memref<640x128xf32, #tpu.memory_space<vmem_shared>>
      %dma_wait3A_15 = arith.constant 0 : i32
      %dma_wait3A_16 = tpu.memref_slice %arg5[%mul3A_0, %dma_wait3A_15] : memref<10240x128xf32, #tpu.memory_space<hbm>> -> memref<640x128xf32, #tpu.memory_space<hbm>>
      tpu.wait_dma2 semaphore(%run_scoped3A : memref<!tpu.dma_semaphore, #tpu.memory_space<semaphore_mem>>) src(%dma_wait3A_16 : memref<640x128xf32, #tpu.memory_space<hbm>>) dst(%dma_wait3A_14 : memref<640x128xf32, #tpu.memory_space<vmem_shared>>)
      tpu.yield
    }) : () -> ()
    "tpu.region"() ({
      %run_scoped3A = tpu.sem_alloc : memref<!tpu.dma_semaphore, #tpu.memory_space<semaphore_mem>>
      %dma_start3A = tpu.memref_slice %arg11[%mul3A_0] : memref<10240xf32, #tpu.memory_space<vmem_shared>> -> memref<640xf32, #tpu.memory_space<vmem_shared>>
      %dma_start3A_11 = tpu.memref_slice %arg6[%mul3A_0] : memref<10240xf32, #tpu.memory_space<hbm>> -> memref<640xf32, #tpu.memory_space<hbm>>
      tpu.enqueue_dma source(%dma_start3A_11 : memref<640xf32, #tpu.memory_space<hbm>>) target(%dma_start3A : memref<640xf32, #tpu.memory_space<vmem_shared>>) target_semaphore(%run_scoped3A : memref<!tpu.dma_semaphore, #tpu.memory_space<semaphore_mem>>)
      %dma_wait3A = tpu.memref_slice %arg11[%mul3A_0] : memref<10240xf32, #tpu.memory_space<vmem_shared>> -> memref<640xf32, #tpu.memory_space<vmem_shared>>
      %dma_wait3A_12 = tpu.memref_slice %arg6[%mul3A_0] : memref<10240xf32, #tpu.memory_space<hbm>> -> memref<640xf32, #tpu.memory_space<hbm>>
      tpu.wait_dma2 semaphore(%run_scoped3A : memref<!tpu.dma_semaphore, #tpu.memory_space<semaphore_mem>>) src(%dma_wait3A_12 : memref<640xf32, #tpu.memory_space<hbm>>) dst(%dma_wait3A : memref<640xf32, #tpu.memory_space<vmem_shared>>)
      tpu.yield
    }) : () -> ()
    "tpu.region"() ({
      %run_scoped3A = tpu.sem_alloc : memref<!tpu.dma_semaphore, #tpu.memory_space<semaphore_mem>>
      %dma_start3A = tpu.memref_slice %arg12[%mul3A_0] : memref<10240xf32, #tpu.memory_space<vmem_shared>> -> memref<640xf32, #tpu.memory_space<vmem_shared>>
      %dma_start3A_11 = tpu.memref_slice %arg6[%mul3A_0] : memref<10240xf32, #tpu.memory_space<hbm>> -> memref<640xf32, #tpu.memory_space<hbm>>
      tpu.enqueue_dma source(%dma_start3A_11 : memref<640xf32, #tpu.memory_space<hbm>>) target(%dma_start3A : memref<640xf32, #tpu.memory_space<vmem_shared>>) target_semaphore(%run_scoped3A : memref<!tpu.dma_semaphore, #tpu.memory_space<semaphore_mem>>)
      %dma_wait3A = tpu.memref_slice %arg12[%mul3A_0] : memref<10240xf32, #tpu.memory_space<vmem_shared>> -> memref<640xf32, #tpu.memory_space<vmem_shared>>
      %dma_wait3A_12 = tpu.memref_slice %arg6[%mul3A_0] : memref<10240xf32, #tpu.memory_space<hbm>> -> memref<640xf32, #tpu.memory_space<hbm>>
      tpu.wait_dma2 semaphore(%run_scoped3A : memref<!tpu.dma_semaphore, #tpu.memory_space<semaphore_mem>>) src(%dma_wait3A_12 : memref<640xf32, #tpu.memory_space<hbm>>) dst(%dma_wait3A : memref<640xf32, #tpu.memory_space<vmem_shared>>)
      tpu.yield
    }) : () -> ()
    %barrier3A = arith.constant 0 : index
    tpu.barrier barrier_id(%barrier3A)
    %scan3A_6 = arith.constant 0 : i32
    %scan3A_7 = arith.constant 4 : i32
    %scan3A_8 = arith.addi %scan3A_6, %scan3A_7 : i32
    %scan3A_9 = arith.constant 1 : i32
    scf.for %scan3A_11 = %scan3A_6 to %scan3A_8 step %scan3A_9  : i32 {
      %mul3A_12 = arith.constant 1 : i32
      %mul3A_13 = arith.muli %scan3A_11, %mul3A_12 : i32
      %add3A = arith.constant 0 : i32
      %add3A_14 = arith.addi %add3A, %mul3A_13 : i32
      %mul3A_15 = arith.constant 4 : i32
      %mul3A_16 = arith.muli %arg0, %mul3A_15 : i32
      %add3A_17 = arith.addi %mul3A_16, %add3A_14 : i32
      %mul3A_18 = arith.constant 10240 : i32
      %mul3A_19 = arith.muli %add3A_17, %mul3A_18 : i32
      "tpu.region"() ({
        %run_scoped3A = tpu.sem_alloc : memref<!tpu.dma_semaphore, #tpu.memory_space<semaphore_mem>>
        %dma_start3A_98 = arith.constant 0 : i32
        %dma_start3A_99 = tpu.memref_slice %arg3[%add3A_17, %arg1, %dma_start3A_98] : memref<8x16x5000xi32, #tpu.memory_space<hbm>> -> memref<1x1x5000xi32, #tpu.memory_space<hbm>>
        %dma_start3A_100 = tpu.memref_squeeze %dma_start3A_99 : memref<1x1x5000xi32, #tpu.memory_space<hbm>> -> memref<5000xi32, #tpu.memory_space<hbm>>
        %dma_start3A_101 = arith.constant 0 : i32
        %dma_start3A_102 = tpu.memref_slice %arg3[%add3A_17, %arg1, %dma_start3A_101] : memref<8x16x5000xi32, #tpu.memory_space<hbm>> -> memref<1x1x5000xi32, #tpu.memory_space<hbm>>
        %dma_start3A_103 = tpu.memref_squeeze %dma_start3A_102 : memref<1x1x5000xi32, #tpu.memory_space<hbm>> -> memref<5000xi32, #tpu.memory_space<hbm>>
        tpu.enqueue_dma source(%dma_start3A_103 : memref<5000xi32, #tpu.memory_space<hbm>>) target(%arg13 : memref<5000xi32, #tpu.memory_space<vmem>>) target_semaphore(%run_scoped3A : memref<!tpu.dma_semaphore, #tpu.memory_space<semaphore_mem>>)
        %dma_wait3A_104 = arith.constant 0 : i32
        %dma_wait3A_105 = tpu.memref_slice %arg3[%add3A_17, %arg1, %dma_wait3A_104] : memref<8x16x5000xi32, #tpu.memory_space<hbm>> -> memref<1x1x5000xi32, #tpu.memory_space<hbm>>
        %dma_wait3A_106 = tpu.memref_squeeze %dma_wait3A_105 : memref<1x1x5000xi32, #tpu.memory_space<hbm>> -> memref<5000xi32, #tpu.memory_space<hbm>>
        %dma_wait3A_107 = arith.constant 0 : i32
        %dma_wait3A_108 = tpu.memref_slice %arg3[%add3A_17, %arg1, %dma_wait3A_107] : memref<8x16x5000xi32, #tpu.memory_space<hbm>> -> memref<1x1x5000xi32, #tpu.memory_space<hbm>>
        %dma_wait3A_109 = tpu.memref_squeeze %dma_wait3A_108 : memref<1x1x5000xi32, #tpu.memory_space<hbm>> -> memref<5000xi32, #tpu.memory_space<hbm>>
        tpu.wait_dma2 semaphore(%run_scoped3A : memref<!tpu.dma_semaphore, #tpu.memory_space<semaphore_mem>>) src(%dma_wait3A_109 : memref<5000xi32, #tpu.memory_space<hbm>>) dst(%arg13 : memref<5000xi32, #tpu.memory_space<vmem>>)
        tpu.yield
      }) : () -> ()
      "tpu.region"() ({
        %run_scoped3A = tpu.sem_alloc : memref<!tpu.dma_semaphore, #tpu.memory_space<semaphore_mem>>
        %dma_start3A_98 = arith.constant 0 : i32
        %dma_start3A_99 = tpu.memref_slice %arg4[%add3A_17, %arg1, %dma_start3A_98] : memref<8x16x5000xi32, #tpu.memory_space<hbm>> -> memref<1x1x5000xi32, #tpu.memory_space<hbm>>
        %dma_start3A_100 = tpu.memref_squeeze %dma_start3A_99 : memref<1x1x5000xi32, #tpu.memory_space<hbm>> -> memref<5000xi32, #tpu.memory_space<hbm>>
        %dma_start3A_101 = arith.constant 0 : i32
        %dma_start3A_102 = tpu.memref_slice %arg4[%add3A_17, %arg1, %dma_start3A_101] : memref<8x16x5000xi32, #tpu.memory_space<hbm>> -> memref<1x1x5000xi32, #tpu.memory_space<hbm>>
        %dma_start3A_103 = tpu.memref_squeeze %dma_start3A_102 : memref<1x1x5000xi32, #tpu.memory_space<hbm>> -> memref<5000xi32, #tpu.memory_space<hbm>>
        tpu.enqueue_dma source(%dma_start3A_103 : memref<5000xi32, #tpu.memory_space<hbm>>) target(%arg14 : memref<5000xi32, #tpu.memory_space<vmem>>) target_semaphore(%run_scoped3A : memref<!tpu.dma_semaphore, #tpu.memory_space<semaphore_mem>>)
        %dma_wait3A_104 = arith.constant 0 : i32
        %dma_wait3A_105 = tpu.memref_slice %arg4[%add3A_17, %arg1, %dma_wait3A_104] : memref<8x16x5000xi32, #tpu.memory_space<hbm>> -> memref<1x1x5000xi32, #tpu.memory_space<hbm>>
        %dma_wait3A_106 = tpu.memref_squeeze %dma_wait3A_105 : memref<1x1x5000xi32, #tpu.memory_space<hbm>> -> memref<5000xi32, #tpu.memory_space<hbm>>
        %dma_wait3A_107 = arith.constant 0 : i32
        %dma_wait3A_108 = tpu.memref_slice %arg4[%add3A_17, %arg1, %dma_wait3A_107] : memref<8x16x5000xi32, #tpu.memory_space<hbm>> -> memref<1x1x5000xi32, #tpu.memory_space<hbm>>
        %dma_wait3A_109 = tpu.memref_squeeze %dma_wait3A_108 : memref<1x1x5000xi32, #tpu.memory_space<hbm>> -> memref<5000xi32, #tpu.memory_space<hbm>>
        tpu.wait_dma2 semaphore(%run_scoped3A : memref<!tpu.dma_semaphore, #tpu.memory_space<semaphore_mem>>) src(%dma_wait3A_109 : memref<5000xi32, #tpu.memory_space<hbm>>) dst(%arg14 : memref<5000xi32, #tpu.memory_space<vmem>>)
        tpu.yield
      }) : () -> ()
      "tpu.region"() ({
        %run_scoped3A = tpu.sem_alloc : memref<!tpu.dma_semaphore, #tpu.memory_space<semaphore_mem>>
        %dma_start3A_98 = arith.constant 0 : i32
        %dma_start3A_99 = tpu.memref_slice %arg16[%dma_start3A_98] : memref<2512xf32, #tpu.memory_space<vmem>> -> memref<2496xf32, #tpu.memory_space<vmem>>
        %dma_start3A_100 = arith.constant 0 : i32
        %dma_start3A_101 = tpu.memref_slice %arg14[%dma_start3A_100] : memref<5000xi32, #tpu.memory_space<vmem>> -> memref<2496xi32, #tpu.memory_space<vmem>>
        %dma_start3A_102 = arith.constant 0 : i32
        %dma_start3A_103 = tpu.memref_slice %arg11[%dma_start3A_102] : memref<10240xf32, #tpu.memory_space<vmem_shared>> -> memref<10240xf32, #tpu.memory_space<vmem_shared>>
        tpu.enqueue_indirect_dma source(%dma_start3A_99 : memref<2496xf32, #tpu.memory_space<vmem>>) target(%dma_start3A_103 : memref<10240xf32, #tpu.memory_space<vmem_shared>>) offsets(%dma_start3A_101 : memref<2496xi32, #tpu.memory_space<vmem>>) semaphore(%run_scoped3A : memref<!tpu.dma_semaphore, #tpu.memory_space<semaphore_mem>>) {add = true}
        %dma_wait3A_104 = arith.constant 0 : i32
        %dma_wait3A_105 = tpu.memref_slice %arg16[%dma_wait3A_104] : memref<2512xf32, #tpu.memory_space<vmem>> -> memref<2496xf32, #tpu.memory_space<vmem>>
        %dma_wait3A_106 = arith.constant 0 : i32
        %dma_wait3A_107 = tpu.memref_slice %arg14[%dma_wait3A_106] : memref<5000xi32, #tpu.memory_space<vmem>> -> memref<2496xi32, #tpu.memory_space<vmem>>
        %dma_wait3A_108 = arith.constant 0 : i32
        %dma_wait3A_109 = tpu.memref_slice %arg11[%dma_wait3A_108] : memref<10240xf32, #tpu.memory_space<vmem_shared>> -> memref<10240xf32, #tpu.memory_space<vmem_shared>>
        tpu.wait_indirect_dma semaphore(%run_scoped3A : memref<!tpu.dma_semaphore, #tpu.memory_space<semaphore_mem>>) src(%dma_wait3A_105 : memref<2496xf32, #tpu.memory_space<vmem>>) dst(%dma_wait3A_109 : memref<10240xf32, #tpu.memory_space<vmem_shared>>)
        tpu.yield
      }) : () -> ()
      "tpu.region"() ({
        %run_scoped3A = tpu.sem_alloc : memref<!tpu.dma_semaphore, #tpu.memory_space<semaphore_mem>>
        %dma_start3A_98 = arith.constant 0 : i32
        %dma_start3A_99 = tpu.memref_slice %arg16[%dma_start3A_98] : memref<2512xf32, #tpu.memory_space<vmem>> -> memref<2504xf32, #tpu.memory_space<vmem>>
        %dma_start3A_100 = arith.constant 2496 : i32
        %dma_start3A_101 = tpu.memref_slice %arg14[%dma_start3A_100] : memref<5000xi32, #tpu.memory_space<vmem>> -> memref<2504xi32, #tpu.memory_space<vmem>>
        %dma_start3A_102 = arith.constant 0 : i32
        %dma_start3A_103 = tpu.memref_slice %arg11[%dma_start3A_102] : memref<10240xf32, #tpu.memory_space<vmem_shared>> -> memref<10240xf32, #tpu.memory_space<vmem_shared>>
        tpu.enqueue_indirect_dma source(%dma_start3A_99 : memref<2504xf32, #tpu.memory_space<vmem>>) target(%dma_start3A_103 : memref<10240xf32, #tpu.memory_space<vmem_shared>>) offsets(%dma_start3A_101 : memref<2504xi32, #tpu.memory_space<vmem>>) semaphore(%run_scoped3A : memref<!tpu.dma_semaphore, #tpu.memory_space<semaphore_mem>>) {add = true}
        %dma_wait3A_104 = arith.constant 0 : i32
        %dma_wait3A_105 = tpu.memref_slice %arg16[%dma_wait3A_104] : memref<2512xf32, #tpu.memory_space<vmem>> -> memref<2504xf32, #tpu.memory_space<vmem>>
        %dma_wait3A_106 = arith.constant 2496 : i32
        %dma_wait3A_107 = tpu.memref_slice %arg14[%dma_wait3A_106] : memref<5000xi32, #tpu.memory_space<vmem>> -> memref<2504xi32, #tpu.memory_space<vmem>>
        %dma_wait3A_108 = arith.constant 0 : i32
        %dma_wait3A_109 = tpu.memref_slice %arg11[%dma_wait3A_108] : memref<10240xf32, #tpu.memory_space<vmem_shared>> -> memref<10240xf32, #tpu.memory_space<vmem_shared>>
        tpu.wait_indirect_dma semaphore(%run_scoped3A : memref<!tpu.dma_semaphore, #tpu.memory_space<semaphore_mem>>) src(%dma_wait3A_105 : memref<2504xf32, #tpu.memory_space<vmem>>) dst(%dma_wait3A_109 : memref<10240xf32, #tpu.memory_space<vmem_shared>>)
        tpu.yield
      }) : () -> ()
      %scan3A_20 = arith.constant 0 : i32
      %scan3A_21 = arith.constant 39 : i32
      %scan3A_22 = arith.addi %scan3A_20, %scan3A_21 : i32
      %scan3A_23 = arith.constant 1 : i32
      scf.for %scan3A_98 = %scan3A_20 to %scan3A_22 step %scan3A_23  : i32 {
        %mul3A_99 = arith.constant 1 : i32
        %mul3A_100 = arith.muli %scan3A_98, %mul3A_99 : i32
        %add3A_101 = arith.constant 0 : i32
        %add3A_102 = arith.addi %add3A_101, %mul3A_100 : i32
        %mul3A_103 = arith.constant 128 : i32
        %mul3A_104 = arith.muli %add3A_102, %mul3A_103 : i32
        %dma_start3A_105 = tpu.memref_slice %arg13[%mul3A_104] : memref<5000xi32, #tpu.memory_space<vmem>> -> memref<128xi32, #tpu.memory_space<vmem>>
        %dma_start3A_106 = arith.constant 0 : i32
        %dma_start3A_107 = arith.constant 0 : i32
        %dma_start3A_108 = tpu.memref_slice %arg2[%dma_start3A_106, %dma_start3A_107] : memref<81920x128xf32, #tpu.memory_space<hbm>> -> memref<81920x128xf32, #tpu.memory_space<hbm>>
        tpu.enqueue_indirect_dma source(%dma_start3A_108 : memref<81920x128xf32, #tpu.memory_space<hbm>>) target(%arg15 : memref<128x128xf32, #tpu.memory_space<vmem>>) offsets(%dma_start3A_105 : memref<128xi32, #tpu.memory_space<vmem>>) semaphore(%arg19 : memref<!tpu.dma_semaphore, #tpu.memory_space<semaphore_mem>>)
        %dma_wait3A_109 = tpu.memref_slice %arg13[%mul3A_104] : memref<5000xi32, #tpu.memory_space<vmem>> -> memref<128xi32, #tpu.memory_space<vmem>>
        %dma_wait3A_110 = arith.constant 0 : i32
        %dma_wait3A_111 = arith.constant 0 : i32
        %dma_wait3A_112 = tpu.memref_slice %arg2[%dma_wait3A_110, %dma_wait3A_111] : memref<81920x128xf32, #tpu.memory_space<hbm>> -> memref<81920x128xf32, #tpu.memory_space<hbm>>
        tpu.wait_indirect_dma semaphore(%arg19 : memref<!tpu.dma_semaphore, #tpu.memory_space<semaphore_mem>>) src(%dma_wait3A_112 : memref<81920x128xf32, #tpu.memory_space<hbm>>) dst(%arg15 : memref<128x128xf32, #tpu.memory_space<vmem>>)
        %mul3A_113 = arith.constant 128 : i32
        %mul3A_114 = arith.muli %add3A_102, %mul3A_113 : i32
        "tpu.region"() ({
          %run_scoped3A = tpu.sem_alloc : memref<!tpu.dma_semaphore, #tpu.memory_space<semaphore_mem>>
          %dma_start3A_115 = tpu.memref_slice %arg14[%mul3A_114] : memref<5000xi32, #tpu.memory_space<vmem>> -> memref<128xi32, #tpu.memory_space<vmem>>
          %dma_start3A_116 = arith.constant 0 : i32
          %dma_start3A_117 = arith.constant 0 : i32
          %dma_start3A_118 = tpu.memref_slice %arg10[%dma_start3A_116, %dma_start3A_117] : memref<10240x128xf32, #tpu.memory_space<vmem_shared>> -> memref<10240x128xf32, #tpu.memory_space<vmem_shared>>
          tpu.enqueue_indirect_dma source(%arg15 : memref<128x128xf32, #tpu.memory_space<vmem>>) target(%dma_start3A_118 : memref<10240x128xf32, #tpu.memory_space<vmem_shared>>) offsets(%dma_start3A_115 : memref<128xi32, #tpu.memory_space<vmem>>) semaphore(%run_scoped3A : memref<!tpu.dma_semaphore, #tpu.memory_space<semaphore_mem>>) {add = true}
          %dma_wait3A_119 = tpu.memref_slice %arg14[%mul3A_114] : memref<5000xi32, #tpu.memory_space<vmem>> -> memref<128xi32, #tpu.memory_space<vmem>>
          %dma_wait3A_120 = arith.constant 0 : i32
          %dma_wait3A_121 = arith.constant 0 : i32
          %dma_wait3A_122 = tpu.memref_slice %arg10[%dma_wait3A_120, %dma_wait3A_121] : memref<10240x128xf32, #tpu.memory_space<vmem_shared>> -> memref<10240x128xf32, #tpu.memory_space<vmem_shared>>
          tpu.wait_indirect_dma semaphore(%run_scoped3A : memref<!tpu.dma_semaphore, #tpu.memory_space<semaphore_mem>>) src(%arg15 : memref<128x128xf32, #tpu.memory_space<vmem>>) dst(%dma_wait3A_122 : memref<10240x128xf32, #tpu.memory_space<vmem_shared>>)
          tpu.yield
        }) : () -> ()
      }
      %scan3A_24 = arith.constant 39 : i32
      %dma_start3A = arith.constant 0 : i32
      %dma_start3A_25 = arith.constant 0 : i32
      %dma_start3A_26 = tpu.memref_slice %arg15[%dma_start3A, %dma_start3A_25] : memref<128x128xf32, #tpu.memory_space<vmem>> -> memref<8x128xf32, #tpu.memory_space<vmem>>
      %dma_start3A_27 = arith.constant 4992 : i32
      %dma_start3A_28 = tpu.memref_slice %arg13[%dma_start3A_27] : memref<5000xi32, #tpu.memory_space<vmem>> -> memref<8xi32, #tpu.memory_space<vmem>>
      %dma_start3A_29 = arith.constant 0 : i32
      %dma_start3A_30 = arith.constant 0 : i32
      %dma_start3A_31 = tpu.memref_slice %arg2[%dma_start3A_29, %dma_start3A_30] : memref<81920x128xf32, #tpu.memory_space<hbm>> -> memref<81920x128xf32, #tpu.memory_space<hbm>>
      tpu.enqueue_indirect_dma source(%dma_start3A_31 : memref<81920x128xf32, #tpu.memory_space<hbm>>) target(%dma_start3A_26 : memref<8x128xf32, #tpu.memory_space<vmem>>) offsets(%dma_start3A_28 : memref<8xi32, #tpu.memory_space<vmem>>) semaphore(%arg19 : memref<!tpu.dma_semaphore, #tpu.memory_space<semaphore_mem>>)
      %dma_wait3A = arith.constant 0 : i32
      %dma_wait3A_32 = arith.constant 0 : i32
      %dma_wait3A_33 = tpu.memref_slice %arg15[%dma_wait3A, %dma_wait3A_32] : memref<128x128xf32, #tpu.memory_space<vmem>> -> memref<8x128xf32, #tpu.memory_space<vmem>>
      %dma_wait3A_34 = arith.constant 4992 : i32
      %dma_wait3A_35 = tpu.memref_slice %arg13[%dma_wait3A_34] : memref<5000xi32, #tpu.memory_space<vmem>> -> memref<8xi32, #tpu.memory_space<vmem>>
      %dma_wait3A_36 = arith.constant 0 : i32
      %dma_wait3A_37 = arith.constant 0 : i32
      %dma_wait3A_38 = tpu.memref_slice %arg2[%dma_wait3A_36, %dma_wait3A_37] : memref<81920x128xf32, #tpu.memory_space<hbm>> -> memref<81920x128xf32, #tpu.memory_space<hbm>>
      tpu.wait_indirect_dma semaphore(%arg19 : memref<!tpu.dma_semaphore, #tpu.memory_space<semaphore_mem>>) src(%dma_wait3A_38 : memref<81920x128xf32, #tpu.memory_space<hbm>>) dst(%dma_wait3A_33 : memref<8x128xf32, #tpu.memory_space<vmem>>)
      "tpu.region"() ({
        %run_scoped3A = tpu.sem_alloc : memref<!tpu.dma_semaphore, #tpu.memory_space<semaphore_mem>>
        %dma_start3A_98 = arith.constant 0 : i32
        %dma_start3A_99 = arith.constant 0 : i32
        %dma_start3A_100 = tpu.memref_slice %arg15[%dma_start3A_98, %dma_start3A_99] : memref<128x128xf32, #tpu.memory_space<vmem>> -> memref<8x128xf32, #tpu.memory_space<vmem>>
        %dma_start3A_101 = arith.constant 4992 : i32
        %dma_start3A_102 = tpu.memref_slice %arg14[%dma_start3A_101] : memref<5000xi32, #tpu.memory_space<vmem>> -> memref<8xi32, #tpu.memory_space<vmem>>
        %dma_start3A_103 = arith.constant 0 : i32
        %dma_start3A_104 = arith.constant 0 : i32
        %dma_start3A_105 = tpu.memref_slice %arg10[%dma_start3A_103, %dma_start3A_104] : memref<10240x128xf32, #tpu.memory_space<vmem_shared>> -> memref<10240x128xf32, #tpu.memory_space<vmem_shared>>
        tpu.enqueue_indirect_dma source(%dma_start3A_100 : memref<8x128xf32, #tpu.memory_space<vmem>>) target(%dma_start3A_105 : memref<10240x128xf32, #tpu.memory_space<vmem_shared>>) offsets(%dma_start3A_102 : memref<8xi32, #tpu.memory_space<vmem>>) semaphore(%run_scoped3A : memref<!tpu.dma_semaphore, #tpu.memory_space<semaphore_mem>>) {add = true}
        %dma_wait3A_106 = arith.constant 0 : i32
        %dma_wait3A_107 = arith.constant 0 : i32
        %dma_wait3A_108 = tpu.memref_slice %arg15[%dma_wait3A_106, %dma_wait3A_107] : memref<128x128xf32, #tpu.memory_space<vmem>> -> memref<8x128xf32, #tpu.memory_space<vmem>>
        %dma_wait3A_109 = arith.constant 4992 : i32
        %dma_wait3A_110 = tpu.memref_slice %arg14[%dma_wait3A_109] : memref<5000xi32, #tpu.memory_space<vmem>> -> memref<8xi32, #tpu.memory_space<vmem>>
        %dma_wait3A_111 = arith.constant 0 : i32
        %dma_wait3A_112 = arith.constant 0 : i32
        %dma_wait3A_113 = tpu.memref_slice %arg10[%dma_wait3A_111, %dma_wait3A_112] : memref<10240x128xf32, #tpu.memory_space<vmem_shared>> -> memref<10240x128xf32, #tpu.memory_space<vmem_shared>>
        tpu.wait_indirect_dma semaphore(%run_scoped3A : memref<!tpu.dma_semaphore, #tpu.memory_space<semaphore_mem>>) src(%dma_wait3A_108 : memref<8x128xf32, #tpu.memory_space<vmem>>) dst(%dma_wait3A_113 : memref<10240x128xf32, #tpu.memory_space<vmem_shared>>)
        tpu.yield
      }) : () -> ()
      %broadcast_in_dim3A_39 = vector.broadcast %mul3A_19 : i32 to vector<16xi32>
      %scan3A_40 = arith.constant 0 : i32
      %scan3A_41 = arith.constant 312 : i32
      %scan3A_42 = arith.addi %scan3A_40, %scan3A_41 : i32
      %scan3A_43 = arith.constant 1 : i32
      scf.for %scan3A_98 = %scan3A_40 to %scan3A_42 step %scan3A_43  : i32 {
        %mul3A_99 = arith.constant 1 : i32
        %mul3A_100 = arith.muli %scan3A_98, %mul3A_99 : i32
        %add3A_101 = arith.constant 0 : i32
        %add3A_102 = arith.addi %add3A_101, %mul3A_100 : i32
        %mul3A_103 = arith.constant 16 : i32
        %mul3A_104 = arith.muli %add3A_102, %mul3A_103 : i32
        %get3A_105 = arith.index_cast %mul3A_104 : i32 to index
        %get3A_106 = tpu.vector_load %arg13[%get3A_105] {strides = array<i32>} : memref<5000xi32, #tpu.memory_space<vmem>>, vector<16xi32>,
        %get3A_107 = vector.shape_cast %get3A_106 : vector<16xi32> to vector<16xi32>
        %sub3A_108 = arith.subi %get3A_107, %broadcast_in_dim3A_39 : vector<16xi32>
        %mul3A_109 = arith.constant 16 : i32
        %mul3A_110 = arith.muli %add3A_102, %mul3A_109 : i32
        %swap3A_111 = arith.index_cast %mul3A_110 : i32 to index
        %swap3A_112 = tpu.vector_load %arg13[%swap3A_111] {strides = array<i32>} : memref<5000xi32, #tpu.memory_space<vmem>>, vector<16xi32>,
        %swap3A_113 = vector.shape_cast %swap3A_112 : vector<16xi32> to vector<16xi32>
        %swap3A_114 = vector.shape_cast %sub3A_108 : vector<16xi32> to vector<16xi32>
        tpu.vector_store %arg13[%swap3A_111], %swap3A_114 {strides = array<i32>} : memref<5000xi32, #tpu.memory_space<vmem>>, vector<16xi32>,
        %mul3A_115 = arith.constant 16 : i32
        %mul3A_116 = arith.muli %add3A_102, %mul3A_115 : i32
        %get3A_117 = arith.index_cast %mul3A_116 : i32 to index
        %get3A_118 = tpu.vector_load %arg14[%get3A_117] {strides = array<i32>} : memref<5000xi32, #tpu.memory_space<vmem>>, vector<16xi32>,
        %get3A_119 = vector.shape_cast %get3A_118 : vector<16xi32> to vector<16xi32>
        %add3A_120 = arith.addi %get3A_119, %broadcast_in_dim3A_39 : vector<16xi32>
        %mul3A_121 = arith.constant 16 : i32
        %mul3A_122 = arith.muli %add3A_102, %mul3A_121 : i32
        %swap3A_123 = arith.index_cast %mul3A_122 : i32 to index
        %swap3A_124 = tpu.vector_load %arg14[%swap3A_123] {strides = array<i32>} : memref<5000xi32, #tpu.memory_space<vmem>>, vector<16xi32>,
        %swap3A_125 = vector.shape_cast %swap3A_124 : vector<16xi32> to vector<16xi32>
        %swap3A_126 = vector.shape_cast %add3A_120 : vector<16xi32> to vector<16xi32>
        tpu.vector_store %arg14[%swap3A_123], %swap3A_126 {strides = array<i32>} : memref<5000xi32, #tpu.memory_space<vmem>>, vector<16xi32>,
      }
      %scan3A_44 = arith.constant 312 : i32
      %iota3A = tpu.iota {dimensions = array<i32: 0>} : vector<16xi32>
      %ge3A = arith.constant 8 : i32
      %ge3A_45 = vector.broadcast %ge3A : i32 to vector<16xi32>
      %ge3A_46 = arith.cmpi sge, %iota3A, %ge3A_45 : vector<16xi32>
      %get3A = arith.constant 4984 : index
      %get3A_47 = tpu.vector_load %arg13[%get3A] {strides = array<i32>} : memref<5000xi32, #tpu.memory_space<vmem>>, vector<16xi32>,
      %get3A_48 = vector.shape_cast %get3A_47 : vector<16xi32> to vector<16xi32>
      %sub3A = arith.subi %get3A_48, %broadcast_in_dim3A_39 : vector<16xi32>
      %select_n3A = arith.select %ge3A_46, %sub3A, %get3A_48 : vector<16xi1>, vector<16xi32>
      %swap3A = arith.constant 4984 : index
      %swap3A_49 = tpu.vector_load %arg13[%swap3A] {strides = array<i32>} : memref<5000xi32, #tpu.memory_space<vmem>>, vector<16xi32>,
      %swap3A_50 = vector.shape_cast %swap3A_49 : vector<16xi32> to vector<16xi32>
      %swap3A_51 = vector.shape_cast %select_n3A : vector<16xi32> to vector<16xi32>
      tpu.vector_store %arg13[%swap3A], %swap3A_51 {strides = array<i32>} : memref<5000xi32, #tpu.memory_space<vmem>>, vector<16xi32>,
      %get3A_52 = arith.constant 4984 : index
      %get3A_53 = tpu.vector_load %arg14[%get3A_52] {strides = array<i32>} : memref<5000xi32, #tpu.memory_space<vmem>>, vector<16xi32>,
      %get3A_54 = vector.shape_cast %get3A_53 : vector<16xi32> to vector<16xi32>
      %add3A_55 = arith.addi %get3A_54, %broadcast_in_dim3A_39 : vector<16xi32>
      %select_n3A_56 = arith.select %ge3A_46, %add3A_55, %get3A_54 : vector<16xi1>, vector<16xi32>
      %swap3A_57 = arith.constant 4984 : index
      %swap3A_58 = tpu.vector_load %arg14[%swap3A_57] {strides = array<i32>} : memref<5000xi32, #tpu.memory_space<vmem>>, vector<16xi32>,
      %swap3A_59 = vector.shape_cast %swap3A_58 : vector<16xi32> to vector<16xi32>
      %swap3A_60 = vector.shape_cast %select_n3A_56 : vector<16xi32> to vector<16xi32>
      tpu.vector_store %arg14[%swap3A_57], %swap3A_60 {strides = array<i32>} : memref<5000xi32, #tpu.memory_space<vmem>>, vector<16xi32>,
      %barrier3A_61 = arith.constant 0 : index
      tpu.barrier barrier_id(%barrier3A_61)
      "tpu.region"() ({
        %run_scoped3A = tpu.sem_alloc : memref<!tpu.dma_semaphore, #tpu.memory_space<semaphore_mem>>
        %dma_start3A_98 = tpu.memref_slice %arg11[%mul3A_0] : memref<10240xf32, #tpu.memory_space<vmem_shared>> -> memref<640xf32, #tpu.memory_space<vmem_shared>>
        %dma_start3A_99 = tpu.memref_slice %arg11[%mul3A_0] : memref<10240xf32, #tpu.memory_space<vmem_shared>> -> memref<640xf32, #tpu.memory_space<vmem_shared>>
        tpu.enqueue_dma source(%dma_start3A_99 : memref<640xf32, #tpu.memory_space<vmem_shared>>) target(%arg18 : memref<640xf32, #tpu.memory_space<vmem>>) target_semaphore(%run_scoped3A : memref<!tpu.dma_semaphore, #tpu.memory_space<semaphore_mem>>)
        %dma_wait3A_100 = tpu.memref_slice %arg11[%mul3A_0] : memref<10240xf32, #tpu.memory_space<vmem_shared>> -> memref<640xf32, #tpu.memory_space<vmem_shared>>
        %dma_wait3A_101 = tpu.memref_slice %arg11[%mul3A_0] : memref<10240xf32, #tpu.memory_space<vmem_shared>> -> memref<640xf32, #tpu.memory_space<vmem_shared>>
        tpu.wait_dma2 semaphore(%run_scoped3A : memref<!tpu.dma_semaphore, #tpu.memory_space<semaphore_mem>>) src(%dma_wait3A_101 : memref<640xf32, #tpu.memory_space<vmem_shared>>) dst(%arg18 : memref<640xf32, #tpu.memory_space<vmem>>)
        tpu.yield
      }) : () -> ()
      %scan3A_62 = arith.constant 0 : i32
      %scan3A_63 = arith.constant 40 : i32
      %scan3A_64 = arith.addi %scan3A_62, %scan3A_63 : i32
      %scan3A_65 = arith.constant 1 : i32
      scf.for %scan3A_98 = %scan3A_62 to %scan3A_64 step %scan3A_65  : i32 {
        %mul3A_99 = arith.constant 1 : i32
        %mul3A_100 = arith.muli %scan3A_98, %mul3A_99 : i32
        %add3A_101 = arith.constant 0 : i32
        %add3A_102 = arith.addi %add3A_101, %mul3A_100 : i32
        %mul3A_103 = arith.constant 16 : i32
        %mul3A_104 = arith.muli %add3A_102, %mul3A_103 : i32
        %get3A_105 = arith.index_cast %mul3A_104 : i32 to index
        %get3A_106 = tpu.vector_load %arg18[%get3A_105] {strides = array<i32>} : memref<640xf32, #tpu.memory_space<vmem>>, vector<16xf32>,
        %get3A_107 = vector.shape_cast %get3A_106 : vector<16xf32> to vector<16xf32>
        %max3A = arith.constant 1.000000e+00 : f32
        %max3A_108 = vector.broadcast %max3A : f32 to vector<16xf32>
        %max3A_109 = arith.maximumf %get3A_107, %max3A_108 : vector<16xf32>
        %div3A = arith.constant 1.000000e+00 : f32
        %div3A_110 = vector.broadcast %div3A : f32 to vector<16xf32>
        %div3A_111 = arith.divf %div3A_110, %max3A_109 : vector<16xf32>
        %mul3A_112 = arith.constant 16 : i32
        %mul3A_113 = arith.muli %add3A_102, %mul3A_112 : i32
        %swap3A_114 = arith.index_cast %mul3A_113 : i32 to index
        %swap3A_115 = tpu.vector_load %arg18[%swap3A_114] {strides = array<i32>} : memref<640xf32, #tpu.memory_space<vmem>>, vector<16xf32>,
        %swap3A_116 = vector.shape_cast %swap3A_115 : vector<16xf32> to vector<16xf32>
        %swap3A_117 = vector.shape_cast %div3A_111 : vector<16xf32> to vector<16xf32>
        tpu.vector_store %arg18[%swap3A_114], %swap3A_117 {strides = array<i32>} : memref<640xf32, #tpu.memory_space<vmem>>, vector<16xf32>,
      }
      %scan3A_66 = arith.constant 40 : i32
      %scan3A_67 = arith.constant 0 : i32
      %scan3A_68 = arith.constant 20 : i32
      %scan3A_69 = arith.addi %scan3A_67, %scan3A_68 : i32
      %scan3A_70 = arith.constant 1 : i32
      scf.for %scan3A_98 = %scan3A_67 to %scan3A_69 step %scan3A_70  : i32 {
        %mul3A_99 = arith.constant 1 : i32
        %mul3A_100 = arith.muli %scan3A_98, %mul3A_99 : i32
        %add3A_101 = arith.constant 0 : i32
        %add3A_102 = arith.addi %add3A_101, %mul3A_100 : i32
        %mul3A_103 = arith.constant 32 : i32
        %mul3A_104 = arith.muli %add3A_102, %mul3A_103 : i32
        %add3A_105 = arith.addi %mul3A_0, %mul3A_104 : i32
        "tpu.region"() ({
          %run_scoped3A = tpu.sem_alloc : memref<!tpu.dma_semaphore, #tpu.memory_space<semaphore_mem>>
          %dma_start3A_115 = arith.constant 0 : i32
          %dma_start3A_116 = tpu.memref_slice %arg10[%add3A_105, %dma_start3A_115] : memref<10240x128xf32, #tpu.memory_space<vmem_shared>> -> memref<32x128xf32, #tpu.memory_space<vmem_shared>>
          %dma_start3A_117 = arith.constant 0 : i32
          %dma_start3A_118 = tpu.memref_slice %arg10[%add3A_105, %dma_start3A_117] : memref<10240x128xf32, #tpu.memory_space<vmem_shared>> -> memref<32x128xf32, #tpu.memory_space<vmem_shared>>
          tpu.enqueue_dma source(%dma_start3A_118 : memref<32x128xf32, #tpu.memory_space<vmem_shared>>) target(%arg17 : memref<32x128xf32, #tpu.memory_space<vmem>>) target_semaphore(%run_scoped3A : memref<!tpu.dma_semaphore, #tpu.memory_space<semaphore_mem>>)
          %dma_wait3A_119 = arith.constant 0 : i32
          %dma_wait3A_120 = tpu.memref_slice %arg10[%add3A_105, %dma_wait3A_119] : memref<10240x128xf32, #tpu.memory_space<vmem_shared>> -> memref<32x128xf32, #tpu.memory_space<vmem_shared>>
          %dma_wait3A_121 = arith.constant 0 : i32
          %dma_wait3A_122 = tpu.memref_slice %arg10[%add3A_105, %dma_wait3A_121] : memref<10240x128xf32, #tpu.memory_space<vmem_shared>> -> memref<32x128xf32, #tpu.memory_space<vmem_shared>>
          tpu.wait_dma2 semaphore(%run_scoped3A : memref<!tpu.dma_semaphore, #tpu.memory_space<semaphore_mem>>) src(%dma_wait3A_122 : memref<32x128xf32, #tpu.memory_space<vmem_shared>>) dst(%arg17 : memref<32x128xf32, #tpu.memory_space<vmem>>)
          tpu.yield
        }) : () -> ()
        %scan3A_106 = arith.constant 0 : i32
        %scan3A_107 = arith.constant 2 : i32
        %scan3A_108 = arith.addi %scan3A_106, %scan3A_107 : i32
        %scan3A_109 = arith.constant 1 : i32
        scf.for %scan3A_115 = %scan3A_106 to %scan3A_108 step %scan3A_109  : i32 {
          %mul3A_116 = arith.constant 1 : i32
          %mul3A_117 = arith.muli %scan3A_115, %mul3A_116 : i32
          %add3A_118 = arith.constant 0 : i32
          %add3A_119 = arith.addi %add3A_118, %mul3A_117 : i32
          %mul3A_120 = arith.constant 32 : i32
          %mul3A_121 = arith.muli %add3A_102, %mul3A_120 : i32
          %mul3A_122 = arith.constant 16 : i32
          %mul3A_123 = arith.muli %add3A_119, %mul3A_122 : i32
          %add3A_124 = arith.addi %mul3A_121, %mul3A_123 : i32
          %get3A_125 = arith.index_cast %add3A_124 : i32 to index
          %get3A_126 = tpu.vector_load %arg18[%get3A_125] {strides = array<i32>} : memref<640xf32, #tpu.memory_space<vmem>>, vector<16xf32>,
          %get3A_127 = vector.shape_cast %get3A_126 : vector<16xf32> to vector<16xf32>
          %slice3A = vector.extract_strided_slice %get3A_127 {offsets = [0], sizes = [1], strides = [1]} : vector<16xf32> to vector<1xf32>
          %squeeze3A = vector.extract %slice3A[0] : f32 from vector<1xf32>
          %broadcast_in_dim3A_128 = vector.broadcast %squeeze3A : f32 to vector<16xf32>
          %mul3A_129 = arith.constant 16 : i32
          %mul3A_130 = arith.muli %add3A_119, %mul3A_129 : i32
          %add3A_131 = arith.constant 0 : i32
          %add3A_132 = arith.addi %mul3A_130, %add3A_131 : i32
          %get3A_133 = arith.index_cast %add3A_132 : i32 to index
          %get3A_134 = arith.constant 0 : index
          %get3A_135 = tpu.vector_load %arg17[%get3A_133, %get3A_134] {strides = array<i32>} : memref<32x128xf32, #tpu.memory_space<vmem>>, vector<1x16xf32>,
          %get3A_136 = vector.shape_cast %get3A_135 : vector<1x16xf32> to vector<16xf32>
          %mul3A_137 = arith.mulf %get3A_136, %broadcast_in_dim3A_128 : vector<16xf32>
          %swap3A_138 = arith.index_cast %add3A_132 : i32 to index
          %swap3A_139 = arith.constant 0 : index
          %swap3A_140 = tpu.vector_load %arg17[%swap3A_138, %swap3A_139] {strides = array<i32>} : memref<32x128xf32, #tpu.memory_space<vmem>>, vector<1x16xf32>,
          %swap3A_141 = vector.shape_cast %swap3A_140 : vector<1x16xf32> to vector<16xf32>
          %swap3A_142 = vector.shape_cast %mul3A_137 : vector<16xf32> to vector<1x16xf32>
          tpu.vector_store %arg17[%swap3A_138, %swap3A_139], %swap3A_142 {strides = array<i32>} : memref<32x128xf32, #tpu.memory_space<vmem>>, vector<1x16xf32>,
          %get3A_143 = arith.index_cast %add3A_132 : i32 to index
          %get3A_144 = arith.constant 16 : index
          %get3A_145 = tpu.vector_load %arg17[%get3A_143, %get3A_144] {strides = array<i32>} : memref<32x128xf32, #tpu.memory_space<vmem>>, vector<1x16xf32>,
          %get3A_146 = vector.shape_cast %get3A_145 : vector<1x16xf32> to vector<16xf32>
          %mul3A_147 = arith.mulf %get3A_146, %broadcast_in_dim3A_128 : vector<16xf32>
          %swap3A_148 = arith.index_cast %add3A_132 : i32 to index
          %swap3A_149 = arith.constant 16 : index
          %swap3A_150 = tpu.vector_load %arg17[%swap3A_148, %swap3A_149] {strides = array<i32>} : memref<32x128xf32, #tpu.memory_space<vmem>>, vector<1x16xf32>,
          %swap3A_151 = vector.shape_cast %swap3A_150 : vector<1x16xf32> to vector<16xf32>
          %swap3A_152 = vector.shape_cast %mul3A_147 : vector<16xf32> to vector<1x16xf32>
          tpu.vector_store %arg17[%swap3A_148, %swap3A_149], %swap3A_152 {strides = array<i32>} : memref<32x128xf32, #tpu.memory_space<vmem>>, vector<1x16xf32>,
          %get3A_153 = arith.index_cast %add3A_132 : i32 to index
          %get3A_154 = arith.constant 32 : index
          %get3A_155 = tpu.vector_load %arg17[%get3A_153, %get3A_154] {strides = array<i32>} : memref<32x128xf32, #tpu.memory_space<vmem>>, vector<1x16xf32>,
          %get3A_156 = vector.shape_cast %get3A_155 : vector<1x16xf32> to vector<16xf32>
          %mul3A_157 = arith.mulf %get3A_156, %broadcast_in_dim3A_128 : vector<16xf32>
          %swap3A_158 = arith.index_cast %add3A_132 : i32 to index
          %swap3A_159 = arith.constant 32 : index
          %swap3A_160 = tpu.vector_load %arg17[%swap3A_158, %swap3A_159] {strides = array<i32>} : memref<32x128xf32, #tpu.memory_space<vmem>>, vector<1x16xf32>,
          %swap3A_161 = vector.shape_cast %swap3A_160 : vector<1x16xf32> to vector<16xf32>
          %swap3A_162 = vector.shape_cast %mul3A_157 : vector<16xf32> to vector<1x16xf32>
          tpu.vector_store %arg17[%swap3A_158, %swap3A_159], %swap3A_162 {strides = array<i32>} : memref<32x128xf32, #tpu.memory_space<vmem>>, vector<1x16xf32>,
          %get3A_163 = arith.index_cast %add3A_132 : i32 to index
          %get3A_164 = arith.constant 48 : index
          %get3A_165 = tpu.vector_load %arg17[%get3A_163, %get3A_164] {strides = array<i32>} : memref<32x128xf32, #tpu.memory_space<vmem>>, vector<1x16xf32>,
          %get3A_166 = vector.shape_cast %get3A_165 : vector<1x16xf32> to vector<16xf32>
          %mul3A_167 = arith.mulf %get3A_166, %broadcast_in_dim3A_128 : vector<16xf32>
          %swap3A_168 = arith.index_cast %add3A_132 : i32 to index
          %swap3A_169 = arith.constant 48 : index
          %swap3A_170 = tpu.vector_load %arg17[%swap3A_168, %swap3A_169] {strides = array<i32>} : memref<32x128xf32, #tpu.memory_space<vmem>>, vector<1x16xf32>,
          %swap3A_171 = vector.shape_cast %swap3A_170 : vector<1x16xf32> to vector<16xf32>
          %swap3A_172 = vector.shape_cast %mul3A_167 : vector<16xf32> to vector<1x16xf32>
          tpu.vector_store %arg17[%swap3A_168, %swap3A_169], %swap3A_172 {strides = array<i32>} : memref<32x128xf32, #tpu.memory_space<vmem>>, vector<1x16xf32>,
          %get3A_173 = arith.index_cast %add3A_132 : i32 to index
          %get3A_174 = arith.constant 64 : index
          %get3A_175 = tpu.vector_load %arg17[%get3A_173, %get3A_174] {strides = array<i32>} : memref<32x128xf32, #tpu.memory_space<vmem>>, vector<1x16xf32>,
          %get3A_176 = vector.shape_cast %get3A_175 : vector<1x16xf32> to vector<16xf32>
          %mul3A_177 = arith.mulf %get3A_176, %broadcast_in_dim3A_128 : vector<16xf32>
          %swap3A_178 = arith.index_cast %add3A_132 : i32 to index
          %swap3A_179 = arith.constant 64 : index
          %swap3A_180 = tpu.vector_load %arg17[%swap3A_178, %swap3A_179] {strides = array<i32>} : memref<32x128xf32, #tpu.memory_space<vmem>>, vector<1x16xf32>,
          %swap3A_181 = vector.shape_cast %swap3A_180 : vector<1x16xf32> to vector<16xf32>
          %swap3A_182 = vector.shape_cast %mul3A_177 : vector<16xf32> to vector<1x16xf32>
          tpu.vector_store %arg17[%swap3A_178, %swap3A_179], %swap3A_182 {strides = array<i32>} : memref<32x128xf32, #tpu.memory_space<vmem>>, vector<1x16xf32>,
          %get3A_183 = arith.index_cast %add3A_132 : i32 to index
          %get3A_184 = arith.constant 80 : index
          %get3A_185 = tpu.vector_load %arg17[%get3A_183, %get3A_184] {strides = array<i32>} : memref<32x128xf32, #tpu.memory_space<vmem>>, vector<1x16xf32>,
          %get3A_186 = vector.shape_cast %get3A_185 : vector<1x16xf32> to vector<16xf32>
          %mul3A_187 = arith.mulf %get3A_186, %broadcast_in_dim3A_128 : vector<16xf32>
          %swap3A_188 = arith.index_cast %add3A_132 : i32 to index
          %swap3A_189 = arith.constant 80 : index
          %swap3A_190 = tpu.vector_load %arg17[%swap3A_188, %swap3A_189] {strides = array<i32>} : memref<32x128xf32, #tpu.memory_space<vmem>>, vector<1x16xf32>,
          %swap3A_191 = vector.shape_cast %swap3A_190 : vector<1x16xf32> to vector<16xf32>
          %swap3A_192 = vector.shape_cast %mul3A_187 : vector<16xf32> to vector<1x16xf32>
          tpu.vector_store %arg17[%swap3A_188, %swap3A_189], %swap3A_192 {strides = array<i32>} : memref<32x128xf32, #tpu.memory_space<vmem>>, vector<1x16xf32>,
          %get3A_193 = arith.index_cast %add3A_132 : i32 to index
          %get3A_194 = arith.constant 96 : index
          %get3A_195 = tpu.vector_load %arg17[%get3A_193, %get3A_194] {strides = array<i32>} : memref<32x128xf32, #tpu.memory_space<vmem>>, vector<1x16xf32>,
          %get3A_196 = vector.shape_cast %get3A_195 : vector<1x16xf32> to vector<16xf32>
          %mul3A_197 = arith.mulf %get3A_196, %broadcast_in_dim3A_128 : vector<16xf32>
          %swap3A_198 = arith.index_cast %add3A_132 : i32 to index
          %swap3A_199 = arith.constant 96 : index
          %swap3A_200 = tpu.vector_load %arg17[%swap3A_198, %swap3A_199] {strides = array<i32>} : memref<32x128xf32, #tpu.memory_space<vmem>>, vector<1x16xf32>,
          %swap3A_201 = vector.shape_cast %swap3A_200 : vector<1x16xf32> to vector<16xf32>
          %swap3A_202 = vector.shape_cast %mul3A_197 : vector<16xf32> to vector<1x16xf32>
          tpu.vector_store %arg17[%swap3A_198, %swap3A_199], %swap3A_202 {strides = array<i32>} : memref<32x128xf32, #tpu.memory_space<vmem>>, vector<1x16xf32>,
          %get3A_203 = arith.index_cast %add3A_132 : i32 to index
          %get3A_204 = arith.constant 112 : index
          %get3A_205 = tpu.vector_load %arg17[%get3A_203, %get3A_204] {strides = array<i32>} : memref<32x128xf32, #tpu.memory_space<vmem>>, vector<1x16xf32>,
          %get3A_206 = vector.shape_cast %get3A_205 : vector<1x16xf32> to vector<16xf32>
          %mul3A_207 = arith.mulf %get3A_206, %broadcast_in_dim3A_128 : vector<16xf32>
          %swap3A_208 = arith.index_cast %add3A_132 : i32 to index
          %swap3A_209 = arith.constant 112 : index
          %swap3A_210 = tpu.vector_load %arg17[%swap3A_208, %swap3A_209] {strides = array<i32>} : memref<32x128xf32, #tpu.memory_space<vmem>>, vector<1x16xf32>,
          %swap3A_211 = vector.shape_cast %swap3A_210 : vector<1x16xf32> to vector<16xf32>
          %swap3A_212 = vector.shape_cast %mul3A_207 : vector<16xf32> to vector<1x16xf32>
          tpu.vector_store %arg17[%swap3A_208, %swap3A_209], %swap3A_212 {strides = array<i32>} : memref<32x128xf32, #tpu.memory_space<vmem>>, vector<1x16xf32>,
          %slice3A_213 = vector.extract_strided_slice %get3A_127 {offsets = [1], sizes = [1], strides = [1]} : vector<16xf32> to vector<1xf32>
          %squeeze3A_214 = vector.extract %slice3A_213[0] : f32 from vector<1xf32>
          %broadcast_in_dim3A_215 = vector.broadcast %squeeze3A_214 : f32 to vector<16xf32>
          %mul3A_216 = arith.constant 16 : i32
          %mul3A_217 = arith.muli %add3A_119, %mul3A_216 : i32
          %add3A_218 = arith.constant 1 : i32
          %add3A_219 = arith.addi %mul3A_217, %add3A_218 : i32
          %get3A_220 = arith.index_cast %add3A_219 : i32 to index
          %get3A_221 = arith.constant 0 : index
          %get3A_222 = tpu.vector_load %arg17[%get3A_220, %get3A_221] {strides = array<i32>} : memref<32x128xf32, #tpu.memory_space<vmem>>, vector<1x16xf32>,
          %get3A_223 = vector.shape_cast %get3A_222 : vector<1x16xf32> to vector<16xf32>
          %mul3A_224 = arith.mulf %get3A_223, %broadcast_in_dim3A_215 : vector<16xf32>
          %swap3A_225 = arith.index_cast %add3A_219 : i32 to index
          %swap3A_226 = arith.constant 0 : index
          %swap3A_227 = tpu.vector_load %arg17[%swap3A_225, %swap3A_226] {strides = array<i32>} : memref<32x128xf32, #tpu.memory_space<vmem>>, vector<1x16xf32>,
          %swap3A_228 = vector.shape_cast %swap3A_227 : vector<1x16xf32> to vector<16xf32>
          %swap3A_229 = vector.shape_cast %mul3A_224 : vector<16xf32> to vector<1x16xf32>
          tpu.vector_store %arg17[%swap3A_225, %swap3A_226], %swap3A_229 {strides = array<i32>} : memref<32x128xf32, #tpu.memory_space<vmem>>, vector<1x16xf32>,
          %get3A_230 = arith.index_cast %add3A_219 : i32 to index
          %get3A_231 = arith.constant 16 : index
          %get3A_232 = tpu.vector_load %arg17[%get3A_230, %get3A_231] {strides = array<i32>} : memref<32x128xf32, #tpu.memory_space<vmem>>, vector<1x16xf32>,
          %get3A_233 = vector.shape_cast %get3A_232 : vector<1x16xf32> to vector<16xf32>
          %mul3A_234 = arith.mulf %get3A_233, %broadcast_in_dim3A_215 : vector<16xf32>
          %swap3A_235 = arith.index_cast %add3A_219 : i32 to index
          %swap3A_236 = arith.constant 16 : index
          %swap3A_237 = tpu.vector_load %arg17[%swap3A_235, %swap3A_236] {strides = array<i32>} : memref<32x128xf32, #tpu.memory_space<vmem>>, vector<1x16xf32>,
          %swap3A_238 = vector.shape_cast %swap3A_237 : vector<1x16xf32> to vector<16xf32>
          %swap3A_239 = vector.shape_cast %mul3A_234 : vector<16xf32> to vector<1x16xf32>
          tpu.vector_store %arg17[%swap3A_235, %swap3A_236], %swap3A_239 {strides = array<i32>} : memref<32x128xf32, #tpu.memory_space<vmem>>, vector<1x16xf32>,
          %get3A_240 = arith.index_cast %add3A_219 : i32 to index
          %get3A_241 = arith.constant 32 : index
          %get3A_242 = tpu.vector_load %arg17[%get3A_240, %get3A_241] {strides = array<i32>} : memref<32x128xf32, #tpu.memory_space<vmem>>, vector<1x16xf32>,
          %get3A_243 = vector.shape_cast %get3A_242 : vector<1x16xf32> to vector<16xf32>
          %mul3A_244 = arith.mulf %get3A_243, %broadcast_in_dim3A_215 : vector<16xf32>
          %swap3A_245 = arith.index_cast %add3A_219 : i32 to index
          %swap3A_246 = arith.constant 32 : index
          %swap3A_247 = tpu.vector_load %arg17[%swap3A_245, %swap3A_246] {strides = array<i32>} : memref<32x128xf32, #tpu.memory_space<vmem>>, vector<1x16xf32>,
          %swap3A_248 = vector.shape_cast %swap3A_247 : vector<1x16xf32> to vector<16xf32>
          %swap3A_249 = vector.shape_cast %mul3A_244 : vector<16xf32> to vector<1x16xf32>
          tpu.vector_store %arg17[%swap3A_245, %swap3A_246], %swap3A_249 {strides = array<i32>} : memref<32x128xf32, #tpu.memory_space<vmem>>, vector<1x16xf32>,
          %get3A_250 = arith.index_cast %add3A_219 : i32 to index
          %get3A_251 = arith.constant 48 : index
          %get3A_252 = tpu.vector_load %arg17[%get3A_250, %get3A_251] {strides = array<i32>} : memref<32x128xf32, #tpu.memory_space<vmem>>, vector<1x16xf32>,
          %get3A_253 = vector.shape_cast %get3A_252 : vector<1x16xf32> to vector<16xf32>
          %mul3A_254 = arith.mulf %get3A_253, %broadcast_in_dim3A_215 : vector<16xf32>
          %swap3A_255 = arith.index_cast %add3A_219 : i32 to index
          %swap3A_256 = arith.constant 48 : index
          %swap3A_257 = tpu.vector_load %arg17[%swap3A_255, %swap3A_256] {strides = array<i32>} : memref<32x128xf32, #tpu.memory_space<vmem>>, vector<1x16xf32>,
          %swap3A_258 = vector.shape_cast %swap3A_257 : vector<1x16xf32> to vector<16xf32>
          %swap3A_259 = vector.shape_cast %mul3A_254 : vector<16xf32> to vector<1x16xf32>
          tpu.vector_store %arg17[%swap3A_255, %swap3A_256], %swap3A_259 {strides = array<i32>} : memref<32x128xf32, #tpu.memory_space<vmem>>, vector<1x16xf32>,
          %get3A_260 = arith.index_cast %add3A_219 : i32 to index
          %get3A_261 = arith.constant 64 : index
          %get3A_262 = tpu.vector_load %arg17[%get3A_260, %get3A_261] {strides = array<i32>} : memref<32x128xf32, #tpu.memory_space<vmem>>, vector<1x16xf32>,
          %get3A_263 = vector.shape_cast %get3A_262 : vector<1x16xf32> to vector<16xf32>
          %mul3A_264 = arith.mulf %get3A_263, %broadcast_in_dim3A_215 : vector<16xf32>
          %swap3A_265 = arith.index_cast %add3A_219 : i32 to index
          %swap3A_266 = arith.constant 64 : index
          %swap3A_267 = tpu.vector_load %arg17[%swap3A_265, %swap3A_266] {strides = array<i32>} : memref<32x128xf32, #tpu.memory_space<vmem>>, vector<1x16xf32>,
          %swap3A_268 = vector.shape_cast %swap3A_267 : vector<1x16xf32> to vector<16xf32>
          %swap3A_269 = vector.shape_cast %mul3A_264 : vector<16xf32> to vector<1x16xf32>
          tpu.vector_store %arg17[%swap3A_265, %swap3A_266], %swap3A_269 {strides = array<i32>} : memref<32x128xf32, #tpu.memory_space<vmem>>, vector<1x16xf32>,
          %get3A_270 = arith.index_cast %add3A_219 : i32 to index
          %get3A_271 = arith.constant 80 : index
          %get3A_272 = tpu.vector_load %arg17[%get3A_270, %get3A_271] {strides = array<i32>} : memref<32x128xf32, #tpu.memory_space<vmem>>, vector<1x16xf32>,
          %get3A_273 = vector.shape_cast %get3A_272 : vector<1x16xf32> to vector<16xf32>
          %mul3A_274 = arith.mulf %get3A_273, %broadcast_in_dim3A_215 : vector<16xf32>
          %swap3A_275 = arith.index_cast %add3A_219 : i32 to index
          %swap3A_276 = arith.constant 80 : index
          %swap3A_277 = tpu.vector_load %arg17[%swap3A_275, %swap3A_276] {strides = array<i32>} : memref<32x128xf32, #tpu.memory_space<vmem>>, vector<1x16xf32>,
          %swap3A_278 = vector.shape_cast %swap3A_277 : vector<1x16xf32> to vector<16xf32>
          %swap3A_279 = vector.shape_cast %mul3A_274 : vector<16xf32> to vector<1x16xf32>
          tpu.vector_store %arg17[%swap3A_275, %swap3A_276], %swap3A_279 {strides = array<i32>} : memref<32x128xf32, #tpu.memory_space<vmem>>, vector<1x16xf32>,
          %get3A_280 = arith.index_cast %add3A_219 : i32 to index
          %get3A_281 = arith.constant 96 : index
          %get3A_282 = tpu.vector_load %arg17[%get3A_280, %get3A_281] {strides = array<i32>} : memref<32x128xf32, #tpu.memory_space<vmem>>, vector<1x16xf32>,
          %get3A_283 = vector.shape_cast %get3A_282 : vector<1x16xf32> to vector<16xf32>
          %mul3A_284 = arith.mulf %get3A_283, %broadcast_in_dim3A_215 : vector<16xf32>
          %swap3A_285 = arith.index_cast %add3A_219 : i32 to index
          %swap3A_286 = arith.constant 96 : index
          %swap3A_287 = tpu.vector_load %arg17[%swap3A_285, %swap3A_286] {strides = array<i32>} : memref<32x128xf32, #tpu.memory_space<vmem>>, vector<1x16xf32>,
          %swap3A_288 = vector.shape_cast %swap3A_287 : vector<1x16xf32> to vector<16xf32>
          %swap3A_289 = vector.shape_cast %mul3A_284 : vector<16xf32> to vector<1x16xf32>
          tpu.vector_store %arg17[%swap3A_285, %swap3A_286], %swap3A_289 {strides = array<i32>} : memref<32x128xf32, #tpu.memory_space<vmem>>, vector<1x16xf32>,
          %get3A_290 = arith.index_cast %add3A_219 : i32 to index
          %get3A_291 = arith.constant 112 : index
          %get3A_292 = tpu.vector_load %arg17[%get3A_290, %get3A_291] {strides = array<i32>} : memref<32x128xf32, #tpu.memory_space<vmem>>, vector<1x16xf32>,
          %get3A_293 = vector.shape_cast %get3A_292 : vector<1x16xf32> to vector<16xf32>
          %mul3A_294 = arith.mulf %get3A_293, %broadcast_in_dim3A_215 : vector<16xf32>
          %swap3A_295 = arith.index_cast %add3A_219 : i32 to index
          %swap3A_296 = arith.constant 112 : index
          %swap3A_297 = tpu.vector_load %arg17[%swap3A_295, %swap3A_296] {strides = array<i32>} : memref<32x128xf32, #tpu.memory_space<vmem>>, vector<1x16xf32>,
          %swap3A_298 = vector.shape_cast %swap3A_297 : vector<1x16xf32> to vector<16xf32>
          %swap3A_299 = vector.shape_cast %mul3A_294 : vector<16xf32> to vector<1x16xf32>
          tpu.vector_store %arg17[%swap3A_295, %swap3A_296], %swap3A_299 {strides = array<i32>} : memref<32x128xf32, #tpu.memory_space<vmem>>, vector<1x16xf32>,
          %slice3A_300 = vector.extract_strided_slice %get3A_127 {offsets = [2], sizes = [1], strides = [1]} : vector<16xf32> to vector<1xf32>
          %squeeze3A_301 = vector.extract %slice3A_300[0] : f32 from vector<1xf32>
          %broadcast_in_dim3A_302 = vector.broadcast %squeeze3A_301 : f32 to vector<16xf32>
          %mul3A_303 = arith.constant 16 : i32
          %mul3A_304 = arith.muli %add3A_119, %mul3A_303 : i32
          %add3A_305 = arith.constant 2 : i32
          %add3A_306 = arith.addi %mul3A_304, %add3A_305 : i32
          %get3A_307 = arith.index_cast %add3A_306 : i32 to index
          %get3A_308 = arith.constant 0 : index
          %get3A_309 = tpu.vector_load %arg17[%get3A_307, %get3A_308] {strides = array<i32>} : memref<32x128xf32, #tpu.memory_space<vmem>>, vector<1x16xf32>,
          %get3A_310 = vector.shape_cast %get3A_309 : vector<1x16xf32> to vector<16xf32>
          %mul3A_311 = arith.mulf %get3A_310, %broadcast_in_dim3A_302 : vector<16xf32>
          %swap3A_312 = arith.index_cast %add3A_306 : i32 to index
          %swap3A_313 = arith.constant 0 : index
          %swap3A_314 = tpu.vector_load %arg17[%swap3A_312, %swap3A_313] {strides = array<i32>} : memref<32x128xf32, #tpu.memory_space<vmem>>, vector<1x16xf32>,
          %swap3A_315 = vector.shape_cast %swap3A_314 : vector<1x16xf32> to vector<16xf32>
          %swap3A_316 = vector.shape_cast %mul3A_311 : vector<16xf32> to vector<1x16xf32>
          tpu.vector_store %arg17[%swap3A_312, %swap3A_313], %swap3A_316 {strides = array<i32>} : memref<32x128xf32, #tpu.memory_space<vmem>>, vector<1x16xf32>,
          %get3A_317 = arith.index_cast %add3A_306 : i32 to index
          %get3A_318 = arith.constant 16 : index
          %get3A_319 = tpu.vector_load %arg17[%get3A_317, %get3A_318] {strides = array<i32>} : memref<32x128xf32, #tpu.memory_space<vmem>>, vector<1x16xf32>,
          %get3A_320 = vector.shape_cast %get3A_319 : vector<1x16xf32> to vector<16xf32>
          %mul3A_321 = arith.mulf %get3A_320, %broadcast_in_dim3A_302 : vector<16xf32>
          %swap3A_322 = arith.index_cast %add3A_306 : i32 to index
          %swap3A_323 = arith.constant 16 : index
          %swap3A_324 = tpu.vector_load %arg17[%swap3A_322, %swap3A_323] {strides = array<i32>} : memref<32x128xf32, #tpu.memory_space<vmem>>, vector<1x16xf32>,
          %swap3A_325 = vector.shape_cast %swap3A_324 : vector<1x16xf32> to vector<16xf32>
          %swap3A_326 = vector.shape_cast %mul3A_321 : vector<16xf32> to vector<1x16xf32>
          tpu.vector_store %arg17[%swap3A_322, %swap3A_323], %swap3A_326 {strides = array<i32>} : memref<32x128xf32, #tpu.memory_space<vmem>>, vector<1x16xf32>,
          %get3A_327 = arith.index_cast %add3A_306 : i32 to index
          %get3A_328 = arith.constant 32 : index
          %get3A_329 = tpu.vector_load %arg17[%get3A_327, %get3A_328] {strides = array<i32>} : memref<32x128xf32, #tpu.memory_space<vmem>>, vector<1x16xf32>,
          %get3A_330 = vector.shape_cast %get3A_329 : vector<1x16xf32> to vector<16xf32>
          %mul3A_331 = arith.mulf %get3A_330, %broadcast_in_dim3A_302 : vector<16xf32>
          %swap3A_332 = arith.index_cast %add3A_306 : i32 to index
          %swap3A_333 = arith.constant 32 : index
          %swap3A_334 = tpu.vector_load %arg17[%swap3A_332, %swap3A_333] {strides = array<i32>} : memref<32x128xf32, #tpu.memory_space<vmem>>, vector<1x16xf32>,
          %swap3A_335 = vector.shape_cast %swap3A_334 : vector<1x16xf32> to vector<16xf32>
          %swap3A_336 = vector.shape_cast %mul3A_331 : vector<16xf32> to vector<1x16xf32>
          tpu.vector_store %arg17[%swap3A_332, %swap3A_333], %swap3A_336 {strides = array<i32>} : memref<32x128xf32, #tpu.memory_space<vmem>>, vector<1x16xf32>,
          %get3A_337 = arith.index_cast %add3A_306 : i32 to index
          %get3A_338 = arith.constant 48 : index
          %get3A_339 = tpu.vector_load %arg17[%get3A_337, %get3A_338] {strides = array<i32>} : memref<32x128xf32, #tpu.memory_space<vmem>>, vector<1x16xf32>,
          %get3A_340 = vector.shape_cast %get3A_339 : vector<1x16xf32> to vector<16xf32>
          %mul3A_341 = arith.mulf %get3A_340, %broadcast_in_dim3A_302 : vector<16xf32>
          %swap3A_342 = arith.index_cast %add3A_306 : i32 to index
          %swap3A_343 = arith.constant 48 : index
          %swap3A_344 = tpu.vector_load %arg17[%swap3A_342, %swap3A_343] {strides = array<i32>} : memref<32x128xf32, #tpu.memory_space<vmem>>, vector<1x16xf32>,
          %swap3A_345 = vector.shape_cast %swap3A_344 : vector<1x16xf32> to vector<16xf32>
          %swap3A_346 = vector.shape_cast %mul3A_341 : vector<16xf32> to vector<1x16xf32>
          tpu.vector_store %arg17[%swap3A_342, %swap3A_343], %swap3A_346 {strides = array<i32>} : memref<32x128xf32, #tpu.memory_space<vmem>>, vector<1x16xf32>,
          %get3A_347 = arith.index_cast %add3A_306 : i32 to index
          %get3A_348 = arith.constant 64 : index
          %get3A_349 = tpu.vector_load %arg17[%get3A_347, %get3A_348] {strides = array<i32>} : memref<32x128xf32, #tpu.memory_space<vmem>>, vector<1x16xf32>,
          %get3A_350 = vector.shape_cast %get3A_349 : vector<1x16xf32> to vector<16xf32>
          %mul3A_351 = arith.mulf %get3A_350, %broadcast_in_dim3A_302 : vector<16xf32>
          %swap3A_352 = arith.index_cast %add3A_306 : i32 to index
          %swap3A_353 = arith.constant 64 : index
          %swap3A_354 = tpu.vector_load %arg17[%swap3A_352, %swap3A_353] {strides = array<i32>} : memref<32x128xf32, #tpu.memory_space<vmem>>, vector<1x16xf32>,
          %swap3A_355 = vector.shape_cast %swap3A_354 : vector<1x16xf32> to vector<16xf32>
          %swap3A_356 = vector.shape_cast %mul3A_351 : vector<16xf32> to vector<1x16xf32>
          tpu.vector_store %arg17[%swap3A_352, %swap3A_353], %swap3A_356 {strides = array<i32>} : memref<32x128xf32, #tpu.memory_space<vmem>>, vector<1x16xf32>,
          %get3A_357 = arith.index_cast %add3A_306 : i32 to index
          %get3A_358 = arith.constant 80 : index
          %get3A_359 = tpu.vector_load %arg17[%get3A_357, %get3A_358] {strides = array<i32>} : memref<32x128xf32, #tpu.memory_space<vmem>>, vector<1x16xf32>,
          %get3A_360 = vector.shape_cast %get3A_359 : vector<1x16xf32> to vector<16xf32>
          %mul3A_361 = arith.mulf %get3A_360, %broadcast_in_dim3A_302 : vector<16xf32>
          %swap3A_362 = arith.index_cast %add3A_306 : i32 to index
          %swap3A_363 = arith.constant 80 : index
          %swap3A_364 = tpu.vector_load %arg17[%swap3A_362, %swap3A_363] {strides = array<i32>} : memref<32x128xf32, #tpu.memory_space<vmem>>, vector<1x16xf32>,
          %swap3A_365 = vector.shape_cast %swap3A_364 : vector<1x16xf32> to vector<16xf32>
          %swap3A_366 = vector.shape_cast %mul3A_361 : vector<16xf32> to vector<1x16xf32>
          tpu.vector_store %arg17[%swap3A_362, %swap3A_363], %swap3A_366 {strides = array<i32>} : memref<32x128xf32, #tpu.memory_space<vmem>>, vector<1x16xf32>,
          %get3A_367 = arith.index_cast %add3A_306 : i32 to index
          %get3A_368 = arith.constant 96 : index
          %get3A_369 = tpu.vector_load %arg17[%get3A_367, %get3A_368] {strides = array<i32>} : memref<32x128xf32, #tpu.memory_space<vmem>>, vector<1x16xf32>,
          %get3A_370 = vector.shape_cast %get3A_369 : vector<1x16xf32> to vector<16xf32>
          %mul3A_371 = arith.mulf %get3A_370, %broadcast_in_dim3A_302 : vector<16xf32>
          %swap3A_372 = arith.index_cast %add3A_306 : i32 to index
          %swap3A_373 = arith.constant 96 : index
          %swap3A_374 = tpu.vector_load %arg17[%swap3A_372, %swap3A_373] {strides = array<i32>} : memref<32x128xf32, #tpu.memory_space<vmem>>, vector<1x16xf32>,
          %swap3A_375 = vector.shape_cast %swap3A_374 : vector<1x16xf32> to vector<16xf32>
          %swap3A_376 = vector.shape_cast %mul3A_371 : vector<16xf32> to vector<1x16xf32>
          tpu.vector_store %arg17[%swap3A_372, %swap3A_373], %swap3A_376 {strides = array<i32>} : memref<32x128xf32, #tpu.memory_space<vmem>>, vector<1x16xf32>,
          %get3A_377 = arith.index_cast %add3A_306 : i32 to index
          %get3A_378 = arith.constant 112 : index
          %get3A_379 = tpu.vector_load %arg17[%get3A_377, %get3A_378] {strides = array<i32>} : memref<32x128xf32, #tpu.memory_space<vmem>>, vector<1x16xf32>,
          %get3A_380 = vector.shape_cast %get3A_379 : vector<1x16xf32> to vector<16xf32>
          %mul3A_381 = arith.mulf %get3A_380, %broadcast_in_dim3A_302 : vector<16xf32>
          %swap3A_382 = arith.index_cast %add3A_306 : i32 to index
          %swap3A_383 = arith.constant 112 : index
          %swap3A_384 = tpu.vector_load %arg17[%swap3A_382, %swap3A_383] {strides = array<i32>} : memref<32x128xf32, #tpu.memory_space<vmem>>, vector<1x16xf32>,
          %swap3A_385 = vector.shape_cast %swap3A_384 : vector<1x16xf32> to vector<16xf32>
          %swap3A_386 = vector.shape_cast %mul3A_381 : vector<16xf32> to vector<1x16xf32>
          tpu.vector_store %arg17[%swap3A_382, %swap3A_383], %swap3A_386 {strides = array<i32>} : memref<32x128xf32, #tpu.memory_space<vmem>>, vector<1x16xf32>,
          %slice3A_387 = vector.extract_strided_slice %get3A_127 {offsets = [3], sizes = [1], strides = [1]} : vector<16xf32> to vector<1xf32>
          %squeeze3A_388 = vector.extract %slice3A_387[0] : f32 from vector<1xf32>
          %broadcast_in_dim3A_389 = vector.broadcast %squeeze3A_388 : f32 to vector<16xf32>
          %mul3A_390 = arith.constant 16 : i32
          %mul3A_391 = arith.muli %add3A_119, %mul3A_390 : i32
          %add3A_392 = arith.constant 3 : i32
          %add3A_393 = arith.addi %mul3A_391, %add3A_392 : i32
          %get3A_394 = arith.index_cast %add3A_393 : i32 to index
          %get3A_395 = arith.constant 0 : index
          %get3A_396 = tpu.vector_load %arg17[%get3A_394, %get3A_395] {strides = array<i32>} : memref<32x128xf32, #tpu.memory_space<vmem>>, vector<1x16xf32>,
          %get3A_397 = vector.shape_cast %get3A_396 : vector<1x16xf32> to vector<16xf32>
          %mul3A_398 = arith.mulf %get3A_397, %broadcast_in_dim3A_389 : vector<16xf32>
          %swap3A_399 = arith.index_cast %add3A_393 : i32 to index
          %swap3A_400 = arith.constant 0 : index
          %swap3A_401 = tpu.vector_load %arg17[%swap3A_399, %swap3A_400] {strides = array<i32>} : memref<32x128xf32, #tpu.memory_space<vmem>>, vector<1x16xf32>,
          %swap3A_402 = vector.shape_cast %swap3A_401 : vector<1x16xf32> to vector<16xf32>
          %swap3A_403 = vector.shape_cast %mul3A_398 : vector<16xf32> to vector<1x16xf32>
          tpu.vector_store %arg17[%swap3A_399, %swap3A_400], %swap3A_403 {strides = array<i32>} : memref<32x128xf32, #tpu.memory_space<vmem>>, vector<1x16xf32>,
          %get3A_404 = arith.index_cast %add3A_393 : i32 to index
          %get3A_405 = arith.constant 16 : index
          %get3A_406 = tpu.vector_load %arg17[%get3A_404, %get3A_405] {strides = array<i32>} : memref<32x128xf32, #tpu.memory_space<vmem>>, vector<1x16xf32>,
          %get3A_407 = vector.shape_cast %get3A_406 : vector<1x16xf32> to vector<16xf32>
          %mul3A_408 = arith.mulf %get3A_407, %broadcast_in_dim3A_389 : vector<16xf32>
          %swap3A_409 = arith.index_cast %add3A_393 : i32 to index
          %swap3A_410 = arith.constant 16 : index
          %swap3A_411 = tpu.vector_load %arg17[%swap3A_409, %swap3A_410] {strides = array<i32>} : memref<32x128xf32, #tpu.memory_space<vmem>>, vector<1x16xf32>,
          %swap3A_412 = vector.shape_cast %swap3A_411 : vector<1x16xf32> to vector<16xf32>
          %swap3A_413 = vector.shape_cast %mul3A_408 : vector<16xf32> to vector<1x16xf32>
          tpu.vector_store %arg17[%swap3A_409, %swap3A_410], %swap3A_413 {strides = array<i32>} : memref<32x128xf32, #tpu.memory_space<vmem>>, vector<1x16xf32>,
          %get3A_414 = arith.index_cast %add3A_393 : i32 to index
          %get3A_415 = arith.constant 32 : index
          %get3A_416 = tpu.vector_load %arg17[%get3A_414, %get3A_415] {strides = array<i32>} : memref<32x128xf32, #tpu.memory_space<vmem>>, vector<1x16xf32>,
          %get3A_417 = vector.shape_cast %get3A_416 : vector<1x16xf32> to vector<16xf32>
          %mul3A_418 = arith.mulf %get3A_417, %broadcast_in_dim3A_389 : vector<16xf32>
          %swap3A_419 = arith.index_cast %add3A_393 : i32 to index
          %swap3A_420 = arith.constant 32 : index
          %swap3A_421 = tpu.vector_load %arg17[%swap3A_419, %swap3A_420] {strides = array<i32>} : memref<32x128xf32, #tpu.memory_space<vmem>>, vector<1x16xf32>,
          %swap3A_422 = vector.shape_cast %swap3A_421 : vector<1x16xf32> to vector<16xf32>
          %swap3A_423 = vector.shape_cast %mul3A_418 : vector<16xf32> to vector<1x16xf32>
          tpu.vector_store %arg17[%swap3A_419, %swap3A_420], %swap3A_423 {strides = array<i32>} : memref<32x128xf32, #tpu.memory_space<vmem>>, vector<1x16xf32>,
          %get3A_424 = arith.index_cast %add3A_393 : i32 to index
          %get3A_425 = arith.constant 48 : index
          %get3A_426 = tpu.vector_load %arg17[%get3A_424, %get3A_425] {strides = array<i32>} : memref<32x128xf32, #tpu.memory_space<vmem>>, vector<1x16xf32>,
          %get3A_427 = vector.shape_cast %get3A_426 : vector<1x16xf32> to vector<16xf32>
          %mul3A_428 = arith.mulf %get3A_427, %broadcast_in_dim3A_389 : vector<16xf32>
          %swap3A_429 = arith.index_cast %add3A_393 : i32 to index
          %swap3A_430 = arith.constant 48 : index
          %swap3A_431 = tpu.vector_load %arg17[%swap3A_429, %swap3A_430] {strides = array<i32>} : memref<32x128xf32, #tpu.memory_space<vmem>>, vector<1x16xf32>,
          %swap3A_432 = vector.shape_cast %swap3A_431 : vector<1x16xf32> to vector<16xf32>
          %swap3A_433 = vector.shape_cast %mul3A_428 : vector<16xf32> to vector<1x16xf32>
          tpu.vector_store %arg17[%swap3A_429, %swap3A_430], %swap3A_433 {strides = array<i32>} : memref<32x128xf32, #tpu.memory_space<vmem>>, vector<1x16xf32>,
          %get3A_434 = arith.index_cast %add3A_393 : i32 to index
          %get3A_435 = arith.constant 64 : index
          %get3A_436 = tpu.vector_load %arg17[%get3A_434, %get3A_435] {strides = array<i32>} : memref<32x128xf32, #tpu.memory_space<vmem>>, vector<1x16xf32>,
          %get3A_437 = vector.shape_cast %get3A_436 : vector<1x16xf32> to vector<16xf32>
          %mul3A_438 = arith.mulf %get3A_437, %broadcast_in_dim3A_389 : vector<16xf32>
          %swap3A_439 = arith.index_cast %add3A_393 : i32 to index
          %swap3A_440 = arith.constant 64 : index
          %swap3A_441 = tpu.vector_load %arg17[%swap3A_439, %swap3A_440] {strides = array<i32>} : memref<32x128xf32, #tpu.memory_space<vmem>>, vector<1x16xf32>,
          %swap3A_442 = vector.shape_cast %swap3A_441 : vector<1x16xf32> to vector<16xf32>
          %swap3A_443 = vector.shape_cast %mul3A_438 : vector<16xf32> to vector<1x16xf32>
          tpu.vector_store %arg17[%swap3A_439, %swap3A_440], %swap3A_443 {strides = array<i32>} : memref<32x128xf32, #tpu.memory_space<vmem>>, vector<1x16xf32>,
          %get3A_444 = arith.index_cast %add3A_393 : i32 to index
          %get3A_445 = arith.constant 80 : index
          %get3A_446 = tpu.vector_load %arg17[%get3A_444, %get3A_445] {strides = array<i32>} : memref<32x128xf32, #tpu.memory_space<vmem>>, vector<1x16xf32>,
          %get3A_447 = vector.shape_cast %get3A_446 : vector<1x16xf32> to vector<16xf32>
          %mul3A_448 = arith.mulf %get3A_447, %broadcast_in_dim3A_389 : vector<16xf32>
          %swap3A_449 = arith.index_cast %add3A_393 : i32 to index
          %swap3A_450 = arith.constant 80 : index
          %swap3A_451 = tpu.vector_load %arg17[%swap3A_449, %swap3A_450] {strides = array<i32>} : memref<32x128xf32, #tpu.memory_space<vmem>>, vector<1x16xf32>,
          %swap3A_452 = vector.shape_cast %swap3A_451 : vector<1x16xf32> to vector<16xf32>
          %swap3A_453 = vector.shape_cast %mul3A_448 : vector<16xf32> to vector<1x16xf32>
          tpu.vector_store %arg17[%swap3A_449, %swap3A_450], %swap3A_453 {strides = array<i32>} : memref<32x128xf32, #tpu.memory_space<vmem>>, vector<1x16xf32>,
          %get3A_454 = arith.index_cast %add3A_393 : i32 to index
          %get3A_455 = arith.constant 96 : index
          %get3A_456 = tpu.vector_load %arg17[%get3A_454, %get3A_455] {strides = array<i32>} : memref<32x128xf32, #tpu.memory_space<vmem>>, vector<1x16xf32>,
          %get3A_457 = vector.shape_cast %get3A_456 : vector<1x16xf32> to vector<16xf32>
          %mul3A_458 = arith.mulf %get3A_457, %broadcast_in_dim3A_389 : vector<16xf32>
          %swap3A_459 = arith.index_cast %add3A_393 : i32 to index
          %swap3A_460 = arith.constant 96 : index
          %swap3A_461 = tpu.vector_load %arg17[%swap3A_459, %swap3A_460] {strides = array<i32>} : memref<32x128xf32, #tpu.memory_space<vmem>>, vector<1x16xf32>,
          %swap3A_462 = vector.shape_cast %swap3A_461 : vector<1x16xf32> to vector<16xf32>
          %swap3A_463 = vector.shape_cast %mul3A_458 : vector<16xf32> to vector<1x16xf32>
          tpu.vector_store %arg17[%swap3A_459, %swap3A_460], %swap3A_463 {strides = array<i32>} : memref<32x128xf32, #tpu.memory_space<vmem>>, vector<1x16xf32>,
          %get3A_464 = arith.index_cast %add3A_393 : i32 to index
          %get3A_465 = arith.constant 112 : index
          %get3A_466 = tpu.vector_load %arg17[%get3A_464, %get3A_465] {strides = array<i32>} : memref<32x128xf32, #tpu.memory_space<vmem>>, vector<1x16xf32>,
          %get3A_467 = vector.shape_cast %get3A_466 : vector<1x16xf32> to vector<16xf32>
          %mul3A_468 = arith.mulf %get3A_467, %broadcast_in_dim3A_389 : vector<16xf32>
          %swap3A_469 = arith.index_cast %add3A_393 : i32 to index
          %swap3A_470 = arith.constant 112 : index
          %swap3A_471 = tpu.vector_load %arg17[%swap3A_469, %swap3A_470] {strides = array<i32>} : memref<32x128xf32, #tpu.memory_space<vmem>>, vector<1x16xf32>,
          %swap3A_472 = vector.shape_cast %swap3A_471 : vector<1x16xf32> to vector<16xf32>
          %swap3A_473 = vector.shape_cast %mul3A_468 : vector<16xf32> to vector<1x16xf32>
          tpu.vector_store %arg17[%swap3A_469, %swap3A_470], %swap3A_473 {strides = array<i32>} : memref<32x128xf32, #tpu.memory_space<vmem>>, vector<1x16xf32>,
          %slice3A_474 = vector.extract_strided_slice %get3A_127 {offsets = [4], sizes = [1], strides = [1]} : vector<16xf32> to vector<1xf32>
          %squeeze3A_475 = vector.extract %slice3A_474[0] : f32 from vector<1xf32>
          %broadcast_in_dim3A_476 = vector.broadcast %squeeze3A_475 : f32 to vector<16xf32>
          %mul3A_477 = arith.constant 16 : i32
          %mul3A_478 = arith.muli %add3A_119, %mul3A_477 : i32
          %add3A_479 = arith.constant 4 : i32
          %add3A_480 = arith.addi %mul3A_478, %add3A_479 : i32
          %get3A_481 = arith.index_cast %add3A_480 : i32 to index
          %get3A_482 = arith.constant 0 : index
          %get3A_483 = tpu.vector_load %arg17[%get3A_481, %get3A_482] {strides = array<i32>} : memref<32x128xf32, #tpu.memory_space<vmem>>, vector<1x16xf32>,
          %get3A_484 = vector.shape_cast %get3A_483 : vector<1x16xf32> to vector<16xf32>
          %mul3A_485 = arith.mulf %get3A_484, %broadcast_in_dim3A_476 : vector<16xf32>
          %swap3A_486 = arith.index_cast %add3A_480 : i32 to index
          %swap3A_487 = arith.constant 0 : index
          %swap3A_488 = tpu.vector_load %arg17[%swap3A_486, %swap3A_487] {strides = array<i32>} : memref<32x128xf32, #tpu.memory_space<vmem>>, vector<1x16xf32>,
          %swap3A_489 = vector.shape_cast %swap3A_488 : vector<1x16xf32> to vector<16xf32>
          %swap3A_490 = vector.shape_cast %mul3A_485 : vector<16xf32> to vector<1x16xf32>
          tpu.vector_store %arg17[%swap3A_486, %swap3A_487], %swap3A_490 {strides = array<i32>} : memref<32x128xf32, #tpu.memory_space<vmem>>, vector<1x16xf32>,
          %get3A_491 = arith.index_cast %add3A_480 : i32 to index
          %get3A_492 = arith.constant 16 : index
          %get3A_493 = tpu.vector_load %arg17[%get3A_491, %get3A_492] {strides = array<i32>} : memref<32x128xf32, #tpu.memory_space<vmem>>, vector<1x16xf32>,
          %get3A_494 = vector.shape_cast %get3A_493 : vector<1x16xf32> to vector<16xf32>
          %mul3A_495 = arith.mulf %get3A_494, %broadcast_in_dim3A_476 : vector<16xf32>
          %swap3A_496 = arith.index_cast %add3A_480 : i32 to index
          %swap3A_497 = arith.constant 16 : index
          %swap3A_498 = tpu.vector_load %arg17[%swap3A_496, %swap3A_497] {strides = array<i32>} : memref<32x128xf32, #tpu.memory_space<vmem>>, vector<1x16xf32>,
          %swap3A_499 = vector.shape_cast %swap3A_498 : vector<1x16xf32> to vector<16xf32>
          %swap3A_500 = vector.shape_cast %mul3A_495 : vector<16xf32> to vector<1x16xf32>
          tpu.vector_store %arg17[%swap3A_496, %swap3A_497], %swap3A_500 {strides = array<i32>} : memref<32x128xf32, #tpu.memory_space<vmem>>, vector<1x16xf32>,
          %get3A_501 = arith.index_cast %add3A_480 : i32 to index
          %get3A_502 = arith.constant 32 : index
          %get3A_503 = tpu.vector_load %arg17[%get3A_501, %get3A_502] {strides = array<i32>} : memref<32x128xf32, #tpu.memory_space<vmem>>, vector<1x16xf32>,
          %get3A_504 = vector.shape_cast %get3A_503 : vector<1x16xf32> to vector<16xf32>
          %mul3A_505 = arith.mulf %get3A_504, %broadcast_in_dim3A_476 : vector<16xf32>
          %swap3A_506 = arith.index_cast %add3A_480 : i32 to index
          %swap3A_507 = arith.constant 32 : index
          %swap3A_508 = tpu.vector_load %arg17[%swap3A_506, %swap3A_507] {strides = array<i32>} : memref<32x128xf32, #tpu.memory_space<vmem>>, vector<1x16xf32>,
          %swap3A_509 = vector.shape_cast %swap3A_508 : vector<1x16xf32> to vector<16xf32>
          %swap3A_510 = vector.shape_cast %mul3A_505 : vector<16xf32> to vector<1x16xf32>
          tpu.vector_store %arg17[%swap3A_506, %swap3A_507], %swap3A_510 {strides = array<i32>} : memref<32x128xf32, #tpu.memory_space<vmem>>, vector<1x16xf32>,
          %get3A_511 = arith.index_cast %add3A_480 : i32 to index
          %get3A_512 = arith.constant 48 : index
          %get3A_513 = tpu.vector_load %arg17[%get3A_511, %get3A_512] {strides = array<i32>} : memref<32x128xf32, #tpu.memory_space<vmem>>, vector<1x16xf32>,
          %get3A_514 = vector.shape_cast %get3A_513 : vector<1x16xf32> to vector<16xf32>
          %mul3A_515 = arith.mulf %get3A_514, %broadcast_in_dim3A_476 : vector<16xf32>
          %swap3A_516 = arith.index_cast %add3A_480 : i32 to index
          %swap3A_517 = arith.constant 48 : index
          %swap3A_518 = tpu.vector_load %arg17[%swap3A_516, %swap3A_517] {strides = array<i32>} : memref<32x128xf32, #tpu.memory_space<vmem>>, vector<1x16xf32>,
          %swap3A_519 = vector.shape_cast %swap3A_518 : vector<1x16xf32> to vector<16xf32>
          %swap3A_520 = vector.shape_cast %mul3A_515 : vector<16xf32> to vector<1x16xf32>
          tpu.vector_store %arg17[%swap3A_516, %swap3A_517], %swap3A_520 {strides = array<i32>} : memref<32x128xf32, #tpu.memory_space<vmem>>, vector<1x16xf32>,
          %get3A_521 = arith.index_cast %add3A_480 : i32 to index
          %get3A_522 = arith.constant 64 : index
          %get3A_523 = tpu.vector_load %arg17[%get3A_521, %get3A_522] {strides = array<i32>} : memref<32x128xf32, #tpu.memory_space<vmem>>, vector<1x16xf32>,
          %get3A_524 = vector.shape_cast %get3A_523 : vector<1x16xf32> to vector<16xf32>
          %mul3A_525 = arith.mulf %get3A_524, %broadcast_in_dim3A_476 : vector<16xf32>
          %swap3A_526 = arith.index_cast %add3A_480 : i32 to index
          %swap3A_527 = arith.constant 64 : index
          %swap3A_528 = tpu.vector_load %arg17[%swap3A_526, %swap3A_527] {strides = array<i32>} : memref<32x128xf32, #tpu.memory_space<vmem>>, vector<1x16xf32>,
          %swap3A_529 = vector.shape_cast %swap3A_528 : vector<1x16xf32> to vector<16xf32>
          %swap3A_530 = vector.shape_cast %mul3A_525 : vector<16xf32> to vector<1x16xf32>
          tpu.vector_store %arg17[%swap3A_526, %swap3A_527], %swap3A_530 {strides = array<i32>} : memref<32x128xf32, #tpu.memory_space<vmem>>, vector<1x16xf32>,
          %get3A_531 = arith.index_cast %add3A_480 : i32 to index
          %get3A_532 = arith.constant 80 : index
          %get3A_533 = tpu.vector_load %arg17[%get3A_531, %get3A_532] {strides = array<i32>} : memref<32x128xf32, #tpu.memory_space<vmem>>, vector<1x16xf32>,
          %get3A_534 = vector.shape_cast %get3A_533 : vector<1x16xf32> to vector<16xf32>
          %mul3A_535 = arith.mulf %get3A_534, %broadcast_in_dim3A_476 : vector<16xf32>
          %swap3A_536 = arith.index_cast %add3A_480 : i32 to index
          %swap3A_537 = arith.constant 80 : index
          %swap3A_538 = tpu.vector_load %arg17[%swap3A_536, %swap3A_537] {strides = array<i32>} : memref<32x128xf32, #tpu.memory_space<vmem>>, vector<1x16xf32>,
          %swap3A_539 = vector.shape_cast %swap3A_538 : vector<1x16xf32> to vector<16xf32>
          %swap3A_540 = vector.shape_cast %mul3A_535 : vector<16xf32> to vector<1x16xf32>
          tpu.vector_store %arg17[%swap3A_536, %swap3A_537], %swap3A_540 {strides = array<i32>} : memref<32x128xf32, #tpu.memory_space<vmem>>, vector<1x16xf32>,
          %get3A_541 = arith.index_cast %add3A_480 : i32 to index
          %get3A_542 = arith.constant 96 : index
          %get3A_543 = tpu.vector_load %arg17[%get3A_541, %get3A_542] {strides = array<i32>} : memref<32x128xf32, #tpu.memory_space<vmem>>, vector<1x16xf32>,
          %get3A_544 = vector.shape_cast %get3A_543 : vector<1x16xf32> to vector<16xf32>
          %mul3A_545 = arith.mulf %get3A_544, %broadcast_in_dim3A_476 : vector<16xf32>
          %swap3A_546 = arith.index_cast %add3A_480 : i32 to index
          %swap3A_547 = arith.constant 96 : index
          %swap3A_548 = tpu.vector_load %arg17[%swap3A_546, %swap3A_547] {strides = array<i32>} : memref<32x128xf32, #tpu.memory_space<vmem>>, vector<1x16xf32>,
          %swap3A_549 = vector.shape_cast %swap3A_548 : vector<1x16xf32> to vector<16xf32>
          %swap3A_550 = vector.shape_cast %mul3A_545 : vector<16xf32> to vector<1x16xf32>
          tpu.vector_store %arg17[%swap3A_546, %swap3A_547], %swap3A_550 {strides = array<i32>} : memref<32x128xf32, #tpu.memory_space<vmem>>, vector<1x16xf32>,
          %get3A_551 = arith.index_cast %add3A_480 : i32 to index
          %get3A_552 = arith.constant 112 : index
          %get3A_553 = tpu.vector_load %arg17[%get3A_551, %get3A_552] {strides = array<i32>} : memref<32x128xf32, #tpu.memory_space<vmem>>, vector<1x16xf32>,
          %get3A_554 = vector.shape_cast %get3A_553 : vector<1x16xf32> to vector<16xf32>
          %mul3A_555 = arith.mulf %get3A_554, %broadcast_in_dim3A_476 : vector<16xf32>
          %swap3A_556 = arith.index_cast %add3A_480 : i32 to index
          %swap3A_557 = arith.constant 112 : index
          %swap3A_558 = tpu.vector_load %arg17[%swap3A_556, %swap3A_557] {strides = array<i32>} : memref<32x128xf32, #tpu.memory_space<vmem>>, vector<1x16xf32>,
          %swap3A_559 = vector.shape_cast %swap3A_558 : vector<1x16xf32> to vector<16xf32>
          %swap3A_560 = vector.shape_cast %mul3A_555 : vector<16xf32> to vector<1x16xf32>
          tpu.vector_store %arg17[%swap3A_556, %swap3A_557], %swap3A_560 {strides = array<i32>} : memref<32x128xf32, #tpu.memory_space<vmem>>, vector<1x16xf32>,
          %slice3A_561 = vector.extract_strided_slice %get3A_127 {offsets = [5], sizes = [1], strides = [1]} : vector<16xf32> to vector<1xf32>
          %squeeze3A_562 = vector.extract %slice3A_561[0] : f32 from vector<1xf32>
          %broadcast_in_dim3A_563 = vector.broadcast %squeeze3A_562 : f32 to vector<16xf32>
          %mul3A_564 = arith.constant 16 : i32
          %mul3A_565 = arith.muli %add3A_119, %mul3A_564 : i32
          %add3A_566 = arith.constant 5 : i32
          %add3A_567 = arith.addi %mul3A_565, %add3A_566 : i32
          %get3A_568 = arith.index_cast %add3A_567 : i32 to index
          %get3A_569 = arith.constant 0 : index
          %get3A_570 = tpu.vector_load %arg17[%get3A_568, %get3A_569] {strides = array<i32>} : memref<32x128xf32, #tpu.memory_space<vmem>>, vector<1x16xf32>,
          %get3A_571 = vector.shape_cast %get3A_570 : vector<1x16xf32> to vector<16xf32>
          %mul3A_572 = arith.mulf %get3A_571, %broadcast_in_dim3A_563 : vector<16xf32>
          %swap3A_573 = arith.index_cast %add3A_567 : i32 to index
          %swap3A_574 = arith.constant 0 : index
          %swap3A_575 = tpu.vector_load %arg17[%swap3A_573, %swap3A_574] {strides = array<i32>} : memref<32x128xf32, #tpu.memory_space<vmem>>, vector<1x16xf32>,
          %swap3A_576 = vector.shape_cast %swap3A_575 : vector<1x16xf32> to vector<16xf32>
          %swap3A_577 = vector.shape_cast %mul3A_572 : vector<16xf32> to vector<1x16xf32>
          tpu.vector_store %arg17[%swap3A_573, %swap3A_574], %swap3A_577 {strides = array<i32>} : memref<32x128xf32, #tpu.memory_space<vmem>>, vector<1x16xf32>,
          %get3A_578 = arith.index_cast %add3A_567 : i32 to index
          %get3A_579 = arith.constant 16 : index
          %get3A_580 = tpu.vector_load %arg17[%get3A_578, %get3A_579] {strides = array<i32>} : memref<32x128xf32, #tpu.memory_space<vmem>>, vector<1x16xf32>,
          %get3A_581 = vector.shape_cast %get3A_580 : vector<1x16xf32> to vector<16xf32>
          %mul3A_582 = arith.mulf %get3A_581, %broadcast_in_dim3A_563 : vector<16xf32>
          %swap3A_583 = arith.index_cast %add3A_567 : i32 to index
          %swap3A_584 = arith.constant 16 : index
          %swap3A_585 = tpu.vector_load %arg17[%swap3A_583, %swap3A_584] {strides = array<i32>} : memref<32x128xf32, #tpu.memory_space<vmem>>, vector<1x16xf32>,
          %swap3A_586 = vector.shape_cast %swap3A_585 : vector<1x16xf32> to vector<16xf32>
          %swap3A_587 = vector.shape_cast %mul3A_582 : vector<16xf32> to vector<1x16xf32>
          tpu.vector_store %arg17[%swap3A_583, %swap3A_584], %swap3A_587 {strides = array<i32>} : memref<32x128xf32, #tpu.memory_space<vmem>>, vector<1x16xf32>,
          %get3A_588 = arith.index_cast %add3A_567 : i32 to index
          %get3A_589 = arith.constant 32 : index
          %get3A_590 = tpu.vector_load %arg17[%get3A_588, %get3A_589] {strides = array<i32>} : memref<32x128xf32, #tpu.memory_space<vmem>>, vector<1x16xf32>,
          %get3A_591 = vector.shape_cast %get3A_590 : vector<1x16xf32> to vector<16xf32>
          %mul3A_592 = arith.mulf %get3A_591, %broadcast_in_dim3A_563 : vector<16xf32>
          %swap3A_593 = arith.index_cast %add3A_567 : i32 to index
          %swap3A_594 = arith.constant 32 : index
          %swap3A_595 = tpu.vector_load %arg17[%swap3A_593, %swap3A_594] {strides = array<i32>} : memref<32x128xf32, #tpu.memory_space<vmem>>, vector<1x16xf32>,
          %swap3A_596 = vector.shape_cast %swap3A_595 : vector<1x16xf32> to vector<16xf32>
          %swap3A_597 = vector.shape_cast %mul3A_592 : vector<16xf32> to vector<1x16xf32>
          tpu.vector_store %arg17[%swap3A_593, %swap3A_594], %swap3A_597 {strides = array<i32>} : memref<32x128xf32, #tpu.memory_space<vmem>>, vector<1x16xf32>,
          %get3A_598 = arith.index_cast %add3A_567 : i32 to index
          %get3A_599 = arith.constant 48 : index
          %get3A_600 = tpu.vector_load %arg17[%get3A_598, %get3A_599] {strides = array<i32>} : memref<32x128xf32, #tpu.memory_space<vmem>>, vector<1x16xf32>,
          %get3A_601 = vector.shape_cast %get3A_600 : vector<1x16xf32> to vector<16xf32>
          %mul3A_602 = arith.mulf %get3A_601, %broadcast_in_dim3A_563 : vector<16xf32>
          %swap3A_603 = arith.index_cast %add3A_567 : i32 to index
          %swap3A_604 = arith.constant 48 : index
          %swap3A_605 = tpu.vector_load %arg17[%swap3A_603, %swap3A_604] {strides = array<i32>} : memref<32x128xf32, #tpu.memory_space<vmem>>, vector<1x16xf32>,
          %swap3A_606 = vector.shape_cast %swap3A_605 : vector<1x16xf32> to vector<16xf32>
          %swap3A_607 = vector.shape_cast %mul3A_602 : vector<16xf32> to vector<1x16xf32>
          tpu.vector_store %arg17[%swap3A_603, %swap3A_604], %swap3A_607 {strides = array<i32>} : memref<32x128xf32, #tpu.memory_space<vmem>>, vector<1x16xf32>,
          %get3A_608 = arith.index_cast %add3A_567 : i32 to index
          %get3A_609 = arith.constant 64 : index
          %get3A_610 = tpu.vector_load %arg17[%get3A_608, %get3A_609] {strides = array<i32>} : memref<32x128xf32, #tpu.memory_space<vmem>>, vector<1x16xf32>,
          %get3A_611 = vector.shape_cast %get3A_610 : vector<1x16xf32> to vector<16xf32>
          %mul3A_612 = arith.mulf %get3A_611, %broadcast_in_dim3A_563 : vector<16xf32>
          %swap3A_613 = arith.index_cast %add3A_567 : i32 to index
          %swap3A_614 = arith.constant 64 : index
          %swap3A_615 = tpu.vector_load %arg17[%swap3A_613, %swap3A_614] {strides = array<i32>} : memref<32x128xf32, #tpu.memory_space<vmem>>, vector<1x16xf32>,
          %swap3A_616 = vector.shape_cast %swap3A_615 : vector<1x16xf32> to vector<16xf32>
          %swap3A_617 = vector.shape_cast %mul3A_612 : vector<16xf32> to vector<1x16xf32>
          tpu.vector_store %arg17[%swap3A_613, %swap3A_614], %swap3A_617 {strides = array<i32>} : memref<32x128xf32, #tpu.memory_space<vmem>>, vector<1x16xf32>,
          %get3A_618 = arith.index_cast %add3A_567 : i32 to index
          %get3A_619 = arith.constant 80 : index
          %get3A_620 = tpu.vector_load %arg17[%get3A_618, %get3A_619] {strides = array<i32>} : memref<32x128xf32, #tpu.memory_space<vmem>>, vector<1x16xf32>,
          %get3A_621 = vector.shape_cast %get3A_620 : vector<1x16xf32> to vector<16xf32>
          %mul3A_622 = arith.mulf %get3A_621, %broadcast_in_dim3A_563 : vector<16xf32>
          %swap3A_623 = arith.index_cast %add3A_567 : i32 to index
          %swap3A_624 = arith.constant 80 : index
          %swap3A_625 = tpu.vector_load %arg17[%swap3A_623, %swap3A_624] {strides = array<i32>} : memref<32x128xf32, #tpu.memory_space<vmem>>, vector<1x16xf32>,
          %swap3A_626 = vector.shape_cast %swap3A_625 : vector<1x16xf32> to vector<16xf32>
          %swap3A_627 = vector.shape_cast %mul3A_622 : vector<16xf32> to vector<1x16xf32>
          tpu.vector_store %arg17[%swap3A_623, %swap3A_624], %swap3A_627 {strides = array<i32>} : memref<32x128xf32, #tpu.memory_space<vmem>>, vector<1x16xf32>,
          %get3A_628 = arith.index_cast %add3A_567 : i32 to index
          %get3A_629 = arith.constant 96 : index
          %get3A_630 = tpu.vector_load %arg17[%get3A_628, %get3A_629] {strides = array<i32>} : memref<32x128xf32, #tpu.memory_space<vmem>>, vector<1x16xf32>,
          %get3A_631 = vector.shape_cast %get3A_630 : vector<1x16xf32> to vector<16xf32>
          %mul3A_632 = arith.mulf %get3A_631, %broadcast_in_dim3A_563 : vector<16xf32>
          %swap3A_633 = arith.index_cast %add3A_567 : i32 to index
          %swap3A_634 = arith.constant 96 : index
          %swap3A_635 = tpu.vector_load %arg17[%swap3A_633, %swap3A_634] {strides = array<i32>} : memref<32x128xf32, #tpu.memory_space<vmem>>, vector<1x16xf32>,
          %swap3A_636 = vector.shape_cast %swap3A_635 : vector<1x16xf32> to vector<16xf32>
          %swap3A_637 = vector.shape_cast %mul3A_632 : vector<16xf32> to vector<1x16xf32>
          tpu.vector_store %arg17[%swap3A_633, %swap3A_634], %swap3A_637 {strides = array<i32>} : memref<32x128xf32, #tpu.memory_space<vmem>>, vector<1x16xf32>,
          %get3A_638 = arith.index_cast %add3A_567 : i32 to index
          %get3A_639 = arith.constant 112 : index
          %get3A_640 = tpu.vector_load %arg17[%get3A_638, %get3A_639] {strides = array<i32>} : memref<32x128xf32, #tpu.memory_space<vmem>>, vector<1x16xf32>,
          %get3A_641 = vector.shape_cast %get3A_640 : vector<1x16xf32> to vector<16xf32>
          %mul3A_642 = arith.mulf %get3A_641, %broadcast_in_dim3A_563 : vector<16xf32>
          %swap3A_643 = arith.index_cast %add3A_567 : i32 to index
          %swap3A_644 = arith.constant 112 : index
          %swap3A_645 = tpu.vector_load %arg17[%swap3A_643, %swap3A_644] {strides = array<i32>} : memref<32x128xf32, #tpu.memory_space<vmem>>, vector<1x16xf32>,
          %swap3A_646 = vector.shape_cast %swap3A_645 : vector<1x16xf32> to vector<16xf32>
          %swap3A_647 = vector.shape_cast %mul3A_642 : vector<16xf32> to vector<1x16xf32>
          tpu.vector_store %arg17[%swap3A_643, %swap3A_644], %swap3A_647 {strides = array<i32>} : memref<32x128xf32, #tpu.memory_space<vmem>>, vector<1x16xf32>,
          %slice3A_648 = vector.extract_strided_slice %get3A_127 {offsets = [6], sizes = [1], strides = [1]} : vector<16xf32> to vector<1xf32>
          %squeeze3A_649 = vector.extract %slice3A_648[0] : f32 from vector<1xf32>
          %broadcast_in_dim3A_650 = vector.broadcast %squeeze3A_649 : f32 to vector<16xf32>
          %mul3A_651 = arith.constant 16 : i32
          %mul3A_652 = arith.muli %add3A_119, %mul3A_651 : i32
          %add3A_653 = arith.constant 6 : i32
          %add3A_654 = arith.addi %mul3A_652, %add3A_653 : i32
          %get3A_655 = arith.index_cast %add3A_654 : i32 to index
          %get3A_656 = arith.constant 0 : index
          %get3A_657 = tpu.vector_load %arg17[%get3A_655, %get3A_656] {strides = array<i32>} : memref<32x128xf32, #tpu.memory_space<vmem>>, vector<1x16xf32>,
          %get3A_658 = vector.shape_cast %get3A_657 : vector<1x16xf32> to vector<16xf32>
          %mul3A_659 = arith.mulf %get3A_658, %broadcast_in_dim3A_650 : vector<16xf32>
          %swap3A_660 = arith.index_cast %add3A_654 : i32 to index
          %swap3A_661 = arith.constant 0 : index
          %swap3A_662 = tpu.vector_load %arg17[%swap3A_660, %swap3A_661] {strides = array<i32>} : memref<32x128xf32, #tpu.memory_space<vmem>>, vector<1x16xf32>,
          %swap3A_663 = vector.shape_cast %swap3A_662 : vector<1x16xf32> to vector<16xf32>
          %swap3A_664 = vector.shape_cast %mul3A_659 : vector<16xf32> to vector<1x16xf32>
          tpu.vector_store %arg17[%swap3A_660, %swap3A_661], %swap3A_664 {strides = array<i32>} : memref<32x128xf32, #tpu.memory_space<vmem>>, vector<1x16xf32>,
          %get3A_665 = arith.index_cast %add3A_654 : i32 to index
          %get3A_666 = arith.constant 16 : index
          %get3A_667 = tpu.vector_load %arg17[%get3A_665, %get3A_666] {strides = array<i32>} : memref<32x128xf32, #tpu.memory_space<vmem>>, vector<1x16xf32>,
          %get3A_668 = vector.shape_cast %get3A_667 : vector<1x16xf32> to vector<16xf32>
          %mul3A_669 = arith.mulf %get3A_668, %broadcast_in_dim3A_650 : vector<16xf32>
          %swap3A_670 = arith.index_cast %add3A_654 : i32 to index
          %swap3A_671 = arith.constant 16 : index
          %swap3A_672 = tpu.vector_load %arg17[%swap3A_670, %swap3A_671] {strides = array<i32>} : memref<32x128xf32, #tpu.memory_space<vmem>>, vector<1x16xf32>,
          %swap3A_673 = vector.shape_cast %swap3A_672 : vector<1x16xf32> to vector<16xf32>
          %swap3A_674 = vector.shape_cast %mul3A_669 : vector<16xf32> to vector<1x16xf32>
          tpu.vector_store %arg17[%swap3A_670, %swap3A_671], %swap3A_674 {strides = array<i32>} : memref<32x128xf32, #tpu.memory_space<vmem>>, vector<1x16xf32>,
          %get3A_675 = arith.index_cast %add3A_654 : i32 to index
          %get3A_676 = arith.constant 32 : index
          %get3A_677 = tpu.vector_load %arg17[%get3A_675, %get3A_676] {strides = array<i32>} : memref<32x128xf32, #tpu.memory_space<vmem>>, vector<1x16xf32>,
          %get3A_678 = vector.shape_cast %get3A_677 : vector<1x16xf32> to vector<16xf32>
          %mul3A_679 = arith.mulf %get3A_678, %broadcast_in_dim3A_650 : vector<16xf32>
          %swap3A_680 = arith.index_cast %add3A_654 : i32 to index
          %swap3A_681 = arith.constant 32 : index
          %swap3A_682 = tpu.vector_load %arg17[%swap3A_680, %swap3A_681] {strides = array<i32>} : memref<32x128xf32, #tpu.memory_space<vmem>>, vector<1x16xf32>,
          %swap3A_683 = vector.shape_cast %swap3A_682 : vector<1x16xf32> to vector<16xf32>
          %swap3A_684 = vector.shape_cast %mul3A_679 : vector<16xf32> to vector<1x16xf32>
          tpu.vector_store %arg17[%swap3A_680, %swap3A_681], %swap3A_684 {strides = array<i32>} : memref<32x128xf32, #tpu.memory_space<vmem>>, vector<1x16xf32>,
          %get3A_685 = arith.index_cast %add3A_654 : i32 to index
          %get3A_686 = arith.constant 48 : index
          %get3A_687 = tpu.vector_load %arg17[%get3A_685, %get3A_686] {strides = array<i32>} : memref<32x128xf32, #tpu.memory_space<vmem>>, vector<1x16xf32>,
          %get3A_688 = vector.shape_cast %get3A_687 : vector<1x16xf32> to vector<16xf32>
          %mul3A_689 = arith.mulf %get3A_688, %broadcast_in_dim3A_650 : vector<16xf32>
          %swap3A_690 = arith.index_cast %add3A_654 : i32 to index
          %swap3A_691 = arith.constant 48 : index
          %swap3A_692 = tpu.vector_load %arg17[%swap3A_690, %swap3A_691] {strides = array<i32>} : memref<32x128xf32, #tpu.memory_space<vmem>>, vector<1x16xf32>,
          %swap3A_693 = vector.shape_cast %swap3A_692 : vector<1x16xf32> to vector<16xf32>
          %swap3A_694 = vector.shape_cast %mul3A_689 : vector<16xf32> to vector<1x16xf32>
          tpu.vector_store %arg17[%swap3A_690, %swap3A_691], %swap3A_694 {strides = array<i32>} : memref<32x128xf32, #tpu.memory_space<vmem>>, vector<1x16xf32>,
          %get3A_695 = arith.index_cast %add3A_654 : i32 to index
          %get3A_696 = arith.constant 64 : index
          %get3A_697 = tpu.vector_load %arg17[%get3A_695, %get3A_696] {strides = array<i32>} : memref<32x128xf32, #tpu.memory_space<vmem>>, vector<1x16xf32>,
          %get3A_698 = vector.shape_cast %get3A_697 : vector<1x16xf32> to vector<16xf32>
          %mul3A_699 = arith.mulf %get3A_698, %broadcast_in_dim3A_650 : vector<16xf32>
          %swap3A_700 = arith.index_cast %add3A_654 : i32 to index
          %swap3A_701 = arith.constant 64 : index
          %swap3A_702 = tpu.vector_load %arg17[%swap3A_700, %swap3A_701] {strides = array<i32>} : memref<32x128xf32, #tpu.memory_space<vmem>>, vector<1x16xf32>,
          %swap3A_703 = vector.shape_cast %swap3A_702 : vector<1x16xf32> to vector<16xf32>
          %swap3A_704 = vector.shape_cast %mul3A_699 : vector<16xf32> to vector<1x16xf32>
          tpu.vector_store %arg17[%swap3A_700, %swap3A_701], %swap3A_704 {strides = array<i32>} : memref<32x128xf32, #tpu.memory_space<vmem>>, vector<1x16xf32>,
          %get3A_705 = arith.index_cast %add3A_654 : i32 to index
          %get3A_706 = arith.constant 80 : index
          %get3A_707 = tpu.vector_load %arg17[%get3A_705, %get3A_706] {strides = array<i32>} : memref<32x128xf32, #tpu.memory_space<vmem>>, vector<1x16xf32>,
          %get3A_708 = vector.shape_cast %get3A_707 : vector<1x16xf32> to vector<16xf32>
          %mul3A_709 = arith.mulf %get3A_708, %broadcast_in_dim3A_650 : vector<16xf32>
          %swap3A_710 = arith.index_cast %add3A_654 : i32 to index
          %swap3A_711 = arith.constant 80 : index
          %swap3A_712 = tpu.vector_load %arg17[%swap3A_710, %swap3A_711] {strides = array<i32>} : memref<32x128xf32, #tpu.memory_space<vmem>>, vector<1x16xf32>,
          %swap3A_713 = vector.shape_cast %swap3A_712 : vector<1x16xf32> to vector<16xf32>
          %swap3A_714 = vector.shape_cast %mul3A_709 : vector<16xf32> to vector<1x16xf32>
          tpu.vector_store %arg17[%swap3A_710, %swap3A_711], %swap3A_714 {strides = array<i32>} : memref<32x128xf32, #tpu.memory_space<vmem>>, vector<1x16xf32>,
          %get3A_715 = arith.index_cast %add3A_654 : i32 to index
          %get3A_716 = arith.constant 96 : index
          %get3A_717 = tpu.vector_load %arg17[%get3A_715, %get3A_716] {strides = array<i32>} : memref<32x128xf32, #tpu.memory_space<vmem>>, vector<1x16xf32>,
          %get3A_718 = vector.shape_cast %get3A_717 : vector<1x16xf32> to vector<16xf32>
          %mul3A_719 = arith.mulf %get3A_718, %broadcast_in_dim3A_650 : vector<16xf32>
          %swap3A_720 = arith.index_cast %add3A_654 : i32 to index
          %swap3A_721 = arith.constant 96 : index
          %swap3A_722 = tpu.vector_load %arg17[%swap3A_720, %swap3A_721] {strides = array<i32>} : memref<32x128xf32, #tpu.memory_space<vmem>>, vector<1x16xf32>,
          %swap3A_723 = vector.shape_cast %swap3A_722 : vector<1x16xf32> to vector<16xf32>
          %swap3A_724 = vector.shape_cast %mul3A_719 : vector<16xf32> to vector<1x16xf32>
          tpu.vector_store %arg17[%swap3A_720, %swap3A_721], %swap3A_724 {strides = array<i32>} : memref<32x128xf32, #tpu.memory_space<vmem>>, vector<1x16xf32>,
          %get3A_725 = arith.index_cast %add3A_654 : i32 to index
          %get3A_726 = arith.constant 112 : index
          %get3A_727 = tpu.vector_load %arg17[%get3A_725, %get3A_726] {strides = array<i32>} : memref<32x128xf32, #tpu.memory_space<vmem>>, vector<1x16xf32>,
          %get3A_728 = vector.shape_cast %get3A_727 : vector<1x16xf32> to vector<16xf32>
          %mul3A_729 = arith.mulf %get3A_728, %broadcast_in_dim3A_650 : vector<16xf32>
          %swap3A_730 = arith.index_cast %add3A_654 : i32 to index
          %swap3A_731 = arith.constant 112 : index
          %swap3A_732 = tpu.vector_load %arg17[%swap3A_730, %swap3A_731] {strides = array<i32>} : memref<32x128xf32, #tpu.memory_space<vmem>>, vector<1x16xf32>,
          %swap3A_733 = vector.shape_cast %swap3A_732 : vector<1x16xf32> to vector<16xf32>
          %swap3A_734 = vector.shape_cast %mul3A_729 : vector<16xf32> to vector<1x16xf32>
          tpu.vector_store %arg17[%swap3A_730, %swap3A_731], %swap3A_734 {strides = array<i32>} : memref<32x128xf32, #tpu.memory_space<vmem>>, vector<1x16xf32>,
          %slice3A_735 = vector.extract_strided_slice %get3A_127 {offsets = [7], sizes = [1], strides = [1]} : vector<16xf32> to vector<1xf32>
          %squeeze3A_736 = vector.extract %slice3A_735[0] : f32 from vector<1xf32>
          %broadcast_in_dim3A_737 = vector.broadcast %squeeze3A_736 : f32 to vector<16xf32>
          %mul3A_738 = arith.constant 16 : i32
          %mul3A_739 = arith.muli %add3A_119, %mul3A_738 : i32
          %add3A_740 = arith.constant 7 : i32
          %add3A_741 = arith.addi %mul3A_739, %add3A_740 : i32
          %get3A_742 = arith.index_cast %add3A_741 : i32 to index
          %get3A_743 = arith.constant 0 : index
          %get3A_744 = tpu.vector_load %arg17[%get3A_742, %get3A_743] {strides = array<i32>} : memref<32x128xf32, #tpu.memory_space<vmem>>, vector<1x16xf32>,
          %get3A_745 = vector.shape_cast %get3A_744 : vector<1x16xf32> to vector<16xf32>
          %mul3A_746 = arith.mulf %get3A_745, %broadcast_in_dim3A_737 : vector<16xf32>
          %swap3A_747 = arith.index_cast %add3A_741 : i32 to index
          %swap3A_748 = arith.constant 0 : index
          %swap3A_749 = tpu.vector_load %arg17[%swap3A_747, %swap3A_748] {strides = array<i32>} : memref<32x128xf32, #tpu.memory_space<vmem>>, vector<1x16xf32>,
          %swap3A_750 = vector.shape_cast %swap3A_749 : vector<1x16xf32> to vector<16xf32>
          %swap3A_751 = vector.shape_cast %mul3A_746 : vector<16xf32> to vector<1x16xf32>
          tpu.vector_store %arg17[%swap3A_747, %swap3A_748], %swap3A_751 {strides = array<i32>} : memref<32x128xf32, #tpu.memory_space<vmem>>, vector<1x16xf32>,
          %get3A_752 = arith.index_cast %add3A_741 : i32 to index
          %get3A_753 = arith.constant 16 : index
          %get3A_754 = tpu.vector_load %arg17[%get3A_752, %get3A_753] {strides = array<i32>} : memref<32x128xf32, #tpu.memory_space<vmem>>, vector<1x16xf32>,
          %get3A_755 = vector.shape_cast %get3A_754 : vector<1x16xf32> to vector<16xf32>
          %mul3A_756 = arith.mulf %get3A_755, %broadcast_in_dim3A_737 : vector<16xf32>
          %swap3A_757 = arith.index_cast %add3A_741 : i32 to index
          %swap3A_758 = arith.constant 16 : index
          %swap3A_759 = tpu.vector_load %arg17[%swap3A_757, %swap3A_758] {strides = array<i32>} : memref<32x128xf32, #tpu.memory_space<vmem>>, vector<1x16xf32>,
          %swap3A_760 = vector.shape_cast %swap3A_759 : vector<1x16xf32> to vector<16xf32>
          %swap3A_761 = vector.shape_cast %mul3A_756 : vector<16xf32> to vector<1x16xf32>
          tpu.vector_store %arg17[%swap3A_757, %swap3A_758], %swap3A_761 {strides = array<i32>} : memref<32x128xf32, #tpu.memory_space<vmem>>, vector<1x16xf32>,
          %get3A_762 = arith.index_cast %add3A_741 : i32 to index
          %get3A_763 = arith.constant 32 : index
          %get3A_764 = tpu.vector_load %arg17[%get3A_762, %get3A_763] {strides = array<i32>} : memref<32x128xf32, #tpu.memory_space<vmem>>, vector<1x16xf32>,
          %get3A_765 = vector.shape_cast %get3A_764 : vector<1x16xf32> to vector<16xf32>
          %mul3A_766 = arith.mulf %get3A_765, %broadcast_in_dim3A_737 : vector<16xf32>
          %swap3A_767 = arith.index_cast %add3A_741 : i32 to index
          %swap3A_768 = arith.constant 32 : index
          %swap3A_769 = tpu.vector_load %arg17[%swap3A_767, %swap3A_768] {strides = array<i32>} : memref<32x128xf32, #tpu.memory_space<vmem>>, vector<1x16xf32>,
          %swap3A_770 = vector.shape_cast %swap3A_769 : vector<1x16xf32> to vector<16xf32>
          %swap3A_771 = vector.shape_cast %mul3A_766 : vector<16xf32> to vector<1x16xf32>
          tpu.vector_store %arg17[%swap3A_767, %swap3A_768], %swap3A_771 {strides = array<i32>} : memref<32x128xf32, #tpu.memory_space<vmem>>, vector<1x16xf32>,
          %get3A_772 = arith.index_cast %add3A_741 : i32 to index
          %get3A_773 = arith.constant 48 : index
          %get3A_774 = tpu.vector_load %arg17[%get3A_772, %get3A_773] {strides = array<i32>} : memref<32x128xf32, #tpu.memory_space<vmem>>, vector<1x16xf32>,
          %get3A_775 = vector.shape_cast %get3A_774 : vector<1x16xf32> to vector<16xf32>
          %mul3A_776 = arith.mulf %get3A_775, %broadcast_in_dim3A_737 : vector<16xf32>
          %swap3A_777 = arith.index_cast %add3A_741 : i32 to index
          %swap3A_778 = arith.constant 48 : index
          %swap3A_779 = tpu.vector_load %arg17[%swap3A_777, %swap3A_778] {strides = array<i32>} : memref<32x128xf32, #tpu.memory_space<vmem>>, vector<1x16xf32>,
          %swap3A_780 = vector.shape_cast %swap3A_779 : vector<1x16xf32> to vector<16xf32>
          %swap3A_781 = vector.shape_cast %mul3A_776 : vector<16xf32> to vector<1x16xf32>
          tpu.vector_store %arg17[%swap3A_777, %swap3A_778], %swap3A_781 {strides = array<i32>} : memref<32x128xf32, #tpu.memory_space<vmem>>, vector<1x16xf32>,
          %get3A_782 = arith.index_cast %add3A_741 : i32 to index
          %get3A_783 = arith.constant 64 : index
          %get3A_784 = tpu.vector_load %arg17[%get3A_782, %get3A_783] {strides = array<i32>} : memref<32x128xf32, #tpu.memory_space<vmem>>, vector<1x16xf32>,
          %get3A_785 = vector.shape_cast %get3A_784 : vector<1x16xf32> to vector<16xf32>
          %mul3A_786 = arith.mulf %get3A_785, %broadcast_in_dim3A_737 : vector<16xf32>
          %swap3A_787 = arith.index_cast %add3A_741 : i32 to index
          %swap3A_788 = arith.constant 64 : index
          %swap3A_789 = tpu.vector_load %arg17[%swap3A_787, %swap3A_788] {strides = array<i32>} : memref<32x128xf32, #tpu.memory_space<vmem>>, vector<1x16xf32>,
          %swap3A_790 = vector.shape_cast %swap3A_789 : vector<1x16xf32> to vector<16xf32>
          %swap3A_791 = vector.shape_cast %mul3A_786 : vector<16xf32> to vector<1x16xf32>
          tpu.vector_store %arg17[%swap3A_787, %swap3A_788], %swap3A_791 {strides = array<i32>} : memref<32x128xf32, #tpu.memory_space<vmem>>, vector<1x16xf32>,
          %get3A_792 = arith.index_cast %add3A_741 : i32 to index
          %get3A_793 = arith.constant 80 : index
          %get3A_794 = tpu.vector_load %arg17[%get3A_792, %get3A_793] {strides = array<i32>} : memref<32x128xf32, #tpu.memory_space<vmem>>, vector<1x16xf32>,
          %get3A_795 = vector.shape_cast %get3A_794 : vector<1x16xf32> to vector<16xf32>
          %mul3A_796 = arith.mulf %get3A_795, %broadcast_in_dim3A_737 : vector<16xf32>
          %swap3A_797 = arith.index_cast %add3A_741 : i32 to index
          %swap3A_798 = arith.constant 80 : index
          %swap3A_799 = tpu.vector_load %arg17[%swap3A_797, %swap3A_798] {strides = array<i32>} : memref<32x128xf32, #tpu.memory_space<vmem>>, vector<1x16xf32>,
          %swap3A_800 = vector.shape_cast %swap3A_799 : vector<1x16xf32> to vector<16xf32>
          %swap3A_801 = vector.shape_cast %mul3A_796 : vector<16xf32> to vector<1x16xf32>
          tpu.vector_store %arg17[%swap3A_797, %swap3A_798], %swap3A_801 {strides = array<i32>} : memref<32x128xf32, #tpu.memory_space<vmem>>, vector<1x16xf32>,
          %get3A_802 = arith.index_cast %add3A_741 : i32 to index
          %get3A_803 = arith.constant 96 : index
          %get3A_804 = tpu.vector_load %arg17[%get3A_802, %get3A_803] {strides = array<i32>} : memref<32x128xf32, #tpu.memory_space<vmem>>, vector<1x16xf32>,
          %get3A_805 = vector.shape_cast %get3A_804 : vector<1x16xf32> to vector<16xf32>
          %mul3A_806 = arith.mulf %get3A_805, %broadcast_in_dim3A_737 : vector<16xf32>
          %swap3A_807 = arith.index_cast %add3A_741 : i32 to index
          %swap3A_808 = arith.constant 96 : index
          %swap3A_809 = tpu.vector_load %arg17[%swap3A_807, %swap3A_808] {strides = array<i32>} : memref<32x128xf32, #tpu.memory_space<vmem>>, vector<1x16xf32>,
          %swap3A_810 = vector.shape_cast %swap3A_809 : vector<1x16xf32> to vector<16xf32>
          %swap3A_811 = vector.shape_cast %mul3A_806 : vector<16xf32> to vector<1x16xf32>
          tpu.vector_store %arg17[%swap3A_807, %swap3A_808], %swap3A_811 {strides = array<i32>} : memref<32x128xf32, #tpu.memory_space<vmem>>, vector<1x16xf32>,
          %get3A_812 = arith.index_cast %add3A_741 : i32 to index
          %get3A_813 = arith.constant 112 : index
          %get3A_814 = tpu.vector_load %arg17[%get3A_812, %get3A_813] {strides = array<i32>} : memref<32x128xf32, #tpu.memory_space<vmem>>, vector<1x16xf32>,
          %get3A_815 = vector.shape_cast %get3A_814 : vector<1x16xf32> to vector<16xf32>
          %mul3A_816 = arith.mulf %get3A_815, %broadcast_in_dim3A_737 : vector<16xf32>
          %swap3A_817 = arith.index_cast %add3A_741 : i32 to index
          %swap3A_818 = arith.constant 112 : index
          %swap3A_819 = tpu.vector_load %arg17[%swap3A_817, %swap3A_818] {strides = array<i32>} : memref<32x128xf32, #tpu.memory_space<vmem>>, vector<1x16xf32>,
          %swap3A_820 = vector.shape_cast %swap3A_819 : vector<1x16xf32> to vector<16xf32>
          %swap3A_821 = vector.shape_cast %mul3A_816 : vector<16xf32> to vector<1x16xf32>
          tpu.vector_store %arg17[%swap3A_817, %swap3A_818], %swap3A_821 {strides = array<i32>} : memref<32x128xf32, #tpu.memory_space<vmem>>, vector<1x16xf32>,
          %slice3A_822 = vector.extract_strided_slice %get3A_127 {offsets = [8], sizes = [1], strides = [1]} : vector<16xf32> to vector<1xf32>
          %squeeze3A_823 = vector.extract %slice3A_822[0] : f32 from vector<1xf32>
          %broadcast_in_dim3A_824 = vector.broadcast %squeeze3A_823 : f32 to vector<16xf32>
          %mul3A_825 = arith.constant 16 : i32
          %mul3A_826 = arith.muli %add3A_119, %mul3A_825 : i32
          %add3A_827 = arith.constant 8 : i32
          %add3A_828 = arith.addi %mul3A_826, %add3A_827 : i32
          %get3A_829 = arith.index_cast %add3A_828 : i32 to index
          %get3A_830 = arith.constant 0 : index
          %get3A_831 = tpu.vector_load %arg17[%get3A_829, %get3A_830] {strides = array<i32>} : memref<32x128xf32, #tpu.memory_space<vmem>>, vector<1x16xf32>,
          %get3A_832 = vector.shape_cast %get3A_831 : vector<1x16xf32> to vector<16xf32>
          %mul3A_833 = arith.mulf %get3A_832, %broadcast_in_dim3A_824 : vector<16xf32>
          %swap3A_834 = arith.index_cast %add3A_828 : i32 to index
          %swap3A_835 = arith.constant 0 : index
          %swap3A_836 = tpu.vector_load %arg17[%swap3A_834, %swap3A_835] {strides = array<i32>} : memref<32x128xf32, #tpu.memory_space<vmem>>, vector<1x16xf32>,
          %swap3A_837 = vector.shape_cast %swap3A_836 : vector<1x16xf32> to vector<16xf32>
          %swap3A_838 = vector.shape_cast %mul3A_833 : vector<16xf32> to vector<1x16xf32>
          tpu.vector_store %arg17[%swap3A_834, %swap3A_835], %swap3A_838 {strides = array<i32>} : memref<32x128xf32, #tpu.memory_space<vmem>>, vector<1x16xf32>,
          %get3A_839 = arith.index_cast %add3A_828 : i32 to index
          %get3A_840 = arith.constant 16 : index
          %get3A_841 = tpu.vector_load %arg17[%get3A_839, %get3A_840] {strides = array<i32>} : memref<32x128xf32, #tpu.memory_space<vmem>>, vector<1x16xf32>,
          %get3A_842 = vector.shape_cast %get3A_841 : vector<1x16xf32> to vector<16xf32>
          %mul3A_843 = arith.mulf %get3A_842, %broadcast_in_dim3A_824 : vector<16xf32>
          %swap3A_844 = arith.index_cast %add3A_828 : i32 to index
          %swap3A_845 = arith.constant 16 : index
          %swap3A_846 = tpu.vector_load %arg17[%swap3A_844, %swap3A_845] {strides = array<i32>} : memref<32x128xf32, #tpu.memory_space<vmem>>, vector<1x16xf32>,
          %swap3A_847 = vector.shape_cast %swap3A_846 : vector<1x16xf32> to vector<16xf32>
          %swap3A_848 = vector.shape_cast %mul3A_843 : vector<16xf32> to vector<1x16xf32>
          tpu.vector_store %arg17[%swap3A_844, %swap3A_845], %swap3A_848 {strides = array<i32>} : memref<32x128xf32, #tpu.memory_space<vmem>>, vector<1x16xf32>,
          %get3A_849 = arith.index_cast %add3A_828 : i32 to index
          %get3A_850 = arith.constant 32 : index
          %get3A_851 = tpu.vector_load %arg17[%get3A_849, %get3A_850] {strides = array<i32>} : memref<32x128xf32, #tpu.memory_space<vmem>>, vector<1x16xf32>,
          %get3A_852 = vector.shape_cast %get3A_851 : vector<1x16xf32> to vector<16xf32>
          %mul3A_853 = arith.mulf %get3A_852, %broadcast_in_dim3A_824 : vector<16xf32>
          %swap3A_854 = arith.index_cast %add3A_828 : i32 to index
          %swap3A_855 = arith.constant 32 : index
          %swap3A_856 = tpu.vector_load %arg17[%swap3A_854, %swap3A_855] {strides = array<i32>} : memref<32x128xf32, #tpu.memory_space<vmem>>, vector<1x16xf32>,
          %swap3A_857 = vector.shape_cast %swap3A_856 : vector<1x16xf32> to vector<16xf32>
          %swap3A_858 = vector.shape_cast %mul3A_853 : vector<16xf32> to vector<1x16xf32>
          tpu.vector_store %arg17[%swap3A_854, %swap3A_855], %swap3A_858 {strides = array<i32>} : memref<32x128xf32, #tpu.memory_space<vmem>>, vector<1x16xf32>,
          %get3A_859 = arith.index_cast %add3A_828 : i32 to index
          %get3A_860 = arith.constant 48 : index
          %get3A_861 = tpu.vector_load %arg17[%get3A_859, %get3A_860] {strides = array<i32>} : memref<32x128xf32, #tpu.memory_space<vmem>>, vector<1x16xf32>,
          %get3A_862 = vector.shape_cast %get3A_861 : vector<1x16xf32> to vector<16xf32>
          %mul3A_863 = arith.mulf %get3A_862, %broadcast_in_dim3A_824 : vector<16xf32>
          %swap3A_864 = arith.index_cast %add3A_828 : i32 to index
          %swap3A_865 = arith.constant 48 : index
          %swap3A_866 = tpu.vector_load %arg17[%swap3A_864, %swap3A_865] {strides = array<i32>} : memref<32x128xf32, #tpu.memory_space<vmem>>, vector<1x16xf32>,
          %swap3A_867 = vector.shape_cast %swap3A_866 : vector<1x16xf32> to vector<16xf32>
          %swap3A_868 = vector.shape_cast %mul3A_863 : vector<16xf32> to vector<1x16xf32>
          tpu.vector_store %arg17[%swap3A_864, %swap3A_865], %swap3A_868 {strides = array<i32>} : memref<32x128xf32, #tpu.memory_space<vmem>>, vector<1x16xf32>,
          %get3A_869 = arith.index_cast %add3A_828 : i32 to index
          %get3A_870 = arith.constant 64 : index
          %get3A_871 = tpu.vector_load %arg17[%get3A_869, %get3A_870] {strides = array<i32>} : memref<32x128xf32, #tpu.memory_space<vmem>>, vector<1x16xf32>,
          %get3A_872 = vector.shape_cast %get3A_871 : vector<1x16xf32> to vector<16xf32>
          %mul3A_873 = arith.mulf %get3A_872, %broadcast_in_dim3A_824 : vector<16xf32>
          %swap3A_874 = arith.index_cast %add3A_828 : i32 to index
          %swap3A_875 = arith.constant 64 : index
          %swap3A_876 = tpu.vector_load %arg17[%swap3A_874, %swap3A_875] {strides = array<i32>} : memref<32x128xf32, #tpu.memory_space<vmem>>, vector<1x16xf32>,
          %swap3A_877 = vector.shape_cast %swap3A_876 : vector<1x16xf32> to vector<16xf32>
          %swap3A_878 = vector.shape_cast %mul3A_873 : vector<16xf32> to vector<1x16xf32>
          tpu.vector_store %arg17[%swap3A_874, %swap3A_875], %swap3A_878 {strides = array<i32>} : memref<32x128xf32, #tpu.memory_space<vmem>>, vector<1x16xf32>,
          %get3A_879 = arith.index_cast %add3A_828 : i32 to index
          %get3A_880 = arith.constant 80 : index
          %get3A_881 = tpu.vector_load %arg17[%get3A_879, %get3A_880] {strides = array<i32>} : memref<32x128xf32, #tpu.memory_space<vmem>>, vector<1x16xf32>,
          %get3A_882 = vector.shape_cast %get3A_881 : vector<1x16xf32> to vector<16xf32>
          %mul3A_883 = arith.mulf %get3A_882, %broadcast_in_dim3A_824 : vector<16xf32>
          %swap3A_884 = arith.index_cast %add3A_828 : i32 to index
          %swap3A_885 = arith.constant 80 : index
          %swap3A_886 = tpu.vector_load %arg17[%swap3A_884, %swap3A_885] {strides = array<i32>} : memref<32x128xf32, #tpu.memory_space<vmem>>, vector<1x16xf32>,
          %swap3A_887 = vector.shape_cast %swap3A_886 : vector<1x16xf32> to vector<16xf32>
          %swap3A_888 = vector.shape_cast %mul3A_883 : vector<16xf32> to vector<1x16xf32>
          tpu.vector_store %arg17[%swap3A_884, %swap3A_885], %swap3A_888 {strides = array<i32>} : memref<32x128xf32, #tpu.memory_space<vmem>>, vector<1x16xf32>,
          %get3A_889 = arith.index_cast %add3A_828 : i32 to index
          %get3A_890 = arith.constant 96 : index
          %get3A_891 = tpu.vector_load %arg17[%get3A_889, %get3A_890] {strides = array<i32>} : memref<32x128xf32, #tpu.memory_space<vmem>>, vector<1x16xf32>,
          %get3A_892 = vector.shape_cast %get3A_891 : vector<1x16xf32> to vector<16xf32>
          %mul3A_893 = arith.mulf %get3A_892, %broadcast_in_dim3A_824 : vector<16xf32>
          %swap3A_894 = arith.index_cast %add3A_828 : i32 to index
          %swap3A_895 = arith.constant 96 : index
          %swap3A_896 = tpu.vector_load %arg17[%swap3A_894, %swap3A_895] {strides = array<i32>} : memref<32x128xf32, #tpu.memory_space<vmem>>, vector<1x16xf32>,
          %swap3A_897 = vector.shape_cast %swap3A_896 : vector<1x16xf32> to vector<16xf32>
          %swap3A_898 = vector.shape_cast %mul3A_893 : vector<16xf32> to vector<1x16xf32>
          tpu.vector_store %arg17[%swap3A_894, %swap3A_895], %swap3A_898 {strides = array<i32>} : memref<32x128xf32, #tpu.memory_space<vmem>>, vector<1x16xf32>,
          %get3A_899 = arith.index_cast %add3A_828 : i32 to index
          %get3A_900 = arith.constant 112 : index
          %get3A_901 = tpu.vector_load %arg17[%get3A_899, %get3A_900] {strides = array<i32>} : memref<32x128xf32, #tpu.memory_space<vmem>>, vector<1x16xf32>,
          %get3A_902 = vector.shape_cast %get3A_901 : vector<1x16xf32> to vector<16xf32>
          %mul3A_903 = arith.mulf %get3A_902, %broadcast_in_dim3A_824 : vector<16xf32>
          %swap3A_904 = arith.index_cast %add3A_828 : i32 to index
          %swap3A_905 = arith.constant 112 : index
          %swap3A_906 = tpu.vector_load %arg17[%swap3A_904, %swap3A_905] {strides = array<i32>} : memref<32x128xf32, #tpu.memory_space<vmem>>, vector<1x16xf32>,
          %swap3A_907 = vector.shape_cast %swap3A_906 : vector<1x16xf32> to vector<16xf32>
          %swap3A_908 = vector.shape_cast %mul3A_903 : vector<16xf32> to vector<1x16xf32>
          tpu.vector_store %arg17[%swap3A_904, %swap3A_905], %swap3A_908 {strides = array<i32>} : memref<32x128xf32, #tpu.memory_space<vmem>>, vector<1x16xf32>,
          %slice3A_909 = vector.extract_strided_slice %get3A_127 {offsets = [9], sizes = [1], strides = [1]} : vector<16xf32> to vector<1xf32>
          %squeeze3A_910 = vector.extract %slice3A_909[0] : f32 from vector<1xf32>
          %broadcast_in_dim3A_911 = vector.broadcast %squeeze3A_910 : f32 to vector<16xf32>
          %mul3A_912 = arith.constant 16 : i32
          %mul3A_913 = arith.muli %add3A_119, %mul3A_912 : i32
          %add3A_914 = arith.constant 9 : i32
          %add3A_915 = arith.addi %mul3A_913, %add3A_914 : i32
          %get3A_916 = arith.index_cast %add3A_915 : i32 to index
          %get3A_917 = arith.constant 0 : index
          %get3A_918 = tpu.vector_load %arg17[%get3A_916, %get3A_917] {strides = array<i32>} : memref<32x128xf32, #tpu.memory_space<vmem>>, vector<1x16xf32>,
          %get3A_919 = vector.shape_cast %get3A_918 : vector<1x16xf32> to vector<16xf32>
          %mul3A_920 = arith.mulf %get3A_919, %broadcast_in_dim3A_911 : vector<16xf32>
          %swap3A_921 = arith.index_cast %add3A_915 : i32 to index
          %swap3A_922 = arith.constant 0 : index
          %swap3A_923 = tpu.vector_load %arg17[%swap3A_921, %swap3A_922] {strides = array<i32>} : memref<32x128xf32, #tpu.memory_space<vmem>>, vector<1x16xf32>,
          %swap3A_924 = vector.shape_cast %swap3A_923 : vector<1x16xf32> to vector<16xf32>
          %swap3A_925 = vector.shape_cast %mul3A_920 : vector<16xf32> to vector<1x16xf32>
          tpu.vector_store %arg17[%swap3A_921, %swap3A_922], %swap3A_925 {strides = array<i32>} : memref<32x128xf32, #tpu.memory_space<vmem>>, vector<1x16xf32>,
          %get3A_926 = arith.index_cast %add3A_915 : i32 to index
          %get3A_927 = arith.constant 16 : index
          %get3A_928 = tpu.vector_load %arg17[%get3A_926, %get3A_927] {strides = array<i32>} : memref<32x128xf32, #tpu.memory_space<vmem>>, vector<1x16xf32>,
          %get3A_929 = vector.shape_cast %get3A_928 : vector<1x16xf32> to vector<16xf32>
          %mul3A_930 = arith.mulf %get3A_929, %broadcast_in_dim3A_911 : vector<16xf32>
          %swap3A_931 = arith.index_cast %add3A_915 : i32 to index
          %swap3A_932 = arith.constant 16 : index
          %swap3A_933 = tpu.vector_load %arg17[%swap3A_931, %swap3A_932] {strides = array<i32>} : memref<32x128xf32, #tpu.memory_space<vmem>>, vector<1x16xf32>,
          %swap3A_934 = vector.shape_cast %swap3A_933 : vector<1x16xf32> to vector<16xf32>
          %swap3A_935 = vector.shape_cast %mul3A_930 : vector<16xf32> to vector<1x16xf32>
          tpu.vector_store %arg17[%swap3A_931, %swap3A_932], %swap3A_935 {strides = array<i32>} : memref<32x128xf32, #tpu.memory_space<vmem>>, vector<1x16xf32>,
          %get3A_936 = arith.index_cast %add3A_915 : i32 to index
          %get3A_937 = arith.constant 32 : index
          %get3A_938 = tpu.vector_load %arg17[%get3A_936, %get3A_937] {strides = array<i32>} : memref<32x128xf32, #tpu.memory_space<vmem>>, vector<1x16xf32>,
          %get3A_939 = vector.shape_cast %get3A_938 : vector<1x16xf32> to vector<16xf32>
          %mul3A_940 = arith.mulf %get3A_939, %broadcast_in_dim3A_911 : vector<16xf32>
          %swap3A_941 = arith.index_cast %add3A_915 : i32 to index
          %swap3A_942 = arith.constant 32 : index
          %swap3A_943 = tpu.vector_load %arg17[%swap3A_941, %swap3A_942] {strides = array<i32>} : memref<32x128xf32, #tpu.memory_space<vmem>>, vector<1x16xf32>,
          %swap3A_944 = vector.shape_cast %swap3A_943 : vector<1x16xf32> to vector<16xf32>
          %swap3A_945 = vector.shape_cast %mul3A_940 : vector<16xf32> to vector<1x16xf32>
          tpu.vector_store %arg17[%swap3A_941, %swap3A_942], %swap3A_945 {strides = array<i32>} : memref<32x128xf32, #tpu.memory_space<vmem>>, vector<1x16xf32>,
          %get3A_946 = arith.index_cast %add3A_915 : i32 to index
          %get3A_947 = arith.constant 48 : index
          %get3A_948 = tpu.vector_load %arg17[%get3A_946, %get3A_947] {strides = array<i32>} : memref<32x128xf32, #tpu.memory_space<vmem>>, vector<1x16xf32>,
          %get3A_949 = vector.shape_cast %get3A_948 : vector<1x16xf32> to vector<16xf32>
          %mul3A_950 = arith.mulf %get3A_949, %broadcast_in_dim3A_911 : vector<16xf32>
          %swap3A_951 = arith.index_cast %add3A_915 : i32 to index
          %swap3A_952 = arith.constant 48 : index
          %swap3A_953 = tpu.vector_load %arg17[%swap3A_951, %swap3A_952] {strides = array<i32>} : memref<32x128xf32, #tpu.memory_space<vmem>>, vector<1x16xf32>,
          %swap3A_954 = vector.shape_cast %swap3A_953 : vector<1x16xf32> to vector<16xf32>
          %swap3A_955 = vector.shape_cast %mul3A_950 : vector<16xf32> to vector<1x16xf32>
          tpu.vector_store %arg17[%swap3A_951, %swap3A_952], %swap3A_955 {strides = array<i32>} : memref<32x128xf32, #tpu.memory_space<vmem>>, vector<1x16xf32>,
          %get3A_956 = arith.index_cast %add3A_915 : i32 to index
          %get3A_957 = arith.constant 64 : index
          %get3A_958 = tpu.vector_load %arg17[%get3A_956, %get3A_957] {strides = array<i32>} : memref<32x128xf32, #tpu.memory_space<vmem>>, vector<1x16xf32>,
          %get3A_959 = vector.shape_cast %get3A_958 : vector<1x16xf32> to vector<16xf32>
          %mul3A_960 = arith.mulf %get3A_959, %broadcast_in_dim3A_911 : vector<16xf32>
          %swap3A_961 = arith.index_cast %add3A_915 : i32 to index
          %swap3A_962 = arith.constant 64 : index
          %swap3A_963 = tpu.vector_load %arg17[%swap3A_961, %swap3A_962] {strides = array<i32>} : memref<32x128xf32, #tpu.memory_space<vmem>>, vector<1x16xf32>,
          %swap3A_964 = vector.shape_cast %swap3A_963 : vector<1x16xf32> to vector<16xf32>
          %swap3A_965 = vector.shape_cast %mul3A_960 : vector<16xf32> to vector<1x16xf32>
          tpu.vector_store %arg17[%swap3A_961, %swap3A_962], %swap3A_965 {strides = array<i32>} : memref<32x128xf32, #tpu.memory_space<vmem>>, vector<1x16xf32>,
          %get3A_966 = arith.index_cast %add3A_915 : i32 to index
          %get3A_967 = arith.constant 80 : index
          %get3A_968 = tpu.vector_load %arg17[%get3A_966, %get3A_967] {strides = array<i32>} : memref<32x128xf32, #tpu.memory_space<vmem>>, vector<1x16xf32>,
          %get3A_969 = vector.shape_cast %get3A_968 : vector<1x16xf32> to vector<16xf32>
          %mul3A_970 = arith.mulf %get3A_969, %broadcast_in_dim3A_911 : vector<16xf32>
          %swap3A_971 = arith.index_cast %add3A_915 : i32 to index
          %swap3A_972 = arith.constant 80 : index
          %swap3A_973 = tpu.vector_load %arg17[%swap3A_971, %swap3A_972] {strides = array<i32>} : memref<32x128xf32, #tpu.memory_space<vmem>>, vector<1x16xf32>,
          %swap3A_974 = vector.shape_cast %swap3A_973 : vector<1x16xf32> to vector<16xf32>
          %swap3A_975 = vector.shape_cast %mul3A_970 : vector<16xf32> to vector<1x16xf32>
          tpu.vector_store %arg17[%swap3A_971, %swap3A_972], %swap3A_975 {strides = array<i32>} : memref<32x128xf32, #tpu.memory_space<vmem>>, vector<1x16xf32>,
          %get3A_976 = arith.index_cast %add3A_915 : i32 to index
          %get3A_977 = arith.constant 96 : index
          %get3A_978 = tpu.vector_load %arg17[%get3A_976, %get3A_977] {strides = array<i32>} : memref<32x128xf32, #tpu.memory_space<vmem>>, vector<1x16xf32>,
          %get3A_979 = vector.shape_cast %get3A_978 : vector<1x16xf32> to vector<16xf32>
          %mul3A_980 = arith.mulf %get3A_979, %broadcast_in_dim3A_911 : vector<16xf32>
          %swap3A_981 = arith.index_cast %add3A_915 : i32 to index
          %swap3A_982 = arith.constant 96 : index
          %swap3A_983 = tpu.vector_load %arg17[%swap3A_981, %swap3A_982] {strides = array<i32>} : memref<32x128xf32, #tpu.memory_space<vmem>>, vector<1x16xf32>,
          %swap3A_984 = vector.shape_cast %swap3A_983 : vector<1x16xf32> to vector<16xf32>
          %swap3A_985 = vector.shape_cast %mul3A_980 : vector<16xf32> to vector<1x16xf32>
          tpu.vector_store %arg17[%swap3A_981, %swap3A_982], %swap3A_985 {strides = array<i32>} : memref<32x128xf32, #tpu.memory_space<vmem>>, vector<1x16xf32>,
          %get3A_986 = arith.index_cast %add3A_915 : i32 to index
          %get3A_987 = arith.constant 112 : index
          %get3A_988 = tpu.vector_load %arg17[%get3A_986, %get3A_987] {strides = array<i32>} : memref<32x128xf32, #tpu.memory_space<vmem>>, vector<1x16xf32>,
          %get3A_989 = vector.shape_cast %get3A_988 : vector<1x16xf32> to vector<16xf32>
          %mul3A_990 = arith.mulf %get3A_989, %broadcast_in_dim3A_911 : vector<16xf32>
          %swap3A_991 = arith.index_cast %add3A_915 : i32 to index
          %swap3A_992 = arith.constant 112 : index
          %swap3A_993 = tpu.vector_load %arg17[%swap3A_991, %swap3A_992] {strides = array<i32>} : memref<32x128xf32, #tpu.memory_space<vmem>>, vector<1x16xf32>,
          %swap3A_994 = vector.shape_cast %swap3A_993 : vector<1x16xf32> to vector<16xf32>
          %swap3A_995 = vector.shape_cast %mul3A_990 : vector<16xf32> to vector<1x16xf32>
          tpu.vector_store %arg17[%swap3A_991, %swap3A_992], %swap3A_995 {strides = array<i32>} : memref<32x128xf32, #tpu.memory_space<vmem>>, vector<1x16xf32>,
          %slice3A_996 = vector.extract_strided_slice %get3A_127 {offsets = [10], sizes = [1], strides = [1]} : vector<16xf32> to vector<1xf32>
          %squeeze3A_997 = vector.extract %slice3A_996[0] : f32 from vector<1xf32>
          %broadcast_in_dim3A_998 = vector.broadcast %squeeze3A_997 : f32 to vector<16xf32>
          %mul3A_999 = arith.constant 16 : i32
          %mul3A_1000 = arith.muli %add3A_119, %mul3A_999 : i32
          %add3A_1001 = arith.constant 10 : i32
          %add3A_1002 = arith.addi %mul3A_1000, %add3A_1001 : i32
          %get3A_1003 = arith.index_cast %add3A_1002 : i32 to index
          %get3A_1004 = arith.constant 0 : index
          %get3A_1005 = tpu.vector_load %arg17[%get3A_1003, %get3A_1004] {strides = array<i32>} : memref<32x128xf32, #tpu.memory_space<vmem>>, vector<1x16xf32>,
          %get3A_1006 = vector.shape_cast %get3A_1005 : vector<1x16xf32> to vector<16xf32>
          %mul3A_1007 = arith.mulf %get3A_1006, %broadcast_in_dim3A_998 : vector<16xf32>
          %swap3A_1008 = arith.index_cast %add3A_1002 : i32 to index
          %swap3A_1009 = arith.constant 0 : index
          %swap3A_1010 = tpu.vector_load %arg17[%swap3A_1008, %swap3A_1009] {strides = array<i32>} : memref<32x128xf32, #tpu.memory_space<vmem>>, vector<1x16xf32>,
          %swap3A_1011 = vector.shape_cast %swap3A_1010 : vector<1x16xf32> to vector<16xf32>
          %swap3A_1012 = vector.shape_cast %mul3A_1007 : vector<16xf32> to vector<1x16xf32>
          tpu.vector_store %arg17[%swap3A_1008, %swap3A_1009], %swap3A_1012 {strides = array<i32>} : memref<32x128xf32, #tpu.memory_space<vmem>>, vector<1x16xf32>,
          %get3A_1013 = arith.index_cast %add3A_1002 : i32 to index
          %get3A_1014 = arith.constant 16 : index
          %get3A_1015 = tpu.vector_load %arg17[%get3A_1013, %get3A_1014] {strides = array<i32>} : memref<32x128xf32, #tpu.memory_space<vmem>>, vector<1x16xf32>,
          %get3A_1016 = vector.shape_cast %get3A_1015 : vector<1x16xf32> to vector<16xf32>
          %mul3A_1017 = arith.mulf %get3A_1016, %broadcast_in_dim3A_998 : vector<16xf32>
          %swap3A_1018 = arith.index_cast %add3A_1002 : i32 to index
          %swap3A_1019 = arith.constant 16 : index
          %swap3A_1020 = tpu.vector_load %arg17[%swap3A_1018, %swap3A_1019] {strides = array<i32>} : memref<32x128xf32, #tpu.memory_space<vmem>>, vector<1x16xf32>,
          %swap3A_1021 = vector.shape_cast %swap3A_1020 : vector<1x16xf32> to vector<16xf32>
          %swap3A_1022 = vector.shape_cast %mul3A_1017 : vector<16xf32> to vector<1x16xf32>
          tpu.vector_store %arg17[%swap3A_1018, %swap3A_1019], %swap3A_1022 {strides = array<i32>} : memref<32x128xf32, #tpu.memory_space<vmem>>, vector<1x16xf32>,
          %get3A_1023 = arith.index_cast %add3A_1002 : i32 to index
          %get3A_1024 = arith.constant 32 : index
          %get3A_1025 = tpu.vector_load %arg17[%get3A_1023, %get3A_1024] {strides = array<i32>} : memref<32x128xf32, #tpu.memory_space<vmem>>, vector<1x16xf32>,
          %get3A_1026 = vector.shape_cast %get3A_1025 : vector<1x16xf32> to vector<16xf32>
          %mul3A_1027 = arith.mulf %get3A_1026, %broadcast_in_dim3A_998 : vector<16xf32>
          %swap3A_1028 = arith.index_cast %add3A_1002 : i32 to index
          %swap3A_1029 = arith.constant 32 : index
          %swap3A_1030 = tpu.vector_load %arg17[%swap3A_1028, %swap3A_1029] {strides = array<i32>} : memref<32x128xf32, #tpu.memory_space<vmem>>, vector<1x16xf32>,
          %swap3A_1031 = vector.shape_cast %swap3A_1030 : vector<1x16xf32> to vector<16xf32>
          %swap3A_1032 = vector.shape_cast %mul3A_1027 : vector<16xf32> to vector<1x16xf32>
          tpu.vector_store %arg17[%swap3A_1028, %swap3A_1029], %swap3A_1032 {strides = array<i32>} : memref<32x128xf32, #tpu.memory_space<vmem>>, vector<1x16xf32>,
          %get3A_1033 = arith.index_cast %add3A_1002 : i32 to index
          %get3A_1034 = arith.constant 48 : index
          %get3A_1035 = tpu.vector_load %arg17[%get3A_1033, %get3A_1034] {strides = array<i32>} : memref<32x128xf32, #tpu.memory_space<vmem>>, vector<1x16xf32>,
          %get3A_1036 = vector.shape_cast %get3A_1035 : vector<1x16xf32> to vector<16xf32>
          %mul3A_1037 = arith.mulf %get3A_1036, %broadcast_in_dim3A_998 : vector<16xf32>
          %swap3A_1038 = arith.index_cast %add3A_1002 : i32 to index
          %swap3A_1039 = arith.constant 48 : index
          %swap3A_1040 = tpu.vector_load %arg17[%swap3A_1038, %swap3A_1039] {strides = array<i32>} : memref<32x128xf32, #tpu.memory_space<vmem>>, vector<1x16xf32>,
          %swap3A_1041 = vector.shape_cast %swap3A_1040 : vector<1x16xf32> to vector<16xf32>
          %swap3A_1042 = vector.shape_cast %mul3A_1037 : vector<16xf32> to vector<1x16xf32>
          tpu.vector_store %arg17[%swap3A_1038, %swap3A_1039], %swap3A_1042 {strides = array<i32>} : memref<32x128xf32, #tpu.memory_space<vmem>>, vector<1x16xf32>,
          %get3A_1043 = arith.index_cast %add3A_1002 : i32 to index
          %get3A_1044 = arith.constant 64 : index
          %get3A_1045 = tpu.vector_load %arg17[%get3A_1043, %get3A_1044] {strides = array<i32>} : memref<32x128xf32, #tpu.memory_space<vmem>>, vector<1x16xf32>,
          %get3A_1046 = vector.shape_cast %get3A_1045 : vector<1x16xf32> to vector<16xf32>
          %mul3A_1047 = arith.mulf %get3A_1046, %broadcast_in_dim3A_998 : vector<16xf32>
          %swap3A_1048 = arith.index_cast %add3A_1002 : i32 to index
          %swap3A_1049 = arith.constant 64 : index
          %swap3A_1050 = tpu.vector_load %arg17[%swap3A_1048, %swap3A_1049] {strides = array<i32>} : memref<32x128xf32, #tpu.memory_space<vmem>>, vector<1x16xf32>,
          %swap3A_1051 = vector.shape_cast %swap3A_1050 : vector<1x16xf32> to vector<16xf32>
          %swap3A_1052 = vector.shape_cast %mul3A_1047 : vector<16xf32> to vector<1x16xf32>
          tpu.vector_store %arg17[%swap3A_1048, %swap3A_1049], %swap3A_1052 {strides = array<i32>} : memref<32x128xf32, #tpu.memory_space<vmem>>, vector<1x16xf32>,
          %get3A_1053 = arith.index_cast %add3A_1002 : i32 to index
          %get3A_1054 = arith.constant 80 : index
          %get3A_1055 = tpu.vector_load %arg17[%get3A_1053, %get3A_1054] {strides = array<i32>} : memref<32x128xf32, #tpu.memory_space<vmem>>, vector<1x16xf32>,
          %get3A_1056 = vector.shape_cast %get3A_1055 : vector<1x16xf32> to vector<16xf32>
          %mul3A_1057 = arith.mulf %get3A_1056, %broadcast_in_dim3A_998 : vector<16xf32>
          %swap3A_1058 = arith.index_cast %add3A_1002 : i32 to index
          %swap3A_1059 = arith.constant 80 : index
          %swap3A_1060 = tpu.vector_load %arg17[%swap3A_1058, %swap3A_1059] {strides = array<i32>} : memref<32x128xf32, #tpu.memory_space<vmem>>, vector<1x16xf32>,
          %swap3A_1061 = vector.shape_cast %swap3A_1060 : vector<1x16xf32> to vector<16xf32>
          %swap3A_1062 = vector.shape_cast %mul3A_1057 : vector<16xf32> to vector<1x16xf32>
          tpu.vector_store %arg17[%swap3A_1058, %swap3A_1059], %swap3A_1062 {strides = array<i32>} : memref<32x128xf32, #tpu.memory_space<vmem>>, vector<1x16xf32>,
          %get3A_1063 = arith.index_cast %add3A_1002 : i32 to index
          %get3A_1064 = arith.constant 96 : index
          %get3A_1065 = tpu.vector_load %arg17[%get3A_1063, %get3A_1064] {strides = array<i32>} : memref<32x128xf32, #tpu.memory_space<vmem>>, vector<1x16xf32>,
          %get3A_1066 = vector.shape_cast %get3A_1065 : vector<1x16xf32> to vector<16xf32>
          %mul3A_1067 = arith.mulf %get3A_1066, %broadcast_in_dim3A_998 : vector<16xf32>
          %swap3A_1068 = arith.index_cast %add3A_1002 : i32 to index
          %swap3A_1069 = arith.constant 96 : index
          %swap3A_1070 = tpu.vector_load %arg17[%swap3A_1068, %swap3A_1069] {strides = array<i32>} : memref<32x128xf32, #tpu.memory_space<vmem>>, vector<1x16xf32>,
          %swap3A_1071 = vector.shape_cast %swap3A_1070 : vector<1x16xf32> to vector<16xf32>
          %swap3A_1072 = vector.shape_cast %mul3A_1067 : vector<16xf32> to vector<1x16xf32>
          tpu.vector_store %arg17[%swap3A_1068, %swap3A_1069], %swap3A_1072 {strides = array<i32>} : memref<32x128xf32, #tpu.memory_space<vmem>>, vector<1x16xf32>,
          %get3A_1073 = arith.index_cast %add3A_1002 : i32 to index
          %get3A_1074 = arith.constant 112 : index
          %get3A_1075 = tpu.vector_load %arg17[%get3A_1073, %get3A_1074] {strides = array<i32>} : memref<32x128xf32, #tpu.memory_space<vmem>>, vector<1x16xf32>,
          %get3A_1076 = vector.shape_cast %get3A_1075 : vector<1x16xf32> to vector<16xf32>
          %mul3A_1077 = arith.mulf %get3A_1076, %broadcast_in_dim3A_998 : vector<16xf32>
          %swap3A_1078 = arith.index_cast %add3A_1002 : i32 to index
          %swap3A_1079 = arith.constant 112 : index
          %swap3A_1080 = tpu.vector_load %arg17[%swap3A_1078, %swap3A_1079] {strides = array<i32>} : memref<32x128xf32, #tpu.memory_space<vmem>>, vector<1x16xf32>,
          %swap3A_1081 = vector.shape_cast %swap3A_1080 : vector<1x16xf32> to vector<16xf32>
          %swap3A_1082 = vector.shape_cast %mul3A_1077 : vector<16xf32> to vector<1x16xf32>
          tpu.vector_store %arg17[%swap3A_1078, %swap3A_1079], %swap3A_1082 {strides = array<i32>} : memref<32x128xf32, #tpu.memory_space<vmem>>, vector<1x16xf32>,
          %slice3A_1083 = vector.extract_strided_slice %get3A_127 {offsets = [11], sizes = [1], strides = [1]} : vector<16xf32> to vector<1xf32>
          %squeeze3A_1084 = vector.extract %slice3A_1083[0] : f32 from vector<1xf32>
          %broadcast_in_dim3A_1085 = vector.broadcast %squeeze3A_1084 : f32 to vector<16xf32>
          %mul3A_1086 = arith.constant 16 : i32
          %mul3A_1087 = arith.muli %add3A_119, %mul3A_1086 : i32
          %add3A_1088 = arith.constant 11 : i32
          %add3A_1089 = arith.addi %mul3A_1087, %add3A_1088 : i32
          %get3A_1090 = arith.index_cast %add3A_1089 : i32 to index
          %get3A_1091 = arith.constant 0 : index
          %get3A_1092 = tpu.vector_load %arg17[%get3A_1090, %get3A_1091] {strides = array<i32>} : memref<32x128xf32, #tpu.memory_space<vmem>>, vector<1x16xf32>,
          %get3A_1093 = vector.shape_cast %get3A_1092 : vector<1x16xf32> to vector<16xf32>
          %mul3A_1094 = arith.mulf %get3A_1093, %broadcast_in_dim3A_1085 : vector<16xf32>
          %swap3A_1095 = arith.index_cast %add3A_1089 : i32 to index
          %swap3A_1096 = arith.constant 0 : index
          %swap3A_1097 = tpu.vector_load %arg17[%swap3A_1095, %swap3A_1096] {strides = array<i32>} : memref<32x128xf32, #tpu.memory_space<vmem>>, vector<1x16xf32>,
          %swap3A_1098 = vector.shape_cast %swap3A_1097 : vector<1x16xf32> to vector<16xf32>
          %swap3A_1099 = vector.shape_cast %mul3A_1094 : vector<16xf32> to vector<1x16xf32>
          tpu.vector_store %arg17[%swap3A_1095, %swap3A_1096], %swap3A_1099 {strides = array<i32>} : memref<32x128xf32, #tpu.memory_space<vmem>>, vector<1x16xf32>,
          %get3A_1100 = arith.index_cast %add3A_1089 : i32 to index
          %get3A_1101 = arith.constant 16 : index
          %get3A_1102 = tpu.vector_load %arg17[%get3A_1100, %get3A_1101] {strides = array<i32>} : memref<32x128xf32, #tpu.memory_space<vmem>>, vector<1x16xf32>,
          %get3A_1103 = vector.shape_cast %get3A_1102 : vector<1x16xf32> to vector<16xf32>
          %mul3A_1104 = arith.mulf %get3A_1103, %broadcast_in_dim3A_1085 : vector<16xf32>
          %swap3A_1105 = arith.index_cast %add3A_1089 : i32 to index
          %swap3A_1106 = arith.constant 16 : index
          %swap3A_1107 = tpu.vector_load %arg17[%swap3A_1105, %swap3A_1106] {strides = array<i32>} : memref<32x128xf32, #tpu.memory_space<vmem>>, vector<1x16xf32>,
          %swap3A_1108 = vector.shape_cast %swap3A_1107 : vector<1x16xf32> to vector<16xf32>
          %swap3A_1109 = vector.shape_cast %mul3A_1104 : vector<16xf32> to vector<1x16xf32>
          tpu.vector_store %arg17[%swap3A_1105, %swap3A_1106], %swap3A_1109 {strides = array<i32>} : memref<32x128xf32, #tpu.memory_space<vmem>>, vector<1x16xf32>,
          %get3A_1110 = arith.index_cast %add3A_1089 : i32 to index
          %get3A_1111 = arith.constant 32 : index
          %get3A_1112 = tpu.vector_load %arg17[%get3A_1110, %get3A_1111] {strides = array<i32>} : memref<32x128xf32, #tpu.memory_space<vmem>>, vector<1x16xf32>,
          %get3A_1113 = vector.shape_cast %get3A_1112 : vector<1x16xf32> to vector<16xf32>
          %mul3A_1114 = arith.mulf %get3A_1113, %broadcast_in_dim3A_1085 : vector<16xf32>
          %swap3A_1115 = arith.index_cast %add3A_1089 : i32 to index
          %swap3A_1116 = arith.constant 32 : index
          %swap3A_1117 = tpu.vector_load %arg17[%swap3A_1115, %swap3A_1116] {strides = array<i32>} : memref<32x128xf32, #tpu.memory_space<vmem>>, vector<1x16xf32>,
          %swap3A_1118 = vector.shape_cast %swap3A_1117 : vector<1x16xf32> to vector<16xf32>
          %swap3A_1119 = vector.shape_cast %mul3A_1114 : vector<16xf32> to vector<1x16xf32>
          tpu.vector_store %arg17[%swap3A_1115, %swap3A_1116], %swap3A_1119 {strides = array<i32>} : memref<32x128xf32, #tpu.memory_space<vmem>>, vector<1x16xf32>,
          %get3A_1120 = arith.index_cast %add3A_1089 : i32 to index
          %get3A_1121 = arith.constant 48 : index
          %get3A_1122 = tpu.vector_load %arg17[%get3A_1120, %get3A_1121] {strides = array<i32>} : memref<32x128xf32, #tpu.memory_space<vmem>>, vector<1x16xf32>,
          %get3A_1123 = vector.shape_cast %get3A_1122 : vector<1x16xf32> to vector<16xf32>
          %mul3A_1124 = arith.mulf %get3A_1123, %broadcast_in_dim3A_1085 : vector<16xf32>
          %swap3A_1125 = arith.index_cast %add3A_1089 : i32 to index
          %swap3A_1126 = arith.constant 48 : index
          %swap3A_1127 = tpu.vector_load %arg17[%swap3A_1125, %swap3A_1126] {strides = array<i32>} : memref<32x128xf32, #tpu.memory_space<vmem>>, vector<1x16xf32>,
          %swap3A_1128 = vector.shape_cast %swap3A_1127 : vector<1x16xf32> to vector<16xf32>
          %swap3A_1129 = vector.shape_cast %mul3A_1124 : vector<16xf32> to vector<1x16xf32>
          tpu.vector_store %arg17[%swap3A_1125, %swap3A_1126], %swap3A_1129 {strides = array<i32>} : memref<32x128xf32, #tpu.memory_space<vmem>>, vector<1x16xf32>,
          %get3A_1130 = arith.index_cast %add3A_1089 : i32 to index
          %get3A_1131 = arith.constant 64 : index
          %get3A_1132 = tpu.vector_load %arg17[%get3A_1130, %get3A_1131] {strides = array<i32>} : memref<32x128xf32, #tpu.memory_space<vmem>>, vector<1x16xf32>,
          %get3A_1133 = vector.shape_cast %get3A_1132 : vector<1x16xf32> to vector<16xf32>
          %mul3A_1134 = arith.mulf %get3A_1133, %broadcast_in_dim3A_1085 : vector<16xf32>
          %swap3A_1135 = arith.index_cast %add3A_1089 : i32 to index
          %swap3A_1136 = arith.constant 64 : index
          %swap3A_1137 = tpu.vector_load %arg17[%swap3A_1135, %swap3A_1136] {strides = array<i32>} : memref<32x128xf32, #tpu.memory_space<vmem>>, vector<1x16xf32>,
          %swap3A_1138 = vector.shape_cast %swap3A_1137 : vector<1x16xf32> to vector<16xf32>
          %swap3A_1139 = vector.shape_cast %mul3A_1134 : vector<16xf32> to vector<1x16xf32>
          tpu.vector_store %arg17[%swap3A_1135, %swap3A_1136], %swap3A_1139 {strides = array<i32>} : memref<32x128xf32, #tpu.memory_space<vmem>>, vector<1x16xf32>,
          %get3A_1140 = arith.index_cast %add3A_1089 : i32 to index
          %get3A_1141 = arith.constant 80 : index
          %get3A_1142 = tpu.vector_load %arg17[%get3A_1140, %get3A_1141] {strides = array<i32>} : memref<32x128xf32, #tpu.memory_space<vmem>>, vector<1x16xf32>,
          %get3A_1143 = vector.shape_cast %get3A_1142 : vector<1x16xf32> to vector<16xf32>
          %mul3A_1144 = arith.mulf %get3A_1143, %broadcast_in_dim3A_1085 : vector<16xf32>
          %swap3A_1145 = arith.index_cast %add3A_1089 : i32 to index
          %swap3A_1146 = arith.constant 80 : index
          %swap3A_1147 = tpu.vector_load %arg17[%swap3A_1145, %swap3A_1146] {strides = array<i32>} : memref<32x128xf32, #tpu.memory_space<vmem>>, vector<1x16xf32>,
          %swap3A_1148 = vector.shape_cast %swap3A_1147 : vector<1x16xf32> to vector<16xf32>
          %swap3A_1149 = vector.shape_cast %mul3A_1144 : vector<16xf32> to vector<1x16xf32>
          tpu.vector_store %arg17[%swap3A_1145, %swap3A_1146], %swap3A_1149 {strides = array<i32>} : memref<32x128xf32, #tpu.memory_space<vmem>>, vector<1x16xf32>,
          %get3A_1150 = arith.index_cast %add3A_1089 : i32 to index
          %get3A_1151 = arith.constant 96 : index
          %get3A_1152 = tpu.vector_load %arg17[%get3A_1150, %get3A_1151] {strides = array<i32>} : memref<32x128xf32, #tpu.memory_space<vmem>>, vector<1x16xf32>,
          %get3A_1153 = vector.shape_cast %get3A_1152 : vector<1x16xf32> to vector<16xf32>
          %mul3A_1154 = arith.mulf %get3A_1153, %broadcast_in_dim3A_1085 : vector<16xf32>
          %swap3A_1155 = arith.index_cast %add3A_1089 : i32 to index
          %swap3A_1156 = arith.constant 96 : index
          %swap3A_1157 = tpu.vector_load %arg17[%swap3A_1155, %swap3A_1156] {strides = array<i32>} : memref<32x128xf32, #tpu.memory_space<vmem>>, vector<1x16xf32>,
          %swap3A_1158 = vector.shape_cast %swap3A_1157 : vector<1x16xf32> to vector<16xf32>
          %swap3A_1159 = vector.shape_cast %mul3A_1154 : vector<16xf32> to vector<1x16xf32>
          tpu.vector_store %arg17[%swap3A_1155, %swap3A_1156], %swap3A_1159 {strides = array<i32>} : memref<32x128xf32, #tpu.memory_space<vmem>>, vector<1x16xf32>,
          %get3A_1160 = arith.index_cast %add3A_1089 : i32 to index
          %get3A_1161 = arith.constant 112 : index
          %get3A_1162 = tpu.vector_load %arg17[%get3A_1160, %get3A_1161] {strides = array<i32>} : memref<32x128xf32, #tpu.memory_space<vmem>>, vector<1x16xf32>,
          %get3A_1163 = vector.shape_cast %get3A_1162 : vector<1x16xf32> to vector<16xf32>
          %mul3A_1164 = arith.mulf %get3A_1163, %broadcast_in_dim3A_1085 : vector<16xf32>
          %swap3A_1165 = arith.index_cast %add3A_1089 : i32 to index
          %swap3A_1166 = arith.constant 112 : index
          %swap3A_1167 = tpu.vector_load %arg17[%swap3A_1165, %swap3A_1166] {strides = array<i32>} : memref<32x128xf32, #tpu.memory_space<vmem>>, vector<1x16xf32>,
          %swap3A_1168 = vector.shape_cast %swap3A_1167 : vector<1x16xf32> to vector<16xf32>
          %swap3A_1169 = vector.shape_cast %mul3A_1164 : vector<16xf32> to vector<1x16xf32>
          tpu.vector_store %arg17[%swap3A_1165, %swap3A_1166], %swap3A_1169 {strides = array<i32>} : memref<32x128xf32, #tpu.memory_space<vmem>>, vector<1x16xf32>,
          %slice3A_1170 = vector.extract_strided_slice %get3A_127 {offsets = [12], sizes = [1], strides = [1]} : vector<16xf32> to vector<1xf32>
          %squeeze3A_1171 = vector.extract %slice3A_1170[0] : f32 from vector<1xf32>
          %broadcast_in_dim3A_1172 = vector.broadcast %squeeze3A_1171 : f32 to vector<16xf32>
          %mul3A_1173 = arith.constant 16 : i32
          %mul3A_1174 = arith.muli %add3A_119, %mul3A_1173 : i32
          %add3A_1175 = arith.constant 12 : i32
          %add3A_1176 = arith.addi %mul3A_1174, %add3A_1175 : i32
          %get3A_1177 = arith.index_cast %add3A_1176 : i32 to index
          %get3A_1178 = arith.constant 0 : index
          %get3A_1179 = tpu.vector_load %arg17[%get3A_1177, %get3A_1178] {strides = array<i32>} : memref<32x128xf32, #tpu.memory_space<vmem>>, vector<1x16xf32>,
          %get3A_1180 = vector.shape_cast %get3A_1179 : vector<1x16xf32> to vector<16xf32>
          %mul3A_1181 = arith.mulf %get3A_1180, %broadcast_in_dim3A_1172 : vector<16xf32>
          %swap3A_1182 = arith.index_cast %add3A_1176 : i32 to index
          %swap3A_1183 = arith.constant 0 : index
          %swap3A_1184 = tpu.vector_load %arg17[%swap3A_1182, %swap3A_1183] {strides = array<i32>} : memref<32x128xf32, #tpu.memory_space<vmem>>, vector<1x16xf32>,
          %swap3A_1185 = vector.shape_cast %swap3A_1184 : vector<1x16xf32> to vector<16xf32>
          %swap3A_1186 = vector.shape_cast %mul3A_1181 : vector<16xf32> to vector<1x16xf32>
          tpu.vector_store %arg17[%swap3A_1182, %swap3A_1183], %swap3A_1186 {strides = array<i32>} : memref<32x128xf32, #tpu.memory_space<vmem>>, vector<1x16xf32>,
          %get3A_1187 = arith.index_cast %add3A_1176 : i32 to index
          %get3A_1188 = arith.constant 16 : index
          %get3A_1189 = tpu.vector_load %arg17[%get3A_1187, %get3A_1188] {strides = array<i32>} : memref<32x128xf32, #tpu.memory_space<vmem>>, vector<1x16xf32>,
          %get3A_1190 = vector.shape_cast %get3A_1189 : vector<1x16xf32> to vector<16xf32>
          %mul3A_1191 = arith.mulf %get3A_1190, %broadcast_in_dim3A_1172 : vector<16xf32>
          %swap3A_1192 = arith.index_cast %add3A_1176 : i32 to index
          %swap3A_1193 = arith.constant 16 : index
          %swap3A_1194 = tpu.vector_load %arg17[%swap3A_1192, %swap3A_1193] {strides = array<i32>} : memref<32x128xf32, #tpu.memory_space<vmem>>, vector<1x16xf32>,
          %swap3A_1195 = vector.shape_cast %swap3A_1194 : vector<1x16xf32> to vector<16xf32>
          %swap3A_1196 = vector.shape_cast %mul3A_1191 : vector<16xf32> to vector<1x16xf32>
          tpu.vector_store %arg17[%swap3A_1192, %swap3A_1193], %swap3A_1196 {strides = array<i32>} : memref<32x128xf32, #tpu.memory_space<vmem>>, vector<1x16xf32>,
          %get3A_1197 = arith.index_cast %add3A_1176 : i32 to index
          %get3A_1198 = arith.constant 32 : index
          %get3A_1199 = tpu.vector_load %arg17[%get3A_1197, %get3A_1198] {strides = array<i32>} : memref<32x128xf32, #tpu.memory_space<vmem>>, vector<1x16xf32>,
          %get3A_1200 = vector.shape_cast %get3A_1199 : vector<1x16xf32> to vector<16xf32>
          %mul3A_1201 = arith.mulf %get3A_1200, %broadcast_in_dim3A_1172 : vector<16xf32>
          %swap3A_1202 = arith.index_cast %add3A_1176 : i32 to index
          %swap3A_1203 = arith.constant 32 : index
          %swap3A_1204 = tpu.vector_load %arg17[%swap3A_1202, %swap3A_1203] {strides = array<i32>} : memref<32x128xf32, #tpu.memory_space<vmem>>, vector<1x16xf32>,
          %swap3A_1205 = vector.shape_cast %swap3A_1204 : vector<1x16xf32> to vector<16xf32>
          %swap3A_1206 = vector.shape_cast %mul3A_1201 : vector<16xf32> to vector<1x16xf32>
          tpu.vector_store %arg17[%swap3A_1202, %swap3A_1203], %swap3A_1206 {strides = array<i32>} : memref<32x128xf32, #tpu.memory_space<vmem>>, vector<1x16xf32>,
          %get3A_1207 = arith.index_cast %add3A_1176 : i32 to index
          %get3A_1208 = arith.constant 48 : index
          %get3A_1209 = tpu.vector_load %arg17[%get3A_1207, %get3A_1208] {strides = array<i32>} : memref<32x128xf32, #tpu.memory_space<vmem>>, vector<1x16xf32>,
          %get3A_1210 = vector.shape_cast %get3A_1209 : vector<1x16xf32> to vector<16xf32>
          %mul3A_1211 = arith.mulf %get3A_1210, %broadcast_in_dim3A_1172 : vector<16xf32>
          %swap3A_1212 = arith.index_cast %add3A_1176 : i32 to index
          %swap3A_1213 = arith.constant 48 : index
          %swap3A_1214 = tpu.vector_load %arg17[%swap3A_1212, %swap3A_1213] {strides = array<i32>} : memref<32x128xf32, #tpu.memory_space<vmem>>, vector<1x16xf32>,
          %swap3A_1215 = vector.shape_cast %swap3A_1214 : vector<1x16xf32> to vector<16xf32>
          %swap3A_1216 = vector.shape_cast %mul3A_1211 : vector<16xf32> to vector<1x16xf32>
          tpu.vector_store %arg17[%swap3A_1212, %swap3A_1213], %swap3A_1216 {strides = array<i32>} : memref<32x128xf32, #tpu.memory_space<vmem>>, vector<1x16xf32>,
          %get3A_1217 = arith.index_cast %add3A_1176 : i32 to index
          %get3A_1218 = arith.constant 64 : index
          %get3A_1219 = tpu.vector_load %arg17[%get3A_1217, %get3A_1218] {strides = array<i32>} : memref<32x128xf32, #tpu.memory_space<vmem>>, vector<1x16xf32>,
          %get3A_1220 = vector.shape_cast %get3A_1219 : vector<1x16xf32> to vector<16xf32>
          %mul3A_1221 = arith.mulf %get3A_1220, %broadcast_in_dim3A_1172 : vector<16xf32>
          %swap3A_1222 = arith.index_cast %add3A_1176 : i32 to index
          %swap3A_1223 = arith.constant 64 : index
          %swap3A_1224 = tpu.vector_load %arg17[%swap3A_1222, %swap3A_1223] {strides = array<i32>} : memref<32x128xf32, #tpu.memory_space<vmem>>, vector<1x16xf32>,
          %swap3A_1225 = vector.shape_cast %swap3A_1224 : vector<1x16xf32> to vector<16xf32>
          %swap3A_1226 = vector.shape_cast %mul3A_1221 : vector<16xf32> to vector<1x16xf32>
          tpu.vector_store %arg17[%swap3A_1222, %swap3A_1223], %swap3A_1226 {strides = array<i32>} : memref<32x128xf32, #tpu.memory_space<vmem>>, vector<1x16xf32>,
          %get3A_1227 = arith.index_cast %add3A_1176 : i32 to index
          %get3A_1228 = arith.constant 80 : index
          %get3A_1229 = tpu.vector_load %arg17[%get3A_1227, %get3A_1228] {strides = array<i32>} : memref<32x128xf32, #tpu.memory_space<vmem>>, vector<1x16xf32>,
          %get3A_1230 = vector.shape_cast %get3A_1229 : vector<1x16xf32> to vector<16xf32>
          %mul3A_1231 = arith.mulf %get3A_1230, %broadcast_in_dim3A_1172 : vector<16xf32>
          %swap3A_1232 = arith.index_cast %add3A_1176 : i32 to index
          %swap3A_1233 = arith.constant 80 : index
          %swap3A_1234 = tpu.vector_load %arg17[%swap3A_1232, %swap3A_1233] {strides = array<i32>} : memref<32x128xf32, #tpu.memory_space<vmem>>, vector<1x16xf32>,
          %swap3A_1235 = vector.shape_cast %swap3A_1234 : vector<1x16xf32> to vector<16xf32>
          %swap3A_1236 = vector.shape_cast %mul3A_1231 : vector<16xf32> to vector<1x16xf32>
          tpu.vector_store %arg17[%swap3A_1232, %swap3A_1233], %swap3A_1236 {strides = array<i32>} : memref<32x128xf32, #tpu.memory_space<vmem>>, vector<1x16xf32>,
          %get3A_1237 = arith.index_cast %add3A_1176 : i32 to index
          %get3A_1238 = arith.constant 96 : index
          %get3A_1239 = tpu.vector_load %arg17[%get3A_1237, %get3A_1238] {strides = array<i32>} : memref<32x128xf32, #tpu.memory_space<vmem>>, vector<1x16xf32>,
          %get3A_1240 = vector.shape_cast %get3A_1239 : vector<1x16xf32> to vector<16xf32>
          %mul3A_1241 = arith.mulf %get3A_1240, %broadcast_in_dim3A_1172 : vector<16xf32>
          %swap3A_1242 = arith.index_cast %add3A_1176 : i32 to index
          %swap3A_1243 = arith.constant 96 : index
          %swap3A_1244 = tpu.vector_load %arg17[%swap3A_1242, %swap3A_1243] {strides = array<i32>} : memref<32x128xf32, #tpu.memory_space<vmem>>, vector<1x16xf32>,
          %swap3A_1245 = vector.shape_cast %swap3A_1244 : vector<1x16xf32> to vector<16xf32>
          %swap3A_1246 = vector.shape_cast %mul3A_1241 : vector<16xf32> to vector<1x16xf32>
          tpu.vector_store %arg17[%swap3A_1242, %swap3A_1243], %swap3A_1246 {strides = array<i32>} : memref<32x128xf32, #tpu.memory_space<vmem>>, vector<1x16xf32>,
          %get3A_1247 = arith.index_cast %add3A_1176 : i32 to index
          %get3A_1248 = arith.constant 112 : index
          %get3A_1249 = tpu.vector_load %arg17[%get3A_1247, %get3A_1248] {strides = array<i32>} : memref<32x128xf32, #tpu.memory_space<vmem>>, vector<1x16xf32>,
          %get3A_1250 = vector.shape_cast %get3A_1249 : vector<1x16xf32> to vector<16xf32>
          %mul3A_1251 = arith.mulf %get3A_1250, %broadcast_in_dim3A_1172 : vector<16xf32>
          %swap3A_1252 = arith.index_cast %add3A_1176 : i32 to index
          %swap3A_1253 = arith.constant 112 : index
          %swap3A_1254 = tpu.vector_load %arg17[%swap3A_1252, %swap3A_1253] {strides = array<i32>} : memref<32x128xf32, #tpu.memory_space<vmem>>, vector<1x16xf32>,
          %swap3A_1255 = vector.shape_cast %swap3A_1254 : vector<1x16xf32> to vector<16xf32>
          %swap3A_1256 = vector.shape_cast %mul3A_1251 : vector<16xf32> to vector<1x16xf32>
          tpu.vector_store %arg17[%swap3A_1252, %swap3A_1253], %swap3A_1256 {strides = array<i32>} : memref<32x128xf32, #tpu.memory_space<vmem>>, vector<1x16xf32>,
          %slice3A_1257 = vector.extract_strided_slice %get3A_127 {offsets = [13], sizes = [1], strides = [1]} : vector<16xf32> to vector<1xf32>
          %squeeze3A_1258 = vector.extract %slice3A_1257[0] : f32 from vector<1xf32>
          %broadcast_in_dim3A_1259 = vector.broadcast %squeeze3A_1258 : f32 to vector<16xf32>
          %mul3A_1260 = arith.constant 16 : i32
          %mul3A_1261 = arith.muli %add3A_119, %mul3A_1260 : i32
          %add3A_1262 = arith.constant 13 : i32
          %add3A_1263 = arith.addi %mul3A_1261, %add3A_1262 : i32
          %get3A_1264 = arith.index_cast %add3A_1263 : i32 to index
          %get3A_1265 = arith.constant 0 : index
          %get3A_1266 = tpu.vector_load %arg17[%get3A_1264, %get3A_1265] {strides = array<i32>} : memref<32x128xf32, #tpu.memory_space<vmem>>, vector<1x16xf32>,
          %get3A_1267 = vector.shape_cast %get3A_1266 : vector<1x16xf32> to vector<16xf32>
          %mul3A_1268 = arith.mulf %get3A_1267, %broadcast_in_dim3A_1259 : vector<16xf32>
          %swap3A_1269 = arith.index_cast %add3A_1263 : i32 to index
          %swap3A_1270 = arith.constant 0 : index
          %swap3A_1271 = tpu.vector_load %arg17[%swap3A_1269, %swap3A_1270] {strides = array<i32>} : memref<32x128xf32, #tpu.memory_space<vmem>>, vector<1x16xf32>,
          %swap3A_1272 = vector.shape_cast %swap3A_1271 : vector<1x16xf32> to vector<16xf32>
          %swap3A_1273 = vector.shape_cast %mul3A_1268 : vector<16xf32> to vector<1x16xf32>
          tpu.vector_store %arg17[%swap3A_1269, %swap3A_1270], %swap3A_1273 {strides = array<i32>} : memref<32x128xf32, #tpu.memory_space<vmem>>, vector<1x16xf32>,
          %get3A_1274 = arith.index_cast %add3A_1263 : i32 to index
          %get3A_1275 = arith.constant 16 : index
          %get3A_1276 = tpu.vector_load %arg17[%get3A_1274, %get3A_1275] {strides = array<i32>} : memref<32x128xf32, #tpu.memory_space<vmem>>, vector<1x16xf32>,
          %get3A_1277 = vector.shape_cast %get3A_1276 : vector<1x16xf32> to vector<16xf32>
          %mul3A_1278 = arith.mulf %get3A_1277, %broadcast_in_dim3A_1259 : vector<16xf32>
          %swap3A_1279 = arith.index_cast %add3A_1263 : i32 to index
          %swap3A_1280 = arith.constant 16 : index
          %swap3A_1281 = tpu.vector_load %arg17[%swap3A_1279, %swap3A_1280] {strides = array<i32>} : memref<32x128xf32, #tpu.memory_space<vmem>>, vector<1x16xf32>,
          %swap3A_1282 = vector.shape_cast %swap3A_1281 : vector<1x16xf32> to vector<16xf32>
          %swap3A_1283 = vector.shape_cast %mul3A_1278 : vector<16xf32> to vector<1x16xf32>
          tpu.vector_store %arg17[%swap3A_1279, %swap3A_1280], %swap3A_1283 {strides = array<i32>} : memref<32x128xf32, #tpu.memory_space<vmem>>, vector<1x16xf32>,
          %get3A_1284 = arith.index_cast %add3A_1263 : i32 to index
          %get3A_1285 = arith.constant 32 : index
          %get3A_1286 = tpu.vector_load %arg17[%get3A_1284, %get3A_1285] {strides = array<i32>} : memref<32x128xf32, #tpu.memory_space<vmem>>, vector<1x16xf32>,
          %get3A_1287 = vector.shape_cast %get3A_1286 : vector<1x16xf32> to vector<16xf32>
          %mul3A_1288 = arith.mulf %get3A_1287, %broadcast_in_dim3A_1259 : vector<16xf32>
          %swap3A_1289 = arith.index_cast %add3A_1263 : i32 to index
          %swap3A_1290 = arith.constant 32 : index
          %swap3A_1291 = tpu.vector_load %arg17[%swap3A_1289, %swap3A_1290] {strides = array<i32>} : memref<32x128xf32, #tpu.memory_space<vmem>>, vector<1x16xf32>,
          %swap3A_1292 = vector.shape_cast %swap3A_1291 : vector<1x16xf32> to vector<16xf32>
          %swap3A_1293 = vector.shape_cast %mul3A_1288 : vector<16xf32> to vector<1x16xf32>
          tpu.vector_store %arg17[%swap3A_1289, %swap3A_1290], %swap3A_1293 {strides = array<i32>} : memref<32x128xf32, #tpu.memory_space<vmem>>, vector<1x16xf32>,
          %get3A_1294 = arith.index_cast %add3A_1263 : i32 to index
          %get3A_1295 = arith.constant 48 : index
          %get3A_1296 = tpu.vector_load %arg17[%get3A_1294, %get3A_1295] {strides = array<i32>} : memref<32x128xf32, #tpu.memory_space<vmem>>, vector<1x16xf32>,
          %get3A_1297 = vector.shape_cast %get3A_1296 : vector<1x16xf32> to vector<16xf32>
          %mul3A_1298 = arith.mulf %get3A_1297, %broadcast_in_dim3A_1259 : vector<16xf32>
          %swap3A_1299 = arith.index_cast %add3A_1263 : i32 to index
          %swap3A_1300 = arith.constant 48 : index
          %swap3A_1301 = tpu.vector_load %arg17[%swap3A_1299, %swap3A_1300] {strides = array<i32>} : memref<32x128xf32, #tpu.memory_space<vmem>>, vector<1x16xf32>,
          %swap3A_1302 = vector.shape_cast %swap3A_1301 : vector<1x16xf32> to vector<16xf32>
          %swap3A_1303 = vector.shape_cast %mul3A_1298 : vector<16xf32> to vector<1x16xf32>
          tpu.vector_store %arg17[%swap3A_1299, %swap3A_1300], %swap3A_1303 {strides = array<i32>} : memref<32x128xf32, #tpu.memory_space<vmem>>, vector<1x16xf32>,
          %get3A_1304 = arith.index_cast %add3A_1263 : i32 to index
          %get3A_1305 = arith.constant 64 : index
          %get3A_1306 = tpu.vector_load %arg17[%get3A_1304, %get3A_1305] {strides = array<i32>} : memref<32x128xf32, #tpu.memory_space<vmem>>, vector<1x16xf32>,
          %get3A_1307 = vector.shape_cast %get3A_1306 : vector<1x16xf32> to vector<16xf32>
          %mul3A_1308 = arith.mulf %get3A_1307, %broadcast_in_dim3A_1259 : vector<16xf32>
          %swap3A_1309 = arith.index_cast %add3A_1263 : i32 to index
          %swap3A_1310 = arith.constant 64 : index
          %swap3A_1311 = tpu.vector_load %arg17[%swap3A_1309, %swap3A_1310] {strides = array<i32>} : memref<32x128xf32, #tpu.memory_space<vmem>>, vector<1x16xf32>,
          %swap3A_1312 = vector.shape_cast %swap3A_1311 : vector<1x16xf32> to vector<16xf32>
          %swap3A_1313 = vector.shape_cast %mul3A_1308 : vector<16xf32> to vector<1x16xf32>
          tpu.vector_store %arg17[%swap3A_1309, %swap3A_1310], %swap3A_1313 {strides = array<i32>} : memref<32x128xf32, #tpu.memory_space<vmem>>, vector<1x16xf32>,
          %get3A_1314 = arith.index_cast %add3A_1263 : i32 to index
          %get3A_1315 = arith.constant 80 : index
          %get3A_1316 = tpu.vector_load %arg17[%get3A_1314, %get3A_1315] {strides = array<i32>} : memref<32x128xf32, #tpu.memory_space<vmem>>, vector<1x16xf32>,
          %get3A_1317 = vector.shape_cast %get3A_1316 : vector<1x16xf32> to vector<16xf32>
          %mul3A_1318 = arith.mulf %get3A_1317, %broadcast_in_dim3A_1259 : vector<16xf32>
          %swap3A_1319 = arith.index_cast %add3A_1263 : i32 to index
          %swap3A_1320 = arith.constant 80 : index
          %swap3A_1321 = tpu.vector_load %arg17[%swap3A_1319, %swap3A_1320] {strides = array<i32>} : memref<32x128xf32, #tpu.memory_space<vmem>>, vector<1x16xf32>,
          %swap3A_1322 = vector.shape_cast %swap3A_1321 : vector<1x16xf32> to vector<16xf32>
          %swap3A_1323 = vector.shape_cast %mul3A_1318 : vector<16xf32> to vector<1x16xf32>
          tpu.vector_store %arg17[%swap3A_1319, %swap3A_1320], %swap3A_1323 {strides = array<i32>} : memref<32x128xf32, #tpu.memory_space<vmem>>, vector<1x16xf32>,
          %get3A_1324 = arith.index_cast %add3A_1263 : i32 to index
          %get3A_1325 = arith.constant 96 : index
          %get3A_1326 = tpu.vector_load %arg17[%get3A_1324, %get3A_1325] {strides = array<i32>} : memref<32x128xf32, #tpu.memory_space<vmem>>, vector<1x16xf32>,
          %get3A_1327 = vector.shape_cast %get3A_1326 : vector<1x16xf32> to vector<16xf32>
          %mul3A_1328 = arith.mulf %get3A_1327, %broadcast_in_dim3A_1259 : vector<16xf32>
          %swap3A_1329 = arith.index_cast %add3A_1263 : i32 to index
          %swap3A_1330 = arith.constant 96 : index
          %swap3A_1331 = tpu.vector_load %arg17[%swap3A_1329, %swap3A_1330] {strides = array<i32>} : memref<32x128xf32, #tpu.memory_space<vmem>>, vector<1x16xf32>,
          %swap3A_1332 = vector.shape_cast %swap3A_1331 : vector<1x16xf32> to vector<16xf32>
          %swap3A_1333 = vector.shape_cast %mul3A_1328 : vector<16xf32> to vector<1x16xf32>
          tpu.vector_store %arg17[%swap3A_1329, %swap3A_1330], %swap3A_1333 {strides = array<i32>} : memref<32x128xf32, #tpu.memory_space<vmem>>, vector<1x16xf32>,
          %get3A_1334 = arith.index_cast %add3A_1263 : i32 to index
          %get3A_1335 = arith.constant 112 : index
          %get3A_1336 = tpu.vector_load %arg17[%get3A_1334, %get3A_1335] {strides = array<i32>} : memref<32x128xf32, #tpu.memory_space<vmem>>, vector<1x16xf32>,
          %get3A_1337 = vector.shape_cast %get3A_1336 : vector<1x16xf32> to vector<16xf32>
          %mul3A_1338 = arith.mulf %get3A_1337, %broadcast_in_dim3A_1259 : vector<16xf32>
          %swap3A_1339 = arith.index_cast %add3A_1263 : i32 to index
          %swap3A_1340 = arith.constant 112 : index
          %swap3A_1341 = tpu.vector_load %arg17[%swap3A_1339, %swap3A_1340] {strides = array<i32>} : memref<32x128xf32, #tpu.memory_space<vmem>>, vector<1x16xf32>,
          %swap3A_1342 = vector.shape_cast %swap3A_1341 : vector<1x16xf32> to vector<16xf32>
          %swap3A_1343 = vector.shape_cast %mul3A_1338 : vector<16xf32> to vector<1x16xf32>
          tpu.vector_store %arg17[%swap3A_1339, %swap3A_1340], %swap3A_1343 {strides = array<i32>} : memref<32x128xf32, #tpu.memory_space<vmem>>, vector<1x16xf32>,
          %slice3A_1344 = vector.extract_strided_slice %get3A_127 {offsets = [14], sizes = [1], strides = [1]} : vector<16xf32> to vector<1xf32>
          %squeeze3A_1345 = vector.extract %slice3A_1344[0] : f32 from vector<1xf32>
          %broadcast_in_dim3A_1346 = vector.broadcast %squeeze3A_1345 : f32 to vector<16xf32>
          %mul3A_1347 = arith.constant 16 : i32
          %mul3A_1348 = arith.muli %add3A_119, %mul3A_1347 : i32
          %add3A_1349 = arith.constant 14 : i32
          %add3A_1350 = arith.addi %mul3A_1348, %add3A_1349 : i32
          %get3A_1351 = arith.index_cast %add3A_1350 : i32 to index
          %get3A_1352 = arith.constant 0 : index
          %get3A_1353 = tpu.vector_load %arg17[%get3A_1351, %get3A_1352] {strides = array<i32>} : memref<32x128xf32, #tpu.memory_space<vmem>>, vector<1x16xf32>,
          %get3A_1354 = vector.shape_cast %get3A_1353 : vector<1x16xf32> to vector<16xf32>
          %mul3A_1355 = arith.mulf %get3A_1354, %broadcast_in_dim3A_1346 : vector<16xf32>
          %swap3A_1356 = arith.index_cast %add3A_1350 : i32 to index
          %swap3A_1357 = arith.constant 0 : index
          %swap3A_1358 = tpu.vector_load %arg17[%swap3A_1356, %swap3A_1357] {strides = array<i32>} : memref<32x128xf32, #tpu.memory_space<vmem>>, vector<1x16xf32>,
          %swap3A_1359 = vector.shape_cast %swap3A_1358 : vector<1x16xf32> to vector<16xf32>
          %swap3A_1360 = vector.shape_cast %mul3A_1355 : vector<16xf32> to vector<1x16xf32>
          tpu.vector_store %arg17[%swap3A_1356, %swap3A_1357], %swap3A_1360 {strides = array<i32>} : memref<32x128xf32, #tpu.memory_space<vmem>>, vector<1x16xf32>,
          %get3A_1361 = arith.index_cast %add3A_1350 : i32 to index
          %get3A_1362 = arith.constant 16 : index
          %get3A_1363 = tpu.vector_load %arg17[%get3A_1361, %get3A_1362] {strides = array<i32>} : memref<32x128xf32, #tpu.memory_space<vmem>>, vector<1x16xf32>,
          %get3A_1364 = vector.shape_cast %get3A_1363 : vector<1x16xf32> to vector<16xf32>
          %mul3A_1365 = arith.mulf %get3A_1364, %broadcast_in_dim3A_1346 : vector<16xf32>
          %swap3A_1366 = arith.index_cast %add3A_1350 : i32 to index
          %swap3A_1367 = arith.constant 16 : index
          %swap3A_1368 = tpu.vector_load %arg17[%swap3A_1366, %swap3A_1367] {strides = array<i32>} : memref<32x128xf32, #tpu.memory_space<vmem>>, vector<1x16xf32>,
          %swap3A_1369 = vector.shape_cast %swap3A_1368 : vector<1x16xf32> to vector<16xf32>
          %swap3A_1370 = vector.shape_cast %mul3A_1365 : vector<16xf32> to vector<1x16xf32>
          tpu.vector_store %arg17[%swap3A_1366, %swap3A_1367], %swap3A_1370 {strides = array<i32>} : memref<32x128xf32, #tpu.memory_space<vmem>>, vector<1x16xf32>,
          %get3A_1371 = arith.index_cast %add3A_1350 : i32 to index
          %get3A_1372 = arith.constant 32 : index
          %get3A_1373 = tpu.vector_load %arg17[%get3A_1371, %get3A_1372] {strides = array<i32>} : memref<32x128xf32, #tpu.memory_space<vmem>>, vector<1x16xf32>,
          %get3A_1374 = vector.shape_cast %get3A_1373 : vector<1x16xf32> to vector<16xf32>
          %mul3A_1375 = arith.mulf %get3A_1374, %broadcast_in_dim3A_1346 : vector<16xf32>
          %swap3A_1376 = arith.index_cast %add3A_1350 : i32 to index
          %swap3A_1377 = arith.constant 32 : index
          %swap3A_1378 = tpu.vector_load %arg17[%swap3A_1376, %swap3A_1377] {strides = array<i32>} : memref<32x128xf32, #tpu.memory_space<vmem>>, vector<1x16xf32>,
          %swap3A_1379 = vector.shape_cast %swap3A_1378 : vector<1x16xf32> to vector<16xf32>
          %swap3A_1380 = vector.shape_cast %mul3A_1375 : vector<16xf32> to vector<1x16xf32>
          tpu.vector_store %arg17[%swap3A_1376, %swap3A_1377], %swap3A_1380 {strides = array<i32>} : memref<32x128xf32, #tpu.memory_space<vmem>>, vector<1x16xf32>,
          %get3A_1381 = arith.index_cast %add3A_1350 : i32 to index
          %get3A_1382 = arith.constant 48 : index
          %get3A_1383 = tpu.vector_load %arg17[%get3A_1381, %get3A_1382] {strides = array<i32>} : memref<32x128xf32, #tpu.memory_space<vmem>>, vector<1x16xf32>,
          %get3A_1384 = vector.shape_cast %get3A_1383 : vector<1x16xf32> to vector<16xf32>
          %mul3A_1385 = arith.mulf %get3A_1384, %broadcast_in_dim3A_1346 : vector<16xf32>
          %swap3A_1386 = arith.index_cast %add3A_1350 : i32 to index
          %swap3A_1387 = arith.constant 48 : index
          %swap3A_1388 = tpu.vector_load %arg17[%swap3A_1386, %swap3A_1387] {strides = array<i32>} : memref<32x128xf32, #tpu.memory_space<vmem>>, vector<1x16xf32>,
          %swap3A_1389 = vector.shape_cast %swap3A_1388 : vector<1x16xf32> to vector<16xf32>
          %swap3A_1390 = vector.shape_cast %mul3A_1385 : vector<16xf32> to vector<1x16xf32>
          tpu.vector_store %arg17[%swap3A_1386, %swap3A_1387], %swap3A_1390 {strides = array<i32>} : memref<32x128xf32, #tpu.memory_space<vmem>>, vector<1x16xf32>,
          %get3A_1391 = arith.index_cast %add3A_1350 : i32 to index
          %get3A_1392 = arith.constant 64 : index
          %get3A_1393 = tpu.vector_load %arg17[%get3A_1391, %get3A_1392] {strides = array<i32>} : memref<32x128xf32, #tpu.memory_space<vmem>>, vector<1x16xf32>,
          %get3A_1394 = vector.shape_cast %get3A_1393 : vector<1x16xf32> to vector<16xf32>
          %mul3A_1395 = arith.mulf %get3A_1394, %broadcast_in_dim3A_1346 : vector<16xf32>
          %swap3A_1396 = arith.index_cast %add3A_1350 : i32 to index
          %swap3A_1397 = arith.constant 64 : index
          %swap3A_1398 = tpu.vector_load %arg17[%swap3A_1396, %swap3A_1397] {strides = array<i32>} : memref<32x128xf32, #tpu.memory_space<vmem>>, vector<1x16xf32>,
          %swap3A_1399 = vector.shape_cast %swap3A_1398 : vector<1x16xf32> to vector<16xf32>
          %swap3A_1400 = vector.shape_cast %mul3A_1395 : vector<16xf32> to vector<1x16xf32>
          tpu.vector_store %arg17[%swap3A_1396, %swap3A_1397], %swap3A_1400 {strides = array<i32>} : memref<32x128xf32, #tpu.memory_space<vmem>>, vector<1x16xf32>,
          %get3A_1401 = arith.index_cast %add3A_1350 : i32 to index
          %get3A_1402 = arith.constant 80 : index
          %get3A_1403 = tpu.vector_load %arg17[%get3A_1401, %get3A_1402] {strides = array<i32>} : memref<32x128xf32, #tpu.memory_space<vmem>>, vector<1x16xf32>,
          %get3A_1404 = vector.shape_cast %get3A_1403 : vector<1x16xf32> to vector<16xf32>
          %mul3A_1405 = arith.mulf %get3A_1404, %broadcast_in_dim3A_1346 : vector<16xf32>
          %swap3A_1406 = arith.index_cast %add3A_1350 : i32 to index
          %swap3A_1407 = arith.constant 80 : index
          %swap3A_1408 = tpu.vector_load %arg17[%swap3A_1406, %swap3A_1407] {strides = array<i32>} : memref<32x128xf32, #tpu.memory_space<vmem>>, vector<1x16xf32>,
          %swap3A_1409 = vector.shape_cast %swap3A_1408 : vector<1x16xf32> to vector<16xf32>
          %swap3A_1410 = vector.shape_cast %mul3A_1405 : vector<16xf32> to vector<1x16xf32>
          tpu.vector_store %arg17[%swap3A_1406, %swap3A_1407], %swap3A_1410 {strides = array<i32>} : memref<32x128xf32, #tpu.memory_space<vmem>>, vector<1x16xf32>,
          %get3A_1411 = arith.index_cast %add3A_1350 : i32 to index
          %get3A_1412 = arith.constant 96 : index
          %get3A_1413 = tpu.vector_load %arg17[%get3A_1411, %get3A_1412] {strides = array<i32>} : memref<32x128xf32, #tpu.memory_space<vmem>>, vector<1x16xf32>,
          %get3A_1414 = vector.shape_cast %get3A_1413 : vector<1x16xf32> to vector<16xf32>
          %mul3A_1415 = arith.mulf %get3A_1414, %broadcast_in_dim3A_1346 : vector<16xf32>
          %swap3A_1416 = arith.index_cast %add3A_1350 : i32 to index
          %swap3A_1417 = arith.constant 96 : index
          %swap3A_1418 = tpu.vector_load %arg17[%swap3A_1416, %swap3A_1417] {strides = array<i32>} : memref<32x128xf32, #tpu.memory_space<vmem>>, vector<1x16xf32>,
          %swap3A_1419 = vector.shape_cast %swap3A_1418 : vector<1x16xf32> to vector<16xf32>
          %swap3A_1420 = vector.shape_cast %mul3A_1415 : vector<16xf32> to vector<1x16xf32>
          tpu.vector_store %arg17[%swap3A_1416, %swap3A_1417], %swap3A_1420 {strides = array<i32>} : memref<32x128xf32, #tpu.memory_space<vmem>>, vector<1x16xf32>,
          %get3A_1421 = arith.index_cast %add3A_1350 : i32 to index
          %get3A_1422 = arith.constant 112 : index
          %get3A_1423 = tpu.vector_load %arg17[%get3A_1421, %get3A_1422] {strides = array<i32>} : memref<32x128xf32, #tpu.memory_space<vmem>>, vector<1x16xf32>,
          %get3A_1424 = vector.shape_cast %get3A_1423 : vector<1x16xf32> to vector<16xf32>
          %mul3A_1425 = arith.mulf %get3A_1424, %broadcast_in_dim3A_1346 : vector<16xf32>
          %swap3A_1426 = arith.index_cast %add3A_1350 : i32 to index
          %swap3A_1427 = arith.constant 112 : index
          %swap3A_1428 = tpu.vector_load %arg17[%swap3A_1426, %swap3A_1427] {strides = array<i32>} : memref<32x128xf32, #tpu.memory_space<vmem>>, vector<1x16xf32>,
          %swap3A_1429 = vector.shape_cast %swap3A_1428 : vector<1x16xf32> to vector<16xf32>
          %swap3A_1430 = vector.shape_cast %mul3A_1425 : vector<16xf32> to vector<1x16xf32>
          tpu.vector_store %arg17[%swap3A_1426, %swap3A_1427], %swap3A_1430 {strides = array<i32>} : memref<32x128xf32, #tpu.memory_space<vmem>>, vector<1x16xf32>,
          %slice3A_1431 = vector.extract_strided_slice %get3A_127 {offsets = [15], sizes = [1], strides = [1]} : vector<16xf32> to vector<1xf32>
          %squeeze3A_1432 = vector.extract %slice3A_1431[0] : f32 from vector<1xf32>
          %broadcast_in_dim3A_1433 = vector.broadcast %squeeze3A_1432 : f32 to vector<16xf32>
          %mul3A_1434 = arith.constant 16 : i32
          %mul3A_1435 = arith.muli %add3A_119, %mul3A_1434 : i32
          %add3A_1436 = arith.constant 15 : i32
          %add3A_1437 = arith.addi %mul3A_1435, %add3A_1436 : i32
          %get3A_1438 = arith.index_cast %add3A_1437 : i32 to index
          %get3A_1439 = arith.constant 0 : index
          %get3A_1440 = tpu.vector_load %arg17[%get3A_1438, %get3A_1439] {strides = array<i32>} : memref<32x128xf32, #tpu.memory_space<vmem>>, vector<1x16xf32>,
          %get3A_1441 = vector.shape_cast %get3A_1440 : vector<1x16xf32> to vector<16xf32>
          %mul3A_1442 = arith.mulf %get3A_1441, %broadcast_in_dim3A_1433 : vector<16xf32>
          %swap3A_1443 = arith.index_cast %add3A_1437 : i32 to index
          %swap3A_1444 = arith.constant 0 : index
          %swap3A_1445 = tpu.vector_load %arg17[%swap3A_1443, %swap3A_1444] {strides = array<i32>} : memref<32x128xf32, #tpu.memory_space<vmem>>, vector<1x16xf32>,
          %swap3A_1446 = vector.shape_cast %swap3A_1445 : vector<1x16xf32> to vector<16xf32>
          %swap3A_1447 = vector.shape_cast %mul3A_1442 : vector<16xf32> to vector<1x16xf32>
          tpu.vector_store %arg17[%swap3A_1443, %swap3A_1444], %swap3A_1447 {strides = array<i32>} : memref<32x128xf32, #tpu.memory_space<vmem>>, vector<1x16xf32>,
          %get3A_1448 = arith.index_cast %add3A_1437 : i32 to index
          %get3A_1449 = arith.constant 16 : index
          %get3A_1450 = tpu.vector_load %arg17[%get3A_1448, %get3A_1449] {strides = array<i32>} : memref<32x128xf32, #tpu.memory_space<vmem>>, vector<1x16xf32>,
          %get3A_1451 = vector.shape_cast %get3A_1450 : vector<1x16xf32> to vector<16xf32>
          %mul3A_1452 = arith.mulf %get3A_1451, %broadcast_in_dim3A_1433 : vector<16xf32>
          %swap3A_1453 = arith.index_cast %add3A_1437 : i32 to index
          %swap3A_1454 = arith.constant 16 : index
          %swap3A_1455 = tpu.vector_load %arg17[%swap3A_1453, %swap3A_1454] {strides = array<i32>} : memref<32x128xf32, #tpu.memory_space<vmem>>, vector<1x16xf32>,
          %swap3A_1456 = vector.shape_cast %swap3A_1455 : vector<1x16xf32> to vector<16xf32>
          %swap3A_1457 = vector.shape_cast %mul3A_1452 : vector<16xf32> to vector<1x16xf32>
          tpu.vector_store %arg17[%swap3A_1453, %swap3A_1454], %swap3A_1457 {strides = array<i32>} : memref<32x128xf32, #tpu.memory_space<vmem>>, vector<1x16xf32>,
          %get3A_1458 = arith.index_cast %add3A_1437 : i32 to index
          %get3A_1459 = arith.constant 32 : index
          %get3A_1460 = tpu.vector_load %arg17[%get3A_1458, %get3A_1459] {strides = array<i32>} : memref<32x128xf32, #tpu.memory_space<vmem>>, vector<1x16xf32>,
          %get3A_1461 = vector.shape_cast %get3A_1460 : vector<1x16xf32> to vector<16xf32>
          %mul3A_1462 = arith.mulf %get3A_1461, %broadcast_in_dim3A_1433 : vector<16xf32>
          %swap3A_1463 = arith.index_cast %add3A_1437 : i32 to index
          %swap3A_1464 = arith.constant 32 : index
          %swap3A_1465 = tpu.vector_load %arg17[%swap3A_1463, %swap3A_1464] {strides = array<i32>} : memref<32x128xf32, #tpu.memory_space<vmem>>, vector<1x16xf32>,
          %swap3A_1466 = vector.shape_cast %swap3A_1465 : vector<1x16xf32> to vector<16xf32>
          %swap3A_1467 = vector.shape_cast %mul3A_1462 : vector<16xf32> to vector<1x16xf32>
          tpu.vector_store %arg17[%swap3A_1463, %swap3A_1464], %swap3A_1467 {strides = array<i32>} : memref<32x128xf32, #tpu.memory_space<vmem>>, vector<1x16xf32>,
          %get3A_1468 = arith.index_cast %add3A_1437 : i32 to index
          %get3A_1469 = arith.constant 48 : index
          %get3A_1470 = tpu.vector_load %arg17[%get3A_1468, %get3A_1469] {strides = array<i32>} : memref<32x128xf32, #tpu.memory_space<vmem>>, vector<1x16xf32>,
          %get3A_1471 = vector.shape_cast %get3A_1470 : vector<1x16xf32> to vector<16xf32>
          %mul3A_1472 = arith.mulf %get3A_1471, %broadcast_in_dim3A_1433 : vector<16xf32>
          %swap3A_1473 = arith.index_cast %add3A_1437 : i32 to index
          %swap3A_1474 = arith.constant 48 : index
          %swap3A_1475 = tpu.vector_load %arg17[%swap3A_1473, %swap3A_1474] {strides = array<i32>} : memref<32x128xf32, #tpu.memory_space<vmem>>, vector<1x16xf32>,
          %swap3A_1476 = vector.shape_cast %swap3A_1475 : vector<1x16xf32> to vector<16xf32>
          %swap3A_1477 = vector.shape_cast %mul3A_1472 : vector<16xf32> to vector<1x16xf32>
          tpu.vector_store %arg17[%swap3A_1473, %swap3A_1474], %swap3A_1477 {strides = array<i32>} : memref<32x128xf32, #tpu.memory_space<vmem>>, vector<1x16xf32>,
          %get3A_1478 = arith.index_cast %add3A_1437 : i32 to index
          %get3A_1479 = arith.constant 64 : index
          %get3A_1480 = tpu.vector_load %arg17[%get3A_1478, %get3A_1479] {strides = array<i32>} : memref<32x128xf32, #tpu.memory_space<vmem>>, vector<1x16xf32>,
          %get3A_1481 = vector.shape_cast %get3A_1480 : vector<1x16xf32> to vector<16xf32>
          %mul3A_1482 = arith.mulf %get3A_1481, %broadcast_in_dim3A_1433 : vector<16xf32>
          %swap3A_1483 = arith.index_cast %add3A_1437 : i32 to index
          %swap3A_1484 = arith.constant 64 : index
          %swap3A_1485 = tpu.vector_load %arg17[%swap3A_1483, %swap3A_1484] {strides = array<i32>} : memref<32x128xf32, #tpu.memory_space<vmem>>, vector<1x16xf32>,
          %swap3A_1486 = vector.shape_cast %swap3A_1485 : vector<1x16xf32> to vector<16xf32>
          %swap3A_1487 = vector.shape_cast %mul3A_1482 : vector<16xf32> to vector<1x16xf32>
          tpu.vector_store %arg17[%swap3A_1483, %swap3A_1484], %swap3A_1487 {strides = array<i32>} : memref<32x128xf32, #tpu.memory_space<vmem>>, vector<1x16xf32>,
          %get3A_1488 = arith.index_cast %add3A_1437 : i32 to index
          %get3A_1489 = arith.constant 80 : index
          %get3A_1490 = tpu.vector_load %arg17[%get3A_1488, %get3A_1489] {strides = array<i32>} : memref<32x128xf32, #tpu.memory_space<vmem>>, vector<1x16xf32>,
          %get3A_1491 = vector.shape_cast %get3A_1490 : vector<1x16xf32> to vector<16xf32>
          %mul3A_1492 = arith.mulf %get3A_1491, %broadcast_in_dim3A_1433 : vector<16xf32>
          %swap3A_1493 = arith.index_cast %add3A_1437 : i32 to index
          %swap3A_1494 = arith.constant 80 : index
          %swap3A_1495 = tpu.vector_load %arg17[%swap3A_1493, %swap3A_1494] {strides = array<i32>} : memref<32x128xf32, #tpu.memory_space<vmem>>, vector<1x16xf32>,
          %swap3A_1496 = vector.shape_cast %swap3A_1495 : vector<1x16xf32> to vector<16xf32>
          %swap3A_1497 = vector.shape_cast %mul3A_1492 : vector<16xf32> to vector<1x16xf32>
          tpu.vector_store %arg17[%swap3A_1493, %swap3A_1494], %swap3A_1497 {strides = array<i32>} : memref<32x128xf32, #tpu.memory_space<vmem>>, vector<1x16xf32>,
          %get3A_1498 = arith.index_cast %add3A_1437 : i32 to index
          %get3A_1499 = arith.constant 96 : index
          %get3A_1500 = tpu.vector_load %arg17[%get3A_1498, %get3A_1499] {strides = array<i32>} : memref<32x128xf32, #tpu.memory_space<vmem>>, vector<1x16xf32>,
          %get3A_1501 = vector.shape_cast %get3A_1500 : vector<1x16xf32> to vector<16xf32>
          %mul3A_1502 = arith.mulf %get3A_1501, %broadcast_in_dim3A_1433 : vector<16xf32>
          %swap3A_1503 = arith.index_cast %add3A_1437 : i32 to index
          %swap3A_1504 = arith.constant 96 : index
          %swap3A_1505 = tpu.vector_load %arg17[%swap3A_1503, %swap3A_1504] {strides = array<i32>} : memref<32x128xf32, #tpu.memory_space<vmem>>, vector<1x16xf32>,
          %swap3A_1506 = vector.shape_cast %swap3A_1505 : vector<1x16xf32> to vector<16xf32>
          %swap3A_1507 = vector.shape_cast %mul3A_1502 : vector<16xf32> to vector<1x16xf32>
          tpu.vector_store %arg17[%swap3A_1503, %swap3A_1504], %swap3A_1507 {strides = array<i32>} : memref<32x128xf32, #tpu.memory_space<vmem>>, vector<1x16xf32>,
          %get3A_1508 = arith.index_cast %add3A_1437 : i32 to index
          %get3A_1509 = arith.constant 112 : index
          %get3A_1510 = tpu.vector_load %arg17[%get3A_1508, %get3A_1509] {strides = array<i32>} : memref<32x128xf32, #tpu.memory_space<vmem>>, vector<1x16xf32>,
          %get3A_1511 = vector.shape_cast %get3A_1510 : vector<1x16xf32> to vector<16xf32>
          %mul3A_1512 = arith.mulf %get3A_1511, %broadcast_in_dim3A_1433 : vector<16xf32>
          %swap3A_1513 = arith.index_cast %add3A_1437 : i32 to index
          %swap3A_1514 = arith.constant 112 : index
          %swap3A_1515 = tpu.vector_load %arg17[%swap3A_1513, %swap3A_1514] {strides = array<i32>} : memref<32x128xf32, #tpu.memory_space<vmem>>, vector<1x16xf32>,
          %swap3A_1516 = vector.shape_cast %swap3A_1515 : vector<1x16xf32> to vector<16xf32>
          %swap3A_1517 = vector.shape_cast %mul3A_1512 : vector<16xf32> to vector<1x16xf32>
          tpu.vector_store %arg17[%swap3A_1513, %swap3A_1514], %swap3A_1517 {strides = array<i32>} : memref<32x128xf32, #tpu.memory_space<vmem>>, vector<1x16xf32>,
        }
        %scan3A_110 = arith.constant 2 : i32
        %add3A_111 = arith.addi %mul3A_19, %mul3A_0 : i32
        %mul3A_112 = arith.constant 32 : i32
        %mul3A_113 = arith.muli %add3A_102, %mul3A_112 : i32
        %add3A_114 = arith.addi %add3A_111, %mul3A_113 : i32
        "tpu.region"() ({
          %run_scoped3A = tpu.sem_alloc : memref<!tpu.dma_semaphore, #tpu.memory_space<semaphore_mem>>
          %dma_start3A_115 = arith.constant 0 : i32
          %dma_start3A_116 = tpu.memref_slice %arg9[%add3A_114, %dma_start3A_115] : memref<81920x128xf32, #tpu.memory_space<hbm>> -> memref<32x128xf32, #tpu.memory_space<hbm>>
          %dma_start3A_117 = arith.constant 0 : i32
          %dma_start3A_118 = tpu.memref_slice %arg9[%add3A_114, %dma_start3A_117] : memref<81920x128xf32, #tpu.memory_space<hbm>> -> memref<32x128xf32, #tpu.memory_space<hbm>>
          tpu.enqueue_dma source(%arg17 : memref<32x128xf32, #tpu.memory_space<vmem>>) target(%dma_start3A_118 : memref<32x128xf32, #tpu.memory_space<hbm>>) target_semaphore(%run_scoped3A : memref<!tpu.dma_semaphore, #tpu.memory_space<semaphore_mem>>)
          %dma_wait3A_119 = arith.constant 0 : i32
          %dma_wait3A_120 = tpu.memref_slice %arg9[%add3A_114, %dma_wait3A_119] : memref<81920x128xf32, #tpu.memory_space<hbm>> -> memref<32x128xf32, #tpu.memory_space<hbm>>
          %dma_wait3A_121 = arith.constant 0 : i32
          %dma_wait3A_122 = tpu.memref_slice %arg9[%add3A_114, %dma_wait3A_121] : memref<81920x128xf32, #tpu.memory_space<hbm>> -> memref<32x128xf32, #tpu.memory_space<hbm>>
          tpu.wait_dma2 semaphore(%run_scoped3A : memref<!tpu.dma_semaphore, #tpu.memory_space<semaphore_mem>>) src(%arg17 : memref<32x128xf32, #tpu.memory_space<vmem>>) dst(%dma_wait3A_122 : memref<32x128xf32, #tpu.memory_space<hbm>>)
          tpu.yield
        }) : () -> ()
      }
      %scan3A_71 = arith.constant 20 : i32
      "tpu.region"() ({
        %run_scoped3A = tpu.sem_alloc : memref<!tpu.dma_semaphore, #tpu.memory_space<semaphore_mem>>
        %dma_start3A_98 = arith.constant 0 : i32
        %dma_start3A_99 = tpu.memref_slice %arg10[%mul3A_0, %dma_start3A_98] : memref<10240x128xf32, #tpu.memory_space<vmem_shared>> -> memref<640x128xf32, #tpu.memory_space<vmem_shared>>
        %dma_start3A_100 = arith.constant 0 : i32
        %dma_start3A_101 = tpu.memref_slice %arg5[%mul3A_0, %dma_start3A_100] : memref<10240x128xf32, #tpu.memory_space<hbm>> -> memref<640x128xf32, #tpu.memory_space<hbm>>
        tpu.enqueue_dma source(%dma_start3A_101 : memref<640x128xf32, #tpu.memory_space<hbm>>) target(%dma_start3A_99 : memref<640x128xf32, #tpu.memory_space<vmem_shared>>) target_semaphore(%run_scoped3A : memref<!tpu.dma_semaphore, #tpu.memory_space<semaphore_mem>>)
        %dma_wait3A_102 = arith.constant 0 : i32
        %dma_wait3A_103 = tpu.memref_slice %arg10[%mul3A_0, %dma_wait3A_102] : memref<10240x128xf32, #tpu.memory_space<vmem_shared>> -> memref<640x128xf32, #tpu.memory_space<vmem_shared>>
        %dma_wait3A_104 = arith.constant 0 : i32
        %dma_wait3A_105 = tpu.memref_slice %arg5[%mul3A_0, %dma_wait3A_104] : memref<10240x128xf32, #tpu.memory_space<hbm>> -> memref<640x128xf32, #tpu.memory_space<hbm>>
        tpu.wait_dma2 semaphore(%run_scoped3A : memref<!tpu.dma_semaphore, #tpu.memory_space<semaphore_mem>>) src(%dma_wait3A_105 : memref<640x128xf32, #tpu.memory_space<hbm>>) dst(%dma_wait3A_103 : memref<640x128xf32, #tpu.memory_space<vmem_shared>>)
        tpu.yield
      }) : () -> ()
      "tpu.region"() ({
        %run_scoped3A = tpu.sem_alloc : memref<!tpu.dma_semaphore, #tpu.memory_space<semaphore_mem>>
        %dma_start3A_98 = tpu.memref_slice %arg11[%mul3A_0] : memref<10240xf32, #tpu.memory_space<vmem_shared>> -> memref<640xf32, #tpu.memory_space<vmem_shared>>
        %dma_start3A_99 = tpu.memref_slice %arg6[%mul3A_0] : memref<10240xf32, #tpu.memory_space<hbm>> -> memref<640xf32, #tpu.memory_space<hbm>>
        tpu.enqueue_dma source(%dma_start3A_99 : memref<640xf32, #tpu.memory_space<hbm>>) target(%dma_start3A_98 : memref<640xf32, #tpu.memory_space<vmem_shared>>) target_semaphore(%run_scoped3A : memref<!tpu.dma_semaphore, #tpu.memory_space<semaphore_mem>>)
        %dma_wait3A_100 = tpu.memref_slice %arg11[%mul3A_0] : memref<10240xf32, #tpu.memory_space<vmem_shared>> -> memref<640xf32, #tpu.memory_space<vmem_shared>>
        %dma_wait3A_101 = tpu.memref_slice %arg6[%mul3A_0] : memref<10240xf32, #tpu.memory_space<hbm>> -> memref<640xf32, #tpu.memory_space<hbm>>
        tpu.wait_dma2 semaphore(%run_scoped3A : memref<!tpu.dma_semaphore, #tpu.memory_space<semaphore_mem>>) src(%dma_wait3A_101 : memref<640xf32, #tpu.memory_space<hbm>>) dst(%dma_wait3A_100 : memref<640xf32, #tpu.memory_space<vmem_shared>>)
        tpu.yield
      }) : () -> ()
      %barrier3A_72 = arith.constant 0 : index
      tpu.barrier barrier_id(%barrier3A_72)
      "tpu.region"() ({
        %run_scoped3A = tpu.sem_alloc : memref<!tpu.dma_semaphore, #tpu.memory_space<semaphore_mem>>
        %dma_start3A_98 = arith.constant 0 : i32
        %dma_start3A_99 = tpu.memref_slice %arg16[%dma_start3A_98] : memref<2512xf32, #tpu.memory_space<vmem>> -> memref<2496xf32, #tpu.memory_space<vmem>>
        %dma_start3A_100 = arith.constant 0 : i32
        %dma_start3A_101 = tpu.memref_slice %arg13[%dma_start3A_100] : memref<5000xi32, #tpu.memory_space<vmem>> -> memref<2496xi32, #tpu.memory_space<vmem>>
        %dma_start3A_102 = arith.constant 0 : i32
        %dma_start3A_103 = tpu.memref_slice %arg12[%dma_start3A_102] : memref<10240xf32, #tpu.memory_space<vmem_shared>> -> memref<10240xf32, #tpu.memory_space<vmem_shared>>
        tpu.enqueue_indirect_dma source(%dma_start3A_99 : memref<2496xf32, #tpu.memory_space<vmem>>) target(%dma_start3A_103 : memref<10240xf32, #tpu.memory_space<vmem_shared>>) offsets(%dma_start3A_101 : memref<2496xi32, #tpu.memory_space<vmem>>) semaphore(%run_scoped3A : memref<!tpu.dma_semaphore, #tpu.memory_space<semaphore_mem>>) {add = true}
        %dma_wait3A_104 = arith.constant 0 : i32
        %dma_wait3A_105 = tpu.memref_slice %arg16[%dma_wait3A_104] : memref<2512xf32, #tpu.memory_space<vmem>> -> memref<2496xf32, #tpu.memory_space<vmem>>
        %dma_wait3A_106 = arith.constant 0 : i32
        %dma_wait3A_107 = tpu.memref_slice %arg13[%dma_wait3A_106] : memref<5000xi32, #tpu.memory_space<vmem>> -> memref<2496xi32, #tpu.memory_space<vmem>>
        %dma_wait3A_108 = arith.constant 0 : i32
        %dma_wait3A_109 = tpu.memref_slice %arg12[%dma_wait3A_108] : memref<10240xf32, #tpu.memory_space<vmem_shared>> -> memref<10240xf32, #tpu.memory_space<vmem_shared>>
        tpu.wait_indirect_dma semaphore(%run_scoped3A : memref<!tpu.dma_semaphore, #tpu.memory_space<semaphore_mem>>) src(%dma_wait3A_105 : memref<2496xf32, #tpu.memory_space<vmem>>) dst(%dma_wait3A_109 : memref<10240xf32, #tpu.memory_space<vmem_shared>>)
        tpu.yield
      }) : () -> ()
      "tpu.region"() ({
        %run_scoped3A = tpu.sem_alloc : memref<!tpu.dma_semaphore, #tpu.memory_space<semaphore_mem>>
        %dma_start3A_98 = arith.constant 0 : i32
        %dma_start3A_99 = tpu.memref_slice %arg16[%dma_start3A_98] : memref<2512xf32, #tpu.memory_space<vmem>> -> memref<2504xf32, #tpu.memory_space<vmem>>
        %dma_start3A_100 = arith.constant 2496 : i32
        %dma_start3A_101 = tpu.memref_slice %arg13[%dma_start3A_100] : memref<5000xi32, #tpu.memory_space<vmem>> -> memref<2504xi32, #tpu.memory_space<vmem>>
        %dma_start3A_102 = arith.constant 0 : i32
        %dma_start3A_103 = tpu.memref_slice %arg12[%dma_start3A_102] : memref<10240xf32, #tpu.memory_space<vmem_shared>> -> memref<10240xf32, #tpu.memory_space<vmem_shared>>
        tpu.enqueue_indirect_dma source(%dma_start3A_99 : memref<2504xf32, #tpu.memory_space<vmem>>) target(%dma_start3A_103 : memref<10240xf32, #tpu.memory_space<vmem_shared>>) offsets(%dma_start3A_101 : memref<2504xi32, #tpu.memory_space<vmem>>) semaphore(%run_scoped3A : memref<!tpu.dma_semaphore, #tpu.memory_space<semaphore_mem>>) {add = true}
        %dma_wait3A_104 = arith.constant 0 : i32
        %dma_wait3A_105 = tpu.memref_slice %arg16[%dma_wait3A_104] : memref<2512xf32, #tpu.memory_space<vmem>> -> memref<2504xf32, #tpu.memory_space<vmem>>
        %dma_wait3A_106 = arith.constant 2496 : i32
        %dma_wait3A_107 = tpu.memref_slice %arg13[%dma_wait3A_106] : memref<5000xi32, #tpu.memory_space<vmem>> -> memref<2504xi32, #tpu.memory_space<vmem>>
        %dma_wait3A_108 = arith.constant 0 : i32
        %dma_wait3A_109 = tpu.memref_slice %arg12[%dma_wait3A_108] : memref<10240xf32, #tpu.memory_space<vmem_shared>> -> memref<10240xf32, #tpu.memory_space<vmem_shared>>
        tpu.wait_indirect_dma semaphore(%run_scoped3A : memref<!tpu.dma_semaphore, #tpu.memory_space<semaphore_mem>>) src(%dma_wait3A_105 : memref<2504xf32, #tpu.memory_space<vmem>>) dst(%dma_wait3A_109 : memref<10240xf32, #tpu.memory_space<vmem_shared>>)
        tpu.yield
      }) : () -> ()
      %scan3A_73 = arith.constant 0 : i32
      %scan3A_74 = arith.constant 39 : i32
      %scan3A_75 = arith.addi %scan3A_73, %scan3A_74 : i32
      %scan3A_76 = arith.constant 1 : i32
      scf.for %scan3A_98 = %scan3A_73 to %scan3A_75 step %scan3A_76  : i32 {
        %mul3A_99 = arith.constant 1 : i32
        %mul3A_100 = arith.muli %scan3A_98, %mul3A_99 : i32
        %add3A_101 = arith.constant 0 : i32
        %add3A_102 = arith.addi %add3A_101, %mul3A_100 : i32
        %mul3A_103 = arith.constant 128 : i32
        %mul3A_104 = arith.muli %add3A_102, %mul3A_103 : i32
        %dma_start3A_105 = tpu.memref_slice %arg14[%mul3A_104] : memref<5000xi32, #tpu.memory_space<vmem>> -> memref<128xi32, #tpu.memory_space<vmem>>
        %dma_start3A_106 = arith.constant 0 : i32
        %dma_start3A_107 = arith.constant 0 : i32
        %dma_start3A_108 = tpu.memref_slice %arg9[%dma_start3A_106, %dma_start3A_107] : memref<81920x128xf32, #tpu.memory_space<hbm>> -> memref<81920x128xf32, #tpu.memory_space<hbm>>
        tpu.enqueue_indirect_dma source(%dma_start3A_108 : memref<81920x128xf32, #tpu.memory_space<hbm>>) target(%arg15 : memref<128x128xf32, #tpu.memory_space<vmem>>) offsets(%dma_start3A_105 : memref<128xi32, #tpu.memory_space<vmem>>) semaphore(%arg19 : memref<!tpu.dma_semaphore, #tpu.memory_space<semaphore_mem>>)
        %dma_wait3A_109 = tpu.memref_slice %arg14[%mul3A_104] : memref<5000xi32, #tpu.memory_space<vmem>> -> memref<128xi32, #tpu.memory_space<vmem>>
        %dma_wait3A_110 = arith.constant 0 : i32
        %dma_wait3A_111 = arith.constant 0 : i32
        %dma_wait3A_112 = tpu.memref_slice %arg9[%dma_wait3A_110, %dma_wait3A_111] : memref<81920x128xf32, #tpu.memory_space<hbm>> -> memref<81920x128xf32, #tpu.memory_space<hbm>>
        tpu.wait_indirect_dma semaphore(%arg19 : memref<!tpu.dma_semaphore, #tpu.memory_space<semaphore_mem>>) src(%dma_wait3A_112 : memref<81920x128xf32, #tpu.memory_space<hbm>>) dst(%arg15 : memref<128x128xf32, #tpu.memory_space<vmem>>)
        %mul3A_113 = arith.constant 128 : i32
        %mul3A_114 = arith.muli %add3A_102, %mul3A_113 : i32
        "tpu.region"() ({
          %run_scoped3A = tpu.sem_alloc : memref<!tpu.dma_semaphore, #tpu.memory_space<semaphore_mem>>
          %dma_start3A_115 = tpu.memref_slice %arg13[%mul3A_114] : memref<5000xi32, #tpu.memory_space<vmem>> -> memref<128xi32, #tpu.memory_space<vmem>>
          %dma_start3A_116 = arith.constant 0 : i32
          %dma_start3A_117 = arith.constant 0 : i32
          %dma_start3A_118 = tpu.memref_slice %arg10[%dma_start3A_116, %dma_start3A_117] : memref<10240x128xf32, #tpu.memory_space<vmem_shared>> -> memref<10240x128xf32, #tpu.memory_space<vmem_shared>>
          tpu.enqueue_indirect_dma source(%arg15 : memref<128x128xf32, #tpu.memory_space<vmem>>) target(%dma_start3A_118 : memref<10240x128xf32, #tpu.memory_space<vmem_shared>>) offsets(%dma_start3A_115 : memref<128xi32, #tpu.memory_space<vmem>>) semaphore(%run_scoped3A : memref<!tpu.dma_semaphore, #tpu.memory_space<semaphore_mem>>) {add = true}
          %dma_wait3A_119 = tpu.memref_slice %arg13[%mul3A_114] : memref<5000xi32, #tpu.memory_space<vmem>> -> memref<128xi32, #tpu.memory_space<vmem>>
          %dma_wait3A_120 = arith.constant 0 : i32
          %dma_wait3A_121 = arith.constant 0 : i32
          %dma_wait3A_122 = tpu.memref_slice %arg10[%dma_wait3A_120, %dma_wait3A_121] : memref<10240x128xf32, #tpu.memory_space<vmem_shared>> -> memref<10240x128xf32, #tpu.memory_space<vmem_shared>>
          tpu.wait_indirect_dma semaphore(%run_scoped3A : memref<!tpu.dma_semaphore, #tpu.memory_space<semaphore_mem>>) src(%arg15 : memref<128x128xf32, #tpu.memory_space<vmem>>) dst(%dma_wait3A_122 : memref<10240x128xf32, #tpu.memory_space<vmem_shared>>)
          tpu.yield
        }) : () -> ()
      }
      %scan3A_77 = arith.constant 39 : i32
      %dma_start3A_78 = arith.constant 0 : i32
      %dma_start3A_79 = arith.constant 0 : i32
      %dma_start3A_80 = tpu.memref_slice %arg15[%dma_start3A_78, %dma_start3A_79] : memref<128x128xf32, #tpu.memory_space<vmem>> -> memref<8x128xf32, #tpu.memory_space<vmem>>
      %dma_start3A_81 = arith.constant 4992 : i32
      %dma_start3A_82 = tpu.memref_slice %arg14[%dma_start3A_81] : memref<5000xi32, #tpu.memory_space<vmem>> -> memref<8xi32, #tpu.memory_space<vmem>>
      %dma_start3A_83 = arith.constant 0 : i32
      %dma_start3A_84 = arith.constant 0 : i32
      %dma_start3A_85 = tpu.memref_slice %arg9[%dma_start3A_83, %dma_start3A_84] : memref<81920x128xf32, #tpu.memory_space<hbm>> -> memref<81920x128xf32, #tpu.memory_space<hbm>>
      tpu.enqueue_indirect_dma source(%dma_start3A_85 : memref<81920x128xf32, #tpu.memory_space<hbm>>) target(%dma_start3A_80 : memref<8x128xf32, #tpu.memory_space<vmem>>) offsets(%dma_start3A_82 : memref<8xi32, #tpu.memory_space<vmem>>) semaphore(%arg19 : memref<!tpu.dma_semaphore, #tpu.memory_space<semaphore_mem>>)
      %dma_wait3A_86 = arith.constant 0 : i32
      %dma_wait3A_87 = arith.constant 0 : i32
      %dma_wait3A_88 = tpu.memref_slice %arg15[%dma_wait3A_86, %dma_wait3A_87] : memref<128x128xf32, #tpu.memory_space<vmem>> -> memref<8x128xf32, #tpu.memory_space<vmem>>
      %dma_wait3A_89 = arith.constant 4992 : i32
      %dma_wait3A_90 = tpu.memref_slice %arg14[%dma_wait3A_89] : memref<5000xi32, #tpu.memory_space<vmem>> -> memref<8xi32, #tpu.memory_space<vmem>>
      %dma_wait3A_91 = arith.constant 0 : i32
      %dma_wait3A_92 = arith.constant 0 : i32
      %dma_wait3A_93 = tpu.memref_slice %arg9[%dma_wait3A_91, %dma_wait3A_92] : memref<81920x128xf32, #tpu.memory_space<hbm>> -> memref<81920x128xf32, #tpu.memory_space<hbm>>
      tpu.wait_indirect_dma semaphore(%arg19 : memref<!tpu.dma_semaphore, #tpu.memory_space<semaphore_mem>>) src(%dma_wait3A_93 : memref<81920x128xf32, #tpu.memory_space<hbm>>) dst(%dma_wait3A_88 : memref<8x128xf32, #tpu.memory_space<vmem>>)
      "tpu.region"() ({
        %run_scoped3A = tpu.sem_alloc : memref<!tpu.dma_semaphore, #tpu.memory_space<semaphore_mem>>
        %dma_start3A_98 = arith.constant 0 : i32
        %dma_start3A_99 = arith.constant 0 : i32
        %dma_start3A_100 = tpu.memref_slice %arg15[%dma_start3A_98, %dma_start3A_99] : memref<128x128xf32, #tpu.memory_space<vmem>> -> memref<8x128xf32, #tpu.memory_space<vmem>>
        %dma_start3A_101 = arith.constant 4992 : i32
        %dma_start3A_102 = tpu.memref_slice %arg13[%dma_start3A_101] : memref<5000xi32, #tpu.memory_space<vmem>> -> memref<8xi32, #tpu.memory_space<vmem>>
        %dma_start3A_103 = arith.constant 0 : i32
        %dma_start3A_104 = arith.constant 0 : i32
        %dma_start3A_105 = tpu.memref_slice %arg10[%dma_start3A_103, %dma_start3A_104] : memref<10240x128xf32, #tpu.memory_space<vmem_shared>> -> memref<10240x128xf32, #tpu.memory_space<vmem_shared>>
        tpu.enqueue_indirect_dma source(%dma_start3A_100 : memref<8x128xf32, #tpu.memory_space<vmem>>) target(%dma_start3A_105 : memref<10240x128xf32, #tpu.memory_space<vmem_shared>>) offsets(%dma_start3A_102 : memref<8xi32, #tpu.memory_space<vmem>>) semaphore(%run_scoped3A : memref<!tpu.dma_semaphore, #tpu.memory_space<semaphore_mem>>) {add = true}
        %dma_wait3A_106 = arith.constant 0 : i32
        %dma_wait3A_107 = arith.constant 0 : i32
        %dma_wait3A_108 = tpu.memref_slice %arg15[%dma_wait3A_106, %dma_wait3A_107] : memref<128x128xf32, #tpu.memory_space<vmem>> -> memref<8x128xf32, #tpu.memory_space<vmem>>
        %dma_wait3A_109 = arith.constant 4992 : i32
        %dma_wait3A_110 = tpu.memref_slice %arg13[%dma_wait3A_109] : memref<5000xi32, #tpu.memory_space<vmem>> -> memref<8xi32, #tpu.memory_space<vmem>>
        %dma_wait3A_111 = arith.constant 0 : i32
        %dma_wait3A_112 = arith.constant 0 : i32
        %dma_wait3A_113 = tpu.memref_slice %arg10[%dma_wait3A_111, %dma_wait3A_112] : memref<10240x128xf32, #tpu.memory_space<vmem_shared>> -> memref<10240x128xf32, #tpu.memory_space<vmem_shared>>
        tpu.wait_indirect_dma semaphore(%run_scoped3A : memref<!tpu.dma_semaphore, #tpu.memory_space<semaphore_mem>>) src(%dma_wait3A_108 : memref<8x128xf32, #tpu.memory_space<vmem>>) dst(%dma_wait3A_113 : memref<10240x128xf32, #tpu.memory_space<vmem_shared>>)
        tpu.yield
      }) : () -> ()
      %barrier3A_94 = arith.constant 0 : index
      tpu.barrier barrier_id(%barrier3A_94)
      %add3A_95 = arith.addi %mul3A_19, %mul3A_0 : i32
      "tpu.region"() ({
        %run_scoped3A = tpu.sem_alloc : memref<!tpu.dma_semaphore, #tpu.memory_space<semaphore_mem>>
        %dma_start3A_98 = arith.constant 0 : i32
        %dma_start3A_99 = tpu.memref_slice %arg7[%add3A_95, %dma_start3A_98] : memref<81920x128xf32, #tpu.memory_space<hbm>> -> memref<640x128xf32, #tpu.memory_space<hbm>>
        %dma_start3A_100 = arith.constant 0 : i32
        %dma_start3A_101 = tpu.memref_slice %arg10[%mul3A_0, %dma_start3A_100] : memref<10240x128xf32, #tpu.memory_space<vmem_shared>> -> memref<640x128xf32, #tpu.memory_space<vmem_shared>>
        tpu.enqueue_dma source(%dma_start3A_101 : memref<640x128xf32, #tpu.memory_space<vmem_shared>>) target(%dma_start3A_99 : memref<640x128xf32, #tpu.memory_space<hbm>>) target_semaphore(%run_scoped3A : memref<!tpu.dma_semaphore, #tpu.memory_space<semaphore_mem>>)
        %dma_wait3A_102 = arith.constant 0 : i32
        %dma_wait3A_103 = tpu.memref_slice %arg7[%add3A_95, %dma_wait3A_102] : memref<81920x128xf32, #tpu.memory_space<hbm>> -> memref<640x128xf32, #tpu.memory_space<hbm>>
        %dma_wait3A_104 = arith.constant 0 : i32
        %dma_wait3A_105 = tpu.memref_slice %arg10[%mul3A_0, %dma_wait3A_104] : memref<10240x128xf32, #tpu.memory_space<vmem_shared>> -> memref<640x128xf32, #tpu.memory_space<vmem_shared>>
        tpu.wait_dma2 semaphore(%run_scoped3A : memref<!tpu.dma_semaphore, #tpu.memory_space<semaphore_mem>>) src(%dma_wait3A_105 : memref<640x128xf32, #tpu.memory_space<vmem_shared>>) dst(%dma_wait3A_103 : memref<640x128xf32, #tpu.memory_space<hbm>>)
        tpu.yield
      }) : () -> ()
      %add3A_96 = arith.addi %mul3A_19, %mul3A_0 : i32
      "tpu.region"() ({
        %run_scoped3A = tpu.sem_alloc : memref<!tpu.dma_semaphore, #tpu.memory_space<semaphore_mem>>
        %dma_start3A_98 = tpu.memref_slice %arg8[%add3A_96] : memref<81920xf32, #tpu.memory_space<hbm>> -> memref<640xf32, #tpu.memory_space<hbm>>
        %dma_start3A_99 = tpu.memref_slice %arg12[%mul3A_0] : memref<10240xf32, #tpu.memory_space<vmem_shared>> -> memref<640xf32, #tpu.memory_space<vmem_shared>>
        tpu.enqueue_dma source(%dma_start3A_99 : memref<640xf32, #tpu.memory_space<vmem_shared>>) target(%dma_start3A_98 : memref<640xf32, #tpu.memory_space<hbm>>) target_semaphore(%run_scoped3A : memref<!tpu.dma_semaphore, #tpu.memory_space<semaphore_mem>>)
        %dma_wait3A_100 = tpu.memref_slice %arg8[%add3A_96] : memref<81920xf32, #tpu.memory_space<hbm>> -> memref<640xf32, #tpu.memory_space<hbm>>
        %dma_wait3A_101 = tpu.memref_slice %arg12[%mul3A_0] : memref<10240xf32, #tpu.memory_space<vmem_shared>> -> memref<640xf32, #tpu.memory_space<vmem_shared>>
        tpu.wait_dma2 semaphore(%run_scoped3A : memref<!tpu.dma_semaphore, #tpu.memory_space<semaphore_mem>>) src(%dma_wait3A_101 : memref<640xf32, #tpu.memory_space<vmem_shared>>) dst(%dma_wait3A_100 : memref<640xf32, #tpu.memory_space<hbm>>)
        tpu.yield
      }) : () -> ()
      "tpu.region"() ({
        %run_scoped3A = tpu.sem_alloc : memref<!tpu.dma_semaphore, #tpu.memory_space<semaphore_mem>>
        %dma_start3A_98 = arith.constant 0 : i32
        %dma_start3A_99 = tpu.memref_slice %arg10[%mul3A_0, %dma_start3A_98] : memref<10240x128xf32, #tpu.memory_space<vmem_shared>> -> memref<640x128xf32, #tpu.memory_space<vmem_shared>>
        %dma_start3A_100 = arith.constant 0 : i32
        %dma_start3A_101 = tpu.memref_slice %arg5[%mul3A_0, %dma_start3A_100] : memref<10240x128xf32, #tpu.memory_space<hbm>> -> memref<640x128xf32, #tpu.memory_space<hbm>>
        tpu.enqueue_dma source(%dma_start3A_101 : memref<640x128xf32, #tpu.memory_space<hbm>>) target(%dma_start3A_99 : memref<640x128xf32, #tpu.memory_space<vmem_shared>>) target_semaphore(%run_scoped3A : memref<!tpu.dma_semaphore, #tpu.memory_space<semaphore_mem>>)
        %dma_wait3A_102 = arith.constant 0 : i32
        %dma_wait3A_103 = tpu.memref_slice %arg10[%mul3A_0, %dma_wait3A_102] : memref<10240x128xf32, #tpu.memory_space<vmem_shared>> -> memref<640x128xf32, #tpu.memory_space<vmem_shared>>
        %dma_wait3A_104 = arith.constant 0 : i32
        %dma_wait3A_105 = tpu.memref_slice %arg5[%mul3A_0, %dma_wait3A_104] : memref<10240x128xf32, #tpu.memory_space<hbm>> -> memref<640x128xf32, #tpu.memory_space<hbm>>
        tpu.wait_dma2 semaphore(%run_scoped3A : memref<!tpu.dma_semaphore, #tpu.memory_space<semaphore_mem>>) src(%dma_wait3A_105 : memref<640x128xf32, #tpu.memory_space<hbm>>) dst(%dma_wait3A_103 : memref<640x128xf32, #tpu.memory_space<vmem_shared>>)
        tpu.yield
      }) : () -> ()
      "tpu.region"() ({
        %run_scoped3A = tpu.sem_alloc : memref<!tpu.dma_semaphore, #tpu.memory_space<semaphore_mem>>
        %dma_start3A_98 = tpu.memref_slice %arg12[%mul3A_0] : memref<10240xf32, #tpu.memory_space<vmem_shared>> -> memref<640xf32, #tpu.memory_space<vmem_shared>>
        %dma_start3A_99 = tpu.memref_slice %arg6[%mul3A_0] : memref<10240xf32, #tpu.memory_space<hbm>> -> memref<640xf32, #tpu.memory_space<hbm>>
        tpu.enqueue_dma source(%dma_start3A_99 : memref<640xf32, #tpu.memory_space<hbm>>) target(%dma_start3A_98 : memref<640xf32, #tpu.memory_space<vmem_shared>>) target_semaphore(%run_scoped3A : memref<!tpu.dma_semaphore, #tpu.memory_space<semaphore_mem>>)
        %dma_wait3A_100 = tpu.memref_slice %arg12[%mul3A_0] : memref<10240xf32, #tpu.memory_space<vmem_shared>> -> memref<640xf32, #tpu.memory_space<vmem_shared>>
        %dma_wait3A_101 = tpu.memref_slice %arg6[%mul3A_0] : memref<10240xf32, #tpu.memory_space<hbm>> -> memref<640xf32, #tpu.memory_space<hbm>>
        tpu.wait_dma2 semaphore(%run_scoped3A : memref<!tpu.dma_semaphore, #tpu.memory_space<semaphore_mem>>) src(%dma_wait3A_101 : memref<640xf32, #tpu.memory_space<hbm>>) dst(%dma_wait3A_100 : memref<640xf32, #tpu.memory_space<vmem_shared>>)
        tpu.yield
      }) : () -> ()
      %barrier3A_97 = arith.constant 0 : index
      tpu.barrier barrier_id(%barrier3A_97)
    }
    %scan3A_10 = arith.constant 4 : i32
    return
  }
}

module attributes {stable_mosaic.version = 14 : i64} {
  func.func @_tc_matmul_body(%arg0: i32, %arg1: memref<1x1x96x10000xf32, #tpu.memory_space<vmem>>, %arg2: memref<1x1x10000x32xf32, #tpu.memory_space<vmem>>, %arg3: memref<96x128xf32, #tpu.memory_space<vmem>>, %arg4: memref<32x128xf32, #tpu.memory_space<vmem>>, %arg5: memref<1x10240x128xf32, #tpu.memory_space<vmem>>) attributes {dimension_semantics = [#tpu.dimension_semantics<arbitrary>], iteration_bounds = array<i64: 8>, scalar_prefetch = 0 : i64, scratch_operands = 0 : i64, tpu.core_type = #tpu.core_type<tc>, window_params = [{transform_indices = @transform_0, window_bounds = array<i64: 1, 1, 96, 10000>}, {transform_indices = @transform_1, window_bounds = array<i64: 1, 1, 10000, 32>}, {pipeline_mode = #tpu.pipeline_mode<synchronous>, transform_indices = @transform_2, window_bounds = array<i64: 96, 128>}, {pipeline_mode = #tpu.pipeline_mode<synchronous>, transform_indices = @transform_3, window_bounds = array<i64: 32, 128>}, {transform_indices = @transform_4, window_bounds = array<i64: 1, 10240, 128>}]} {
    %get3A = arith.constant 0 : index
    %get3A_0 = arith.constant 0 : index
    %get3A_1 = arith.constant 0 : index
    %get3A_2 = arith.constant 0 : index
    %get3A_3 = vector.load %arg1[%get3A, %get3A_0, %get3A_1, %get3A_2] : memref<1x1x96x10000xf32, #tpu.memory_space<vmem>>, vector<1x1x96x10000xf32>
    %get3A_4 = vector.shape_cast %get3A_3 : vector<1x1x96x10000xf32> to vector<96x10000xf32>
    %get3A_5 = arith.constant 0 : index
    %get3A_6 = arith.constant 0 : index
    %get3A_7 = arith.constant 0 : index
    %get3A_8 = arith.constant 0 : index
    %get3A_9 = vector.load %arg2[%get3A_5, %get3A_6, %get3A_7, %get3A_8] : memref<1x1x10000x32xf32, #tpu.memory_space<vmem>>, vector<1x1x10000x32xf32>
    %get3A_10 = vector.shape_cast %get3A_9 : vector<1x1x10000x32xf32> to vector<10000x32xf32>
    %get3A_11 = arith.constant 0 : index
    %get3A_12 = arith.constant 0 : index
    %get3A_13 = vector.load %arg3[%get3A_11, %get3A_12] : memref<96x128xf32, #tpu.memory_space<vmem>>, vector<96x128xf32>
    %dot_general3A = arith.constant dense<0.000000e+00> : vector<10000x128xf32>
    %dot_general3A_14 = tpu.matmul %get3A_4, %get3A_13, %dot_general3A {dimension_numbers = #tpu.dot_dimension_numbers<[0], [0], [1], [1], [0, 1, 1, 1], [], []>, transpose_lhs_hint = false} : vector<96x10000xf32>, vector<96x128xf32>, vector<10000x128xf32> -> vector<10000x128xf32>
    %get3A_15 = arith.constant 0 : index
    %get3A_16 = arith.constant 0 : index
    %get3A_17 = vector.load %arg4[%get3A_15, %get3A_16] : memref<32x128xf32, #tpu.memory_space<vmem>>, vector<32x128xf32>
    %dot_general3A_18 = arith.constant dense<0.000000e+00> : vector<10000x128xf32>
    %dot_general3A_19 = tpu.matmul %get3A_10, %get3A_17, %dot_general3A_18 {dimension_numbers = #tpu.dot_dimension_numbers<[1], [0], [0], [1], [0, 0, 1, 1], [], []>, transpose_lhs_hint = false} : vector<10000x32xf32>, vector<32x128xf32>, vector<10000x128xf32> -> vector<10000x128xf32>
    %add3A = arith.addf %dot_general3A_14, %dot_general3A_19 : vector<10000x128xf32>
    %swap3A = arith.constant 0 : index
    %swap3A_20 = arith.constant 0 : index
    %swap3A_21 = arith.constant 0 : index
    %swap3A_22 = vector.load %arg5[%swap3A, %swap3A_20, %swap3A_21] : memref<1x10240x128xf32, #tpu.memory_space<vmem>>, vector<1x10000x128xf32>
    %swap3A_23 = vector.shape_cast %swap3A_22 : vector<1x10000x128xf32> to vector<10000x128xf32>
    %swap3A_24 = vector.shape_cast %add3A : vector<10000x128xf32> to vector<1x10000x128xf32>
    tpu.vector_store %arg5[%swap3A, %swap3A_20, %swap3A_21], %swap3A_24 {strides = array<i32>} : memref<1x10240x128xf32, #tpu.memory_space<vmem>>, vector<1x10000x128xf32>,
    return
  }
  func.func @transform_0(%arg0: i32) -> (i32, i32, i32, i32) {
    %div3A = arith.constant 4 : i32
    %div3A_0 = arith.divsi %arg0, %div3A : i32
    %rem3A = arith.constant 4 : i32
    %rem3A_1 = arith.remsi %arg0, %rem3A : i32
    %c0_i32 = arith.constant 0 : i32
    %c0_i32_2 = arith.constant 0 : i32
    %c0_i32_3 = arith.constant 0 : i32
    return %div3A_0, %rem3A_1, %c0_i32, %c0_i32_2 : i32, i32, i32, i32
  }
  func.func @transform_1(%arg0: i32) -> (i32, i32, i32, i32) {
    %div3A = arith.constant 4 : i32
    %div3A_0 = arith.divsi %arg0, %div3A : i32
    %rem3A = arith.constant 4 : i32
    %rem3A_1 = arith.remsi %arg0, %rem3A : i32
    %c0_i32 = arith.constant 0 : i32
    %c0_i32_2 = arith.constant 0 : i32
    %c0_i32_3 = arith.constant 0 : i32
    return %div3A_0, %rem3A_1, %c0_i32, %c0_i32_2 : i32, i32, i32, i32
  }
  func.func @transform_2(%arg0: i32) -> (i32, i32) {
    %c0_i32 = arith.constant 0 : i32
    %c0_i32_0 = arith.constant 0 : i32
    %c0_i32_1 = arith.constant 0 : i32
    return %c0_i32, %c0_i32_0 : i32, i32
  }
  func.func @transform_3(%arg0: i32) -> (i32, i32) {
    %c0_i32 = arith.constant 0 : i32
    %c0_i32_0 = arith.constant 0 : i32
    %c0_i32_1 = arith.constant 0 : i32
    return %c0_i32, %c0_i32_0 : i32, i32
  }
  func.func @transform_4(%arg0: i32) -> (i32, i32, i32) {
    %c0_i32 = arith.constant 0 : i32
    %c0_i32_0 = arith.constant 0 : i32
    %c0_i32_1 = arith.constant 0 : i32
    return %arg0, %c0_i32, %c0_i32_0 : i32, i32, i32
  }
}

module attributes {stable_mosaic.version = 14 : i64} {
  func.func @_tc_scale_body(%arg0: i32, %arg1: memref<1x10240x128xf32, #tpu.memory_space<vmem>>, %arg2: memref<1x1x10240xf32, #tpu.memory_space<vmem>>, %arg3: memref<1x128xf32, #tpu.memory_space<vmem>>, %arg4: memref<1x10000x128xf32, #tpu.memory_space<vmem>>) attributes {dimension_semantics = [#tpu.dimension_semantics<arbitrary>], iteration_bounds = array<i64: 8>, scalar_prefetch = 0 : i64, scratch_operands = 0 : i64, tpu.core_type = #tpu.core_type<tc>, window_params = [{transform_indices = @transform_0, window_bounds = array<i64: 1, 10240, 128>}, {transform_indices = @transform_1, window_bounds = array<i64: 1, 1, 10240>}, {pipeline_mode = #tpu.pipeline_mode<synchronous>, transform_indices = @transform_2, window_bounds = array<i64: 1, 128>}, {transform_indices = @transform_3, window_bounds = array<i64: 1, 10000, 128>}]} {
    %get3A = arith.constant 0 : index
    %get3A_0 = arith.constant 0 : index
    %get3A_1 = arith.constant 0 : index
    %get3A_2 = vector.load %arg2[%get3A, %get3A_0, %get3A_1] : memref<1x1x10240xf32, #tpu.memory_space<vmem>>, vector<1x1x10240xf32>
    %get3A_3 = vector.shape_cast %get3A_2 : vector<1x1x10240xf32> to vector<10240xf32>
    %max3A = arith.constant 1.000000e+00 : f32
    %max3A_4 = vector.broadcast %max3A : f32 to vector<10240xf32>
    %max3A_5 = arith.maximumf %get3A_3, %max3A_4 : vector<10240xf32>
    %div3A = arith.constant 1.000000e+00 : f32
    %div3A_6 = vector.broadcast %div3A : f32 to vector<10240xf32>
    %div3A_7 = arith.divf %div3A_6, %max3A_5 : vector<10240xf32>
    %get3A_8 = arith.constant 0 : index
    %get3A_9 = arith.constant 0 : index
    %get3A_10 = arith.constant 0 : index
    %get3A_11 = vector.load %arg1[%get3A_8, %get3A_9, %get3A_10] : memref<1x10240x128xf32, #tpu.memory_space<vmem>>, vector<1x10000x128xf32>
    %get3A_12 = vector.shape_cast %get3A_11 : vector<1x10000x128xf32> to vector<10000x128xf32>
    %slice3A = vector.extract_strided_slice %div3A_7 {offsets = [0], sizes = [10000], strides = [1]} : vector<10240xf32> to vector<10000xf32>
    %broadcast_in_dim3A = vector.shape_cast %slice3A : vector<10000xf32> to vector<10000x1xf32>
    %mul3A = vector.broadcast %broadcast_in_dim3A : vector<10000x1xf32> to vector<10000x128xf32>
    %mul3A_13 = arith.mulf %get3A_12, %mul3A : vector<10000x128xf32>
    %get3A_14 = arith.constant 0 : index
    %get3A_15 = arith.constant 0 : index
    %get3A_16 = vector.load %arg3[%get3A_14, %get3A_15] : memref<1x128xf32, #tpu.memory_space<vmem>>, vector<1x128xf32>
    %get3A_17 = vector.shape_cast %get3A_16 : vector<1x128xf32> to vector<128xf32>
    %broadcast_in_dim3A_18 = vector.shape_cast %get3A_17 : vector<128xf32> to vector<1x128xf32>
    %add3A = vector.broadcast %broadcast_in_dim3A_18 : vector<1x128xf32> to vector<10000x128xf32>
    %add3A_19 = arith.addf %mul3A_13, %add3A : vector<10000x128xf32>
    %swap3A = arith.constant 0 : index
    %swap3A_20 = arith.constant 0 : index
    %swap3A_21 = arith.constant 0 : index
    %swap3A_22 = vector.load %arg4[%swap3A, %swap3A_20, %swap3A_21] : memref<1x10000x128xf32, #tpu.memory_space<vmem>>, vector<1x10000x128xf32>
    %swap3A_23 = vector.shape_cast %swap3A_22 : vector<1x10000x128xf32> to vector<10000x128xf32>
    %swap3A_24 = vector.shape_cast %add3A_19 : vector<10000x128xf32> to vector<1x10000x128xf32>
    tpu.vector_store %arg4[%swap3A, %swap3A_20, %swap3A_21], %swap3A_24 {strides = array<i32>} : memref<1x10000x128xf32, #tpu.memory_space<vmem>>, vector<1x10000x128xf32>,
    return
  }
  func.func @transform_0(%arg0: i32) -> (i32, i32, i32) {
    %c0_i32 = arith.constant 0 : i32
    %c0_i32_0 = arith.constant 0 : i32
    %c0_i32_1 = arith.constant 0 : i32
    return %arg0, %c0_i32, %c0_i32_0 : i32, i32, i32
  }
  func.func @transform_1(%arg0: i32) -> (i32, i32, i32) {
    %c0_i32 = arith.constant 0 : i32
    %c0_i32_0 = arith.constant 0 : i32
    %c0_i32_1 = arith.constant 0 : i32
    return %arg0, %c0_i32, %c0_i32_0 : i32, i32, i32
  }
  func.func @transform_2(%arg0: i32) -> (i32, i32) {
    %c0_i32 = arith.constant 0 : i32
    %c0_i32_0 = arith.constant 0 : i32
    %c0_i32_1 = arith.constant 0 : i32
    return %c0_i32, %c0_i32_0 : i32, i32
  }
  func.func @transform_3(%arg0: i32) -> (i32, i32, i32) {
    %c0_i32 = arith.constant 0 : i32
    %c0_i32_0 = arith.constant 0 : i32
    %c0_i32_1 = arith.constant 0 : i32
    return %arg0, %c0_i32, %c0_i32_0 : i32, i32, i32
  }
}

</mosaic_0001>

<sc_bundles>
// kernel: kernel.5.cloned.1.call-start
scs
__scs_entry_jumppad:
0x0: {  	(pc) =	sbr.rel $0x88, $3  }
0x1: {  	(tag) =	ssettag $0x0;
	lr =	simm.s32 $0x1  }
0x2: {  	[smem:$0x3F9C] =	sst lr;
	_ =	strace $0xD0000000  }
0x3: {  	_ = 	snop  }
0x4: {  	_ = 	snop  }
0x5: {  	_ = 	snop  }
0x6: {  	_ = 	snop  }
0x7: {  	_ = 	snop  }
__scs_overlays_trampoline_lowered:
0x8: {  	[smem:$0x3FAB] =	sst s0  }
0x9: {  	[smem:$0x3FAC] =	sst s1  }
0xa: {  	[smem:$0x3FAD] =	sst s2  }
0xb: {  	[smem:$0x3FAE] =	sst s3  }
0xc: {  	[smem:$0x3FAF] =	sst s4  }
0xd: {  	[smem:$0x3FB0] =	sst s5  }
0xe: {  	[smem:$0x3FB1] =	sst s6  }
0xf: {  	[smem:$0x3FB2] =	sst s7  }
0x10: {  	[smem:$0x3FB3] =	sst s8  }
0x11: {  	[smem:$0x3FB4] =	sst s9;
	s0 =	simm.s32 @!p0 $0x0  }
0x12: {  	s1 =	sld [smem:$0x3F9A];
	s0 =	simm.s32 @p0 $0x1  }
0x13: {  	[smem:$0x3FB5] =	sst s0;
	s0 =	simm.s32 @!p1 $0x0  }
0x14: {  	s2 =	sld [smem:$0x3F99];
	s0 =	simm.s32 @p1 $0x1  }
0x15: {  	[smem:$0x3FB6] =	sst s0;
	s0 =	simm.s32 @!p2 $0x0  }
0x16: {  	s3 =	sld [smem:$0x3FDB];
	s0 =	simm.s32 @p2 $0x1  }
0x17: {  	s4 =	simm.s32 $0x1BF5;
	[smem:$0x3FB8] =	sst s0  }
0x18: {  	s0 =	sld [smem:$0x3F9B];
	_ =	swait.ge [sflag:s4], $0x0  }
0x19: {  	s7 =	sld [smem:$0x3F9C]  }
0x1a: {  	s8 =	sadd.s32 $0xFFFFE003, lr  }
0x1b: {  	s9 =	sadd.s32 $0xFFFFFEF7, lr;
	s5 =	simm.s32 $0xFFFFFFFF;
	p2 =	slt.u32 s8, $0xFFFFF086  }
0x1c: {  	p1 =	slt.u32 s9, $0xF7A;
	s5 =	simm.s32 @!p2 $0x0  }
0x1d: {  	s5 =	simm.s32 @p1 $0x1;
	p0 =	seq.s32 s7, s2  }
0x1e: {  	s7 =	smul.u32 @!p0 $0xF7A, s2;
	p2 =	seq.s32 @!p0 s5, $0x0  }
0x1f: {  	s9 =	smul.u32 $0xF7A, s1;
	s8 =	simm.s32 @!p0 $0x1BF5;
	p2 =	por !p2, p0  }
0x20: {  	[sflag:s8] =	ssyncset.s32 @!p0 $0xFFFFF086;
	s6 =	sadd.s32 @!p0 s3, s7;
	s7 =	simm.s32 @!p0 $0x108  }
0x21: {  	s3 =	sadd.s32 s3, s9;
	s6 =	sadd.s32 @!p0 $0x88, s6;
	s7 =	simm.s32 @p2 $0x1082  }
0x22: {  	[simem:s7], [sflag:s8] =	dma.local @!p0 [hbm:s6], $0xF7A  }
0x23: {  	s9 =	sor.u32 $0xD0000000, s2;
	s6 =	simm.s32 $0x108;
	_ =	swait.ge @!p0 [sflag:s8], $0x0  }
0x24: {  	s3 =	sadd.s32 $0x88, s3;
	s6 =	simm.s32 @!p1 $0x1082;
	[sflag:s4] =	ssyncset.s32 $0xFFFFF086  }
0x25: {  	[simem:s6], [sflag:s4] =	dma.local [hbm:s3], $0xF7A  }
0x26: {  	[smem:$0x3F9C] =	sst s1;
	(tag) =	ssettag s2;
	_ =	strace s9  }
0x27: {  	s1 =	sld [smem:$0x3FAC]  }
0x28: {  	s2 =	sld [smem:$0x3FAD]  }
0x29: {  	s4 =	sld [smem:$0x3FAF]  }
0x2a: {  	p0 =	seq.s32 s5, $0x0;
	s5 =	sld [smem:$0x3FB0]  }
0x2b: {  	s6 =	sld [smem:$0x3FB1]  }
0x2c: {  	s7 =	sld [smem:$0x3FB2]  }
0x2d: {  	s3 =	simm.s32 $0x108;
	s8 =	sld [smem:$0x3FB3]  }
0x2e: {  	s3 =	simm.s32 @!p0 $0x1082;
	s9 =	sld [smem:$0x3FB4]  }
0x2f: {  	lr =	sadd.s32 s0, s3;
	s0 =	sld [smem:$0x3FAB]  }
0x30: {  	s3 =	sld [smem:$0x3FAE]  }
0x31: {  	[smem:$0x3FB7] =	sst s10  }
0x32: {  	s10 =	sld [smem:$0x3FB5];
	_ =	sdelay $0x3  }
0x33: {  	p0 =	seq.s32 s10, $0x1;
	s10 =	sld [smem:$0x3FB7];
	_ =	sdelay $0x3  }
0x34: {  	[smem:$0x3FB7] =	sst s10  }
0x35: {  	s10 =	sld [smem:$0x3FB6];
	_ =	sdelay $0x3  }
0x36: {  	p1 =	seq.s32 s10, $0x1;
	s10 =	sld [smem:$0x3FB7];
	_ =	sdelay $0x3  }
0x37: {  	[smem:$0x3FB7] =	sst s10  }
0x38: {  	s10 =	sld [smem:$0x3FB8]  }
0x39: {  	_ = 	snop;
	(pc) =	sbr.ind lr, $3  }
0x3a: {  	_ = 	snop  }
0x3b: {  	_ = 	snop  }
0x3c: {  	p2 =	seq.s32 s10, $0x1;
	s10 =	sld [smem:$0x3FB7]  }
0x3d: {  	_ =	shalt  }
0x3e: {  	_ =	shalt  }
0x3f: {  	_ =	shalt  }
0x40: {  	_ =	shalt  }
0x41: {  	_ =	shalt  }
0x42: {  	_ =	shalt  }
0x43: {  	_ =	shalt  }
0x44: {  	_ =	shalt  }
0x45: {  	_ =	shalt  }
0x46: {  	_ =	shalt  }
0x47: {  	_ =	shalt  }
0x48: {  	_ =	shalt  }
0x49: {  	_ =	shalt  }
0x4a: {  	_ =	shalt  }
0x4b: {  	_ =	shalt  }
0x4c: {  	_ =	shalt  }
0x4d: {  	_ =	shalt  }
0x4e: {  	_ =	shalt  }
0x4f: {  	_ =	shalt  }
0x50: {  	_ =	shalt  }
0x51: {  	_ =	shalt  }
0x52: {  	_ =	shalt  }
0x53: {  	_ =	shalt  }
0x54: {  	_ =	shalt  }
0x55: {  	_ =	shalt  }
0x56: {  	_ =	shalt  }
0x57: {  	_ =	shalt  }
0x58: {  	_ =	shalt  }
0x59: {  	_ =	shalt  }
0x5a: {  	_ =	shalt  }
0x5b: {  	_ =	shalt  }
0x5c: {  	_ =	shalt  }
0x5d: {  	_ =	shalt  }
0x5e: {  	_ =	shalt  }
0x5f: {  	_ =	shalt  }
0x60: {  	_ =	shalt  }
0x61: {  	_ =	shalt  }
0x62: {  	_ =	shalt  }
0x63: {  	_ =	shalt  }
0x64: {  	_ =	shalt  }
0x65: {  	_ =	shalt  }
0x66: {  	_ =	shalt  }
0x67: {  	_ =	shalt  }
0x68: {  	_ =	shalt  }
0x69: {  	_ =	shalt  }
0x6a: {  	_ =	shalt  }
0x6b: {  	_ =	shalt  }
0x6c: {  	_ =	shalt  }
0x6d: {  	_ =	shalt  }
0x6e: {  	_ =	shalt  }
0x6f: {  	_ =	shalt  }
0x70: {  	_ =	shalt  }
0x71: {  	_ =	shalt  }
0x72: {  	_ =	shalt  }
0x73: {  	_ =	shalt  }
0x74: {  	_ =	shalt  }
0x75: {  	_ =	shalt  }
0x76: {  	_ =	shalt  }
0x77: {  	_ =	shalt  }
0x78: {  	_ =	shalt  }
0x79: {  	_ =	shalt  }
0x7a: {  	_ =	shalt  }
0x7b: {  	_ =	shalt  }
0x7c: {  	_ =	shalt  }
0x7d: {  	_ =	shalt  }
0x7e: {  	_ =	shalt  }
0x7f: {  	_ =	shalt  }
0x80: {  	_ =	shalt  }
0x81: {  	_ =	shalt  }
0x82: {  	_ =	shalt  }
0x83: {  	_ =	shalt  }
0x84: {  	_ =	shalt  }
0x85: {  	_ =	shalt  }
0x86: {  	_ =	shalt  }
0x87: {  	_ =	shalt  }
.Lfunc_end0:
.L_simem_size_0:
called_computation.1_lowered:
.L_overlay_start_0:
0x88: {  	s2 =	sld [smem:$0x3FD9]  }
0x89: {  	s3 =	sld [smem:$0x3FFE];
	_ =	sdelay $0x1  }
0x8a: {  	s1 =	srdreg.scid  }
0x8b: {  	s0 =	sand.u32 $0x1, s1  }
0x8c: {  	s17 =	sshll.u32 s0, $0xA;
	s2 =	sadd.s32 s3, s2  }
0x8d: {  	s2 =	sadd.s32 s2, s17  }
0x8e: {  	[smem:$0x3FC3] =	sst s2  }
0x8f: {  	_ = 	snop  }
0x90: {  	s2 =	sld [smem:$0x3FD0];
	(tm) =	ssettm $0x1  }
0x91: {  	s18 =	sld [smem:$0x3FFB];
	_ =	sdelay $0x3  }
0x92: {  	_ =	strace s18  }
0x93: {  	s3 =	sld [smem:$0x3FFC];
	_ =	sdelay $0x3  }
0x94: {  	_ =	strace s3  }
0x95: {  	s3 =	sld [smem:$0x3FFD];
	_ =	sdelay $0x3  }
0x96: {  	_ =	strace s3  }
0x97: {  	_ =	strace $0x8FFFFFFF  }
0x98: {  	s19 =	sld [smem:$0x3FDB];
	_ =	sdelay $0x1  }
0x99: {  	s4 =	simm.s32 $_scs_section_size  }
0x9a: {  	s5 =	simm.s32 $_size__tile_overlayer_lowered;
	s6 =	simm.s32 $_tile_overlayer_lowered  }
0x9b: {  	s22 =	simm.s32 $0x1BFF;
	s21 =	sshll.u32 s6, $0x1;
	s3 =	sadd.s32 s4, s19  }
0x9c: {  	s7 =	simm.s32 $0x0;
	s20 =	sshll.u32 s5, $0x1;
	s5 =	sadd.s32 s21, s3  }
0x9d: {  	[timem:s7], [sflag:s22] =	dma.local [hbm:s5], s20  }
0x9e: {  	_ =	swait.ge [sflag:s22], s20  }
0x9f: {  	s4 =	ssub.s32 $0x0, s20;
	[sflag:s22] =	ssyncset.done $0x0  }
0xa0: {  	[sflag:s22] =	ssyncadd.s32 s4;
	_ =	sdelay $0x1  }
0xa1: {  	s23 =	simm.s32 $0x1B8B  }
0xa2: {  	_ =	swait.ge [sflag:s23], $0x1  }
0xa3: {  	[sflag:s23] =	ssyncset.done $0x0  }
0xa4: {  	s25 =	simm.s32 $0x1B8E;
	s24 =	sld [smem:$0x3FFE];
	[sflag:s23] =	ssyncadd.s32 $0xFFFFFFFF  }
0xa5: {  	s26 =	simm.s32 $execute0_lowered;
	[smem:$0x3FD2] =	sst s25  }
0xa6: {  	s5 =	sshll.u32 s26, $0x1;
	_ =	strace $0x80000046;
	[dreg:$0x1] =	wrdreg $0xFFFFFFFF  }
0xa7: {  	s28 =	simm.s32 $_size_execute0_lowered;
	s3 =	sadd.s32 s3, s5;
	[dreg:$0x0] =	wrdreg $0x0  }
0xa8: {  	s5 =	sshll.u32 s28, $0x1;
	[dreg:$0x2] =	wrdreg s3  }
0xa9: {  	[dreg:$0x3] =	wrdreg s5  }
0xaa: {  	[dreg:$0x4] =	wrdreg $0xC0  }
0xab: {  	_ =	task [dreg:s7], $0x5FFFF  }
0xac: {  	[dreg:$0x1] =	wrdreg $0xFFFFFFFF  }
0xad: {  	[dreg:$0x0] =	wrdreg $0x60  }
0xae: {  	[dreg:$0x2] =	wrdreg s24  }
0xaf: {  	[dreg:$0x3] =	wrdreg s2  }
0xb0: {  	[dreg:$0x4] =	wrdreg $0x0  }
0xb1: {  	[dreg:$0x5] =	wrdreg $0x140000  }
0xb2: {  	[dreg:$0x6] =	wrdreg $0x142800  }
0xb3: {  	[dreg:$0x7] =	wrdreg $0x9  }
0xb4: {  	_ =	task.clear_ibuf [dreg:s7], $0x8FFFF;
	_ =	strace $0x90000046  }
0xb5: {  	s29 =	simm.s32 $0x9;
	_ =	strace $0x80000048  }
0xb6: {  	_ =	swait.ge [sflag:s29], $0x1  }
0xb7: {  	[sflag:s29] =	ssyncadd.s32 $0xFFFFFFFF  }
0xb8: {  	_ =	strace $0x90000048  }
0xb9: {  	_ =	sfence  }
0xba: {  	s30 =	sld [smem:$0x0];
	_ =	sdelay $0x2  }
0xbb: {  	s31 =	sshll.u32 s1, $0xD;
	s1 =	sshrl.u32 s1, $0x2  }
0xbc: {  	s3 =	sand.u32 $0x4000, s31;
	s1 =	sadd.s32 s1, s30  }
0xbd: {  	s0 =	sor.u32 s3, s0;
	s1 =	sshll.u32 s1, $0x11  }
0xbe: {  	s0 =	sor.u32 s1, s0  }
0xbf: {  	s0 =	sadd.s32 $0x8F2B, s0  }
0xc0: {  	[sflag:s0] =	ssyncadd.remote.s32 $0x1  }
0xc1: {  	_ =	sfence.sel $0xFFFF  }
0xc2: {  	[dreg:$0x0] =	wrdreg $0xFFFFFFFF;
	(pc) =	sbr.abs _section_cstart, $3  }
0xc3: {  	[dreg:$0x1] =	wrdreg $0xFFFFFFFF  }
0xc4: {  	_ =	task.clear_ibuf [dreg:s7], $0x2FFFF;
	_ =	strace $0x9FFFFFFF  }
0xc5: {  	(tm) =	ssettm $0x7FFFFFFF  }
tec
execute0_lowered:
.L_overlay_start_1:
0x0: {  	(tag) =	ssettag $0x1  }
0x1: {  	s0 =	rddreg [dreg:$0x0]  }
0x2: {  	s2 =	rddreg [dreg:$0x1]  }
0x3: {  	s1 =	rddreg [dreg:$0x2]  }
0x4: {  	s15 =	rddreg [dreg:$0x3]  }
0x5: {  	s18 =	rddreg [dreg:$0x4]  }
0x6: {  	s5 =	simm.s32 $0x0;
	s17 =	stileid.u32;
	s4 =	srdreg.scid  }
0x7: {  	s28 =	simm.s32 $0x9C0;
	s29 =	simm.s32 $0x1AD00;
	s30 =	simm.s32 $0x9C8  }
0x8: {  	s31 =	simm.s32 $0x16C80;
	[smem:$0x7FF] =	sst s5;
	s7 =	sadd.s32 $0x116400, s0  }
0x9: {  	s6 =	smul.u32 $0x280, s17;
	s3 =	sadd.s32 $0x102400, s0;
	s8 =	sadd.s32 $0x1400, s0  }
0xa: {  	s4 =	sand.u32 $0x1, s4;
	s16 =	sadd.s32 $0x396400, s0;
	s9 =	smul.u32 $0x50000, s17  }
0xb: {  	s10 =	sadd.s32 $0x15A00, s0;
	s11 =	smul.u32 $0x2800, s17;
	s12 =	sadd.s32 $0x256400, s0  }
0xc: {  	s23 =	sshll.u32 s17, $0x6;
	_ =	strace $0x80000047;
	[dreg:$0x6] =	wrdreg s3  }
0xd: {  	s24 =	sshrl.u32 s17, $0x3;
	s25 =	sshll.u32 s17, $0x7;
	[dreg:$0x7] =	wrdreg s8  }
0xe: {  	s17 =	simm.s32 $0x8;
	[dreg:$0x8] =	wrdreg s16;
	s19 =	ssub.s32 $0x2, s4  }
0xf: {  	[dreg:$0x9] =	wrdreg s10;
	s4 =	sshll.u32 s4, $0x2;
	s14 =	sshrl.u32 s6, $0x3  }
0x10: {  	s20 =	sshrl.u32 s19, $0x1;
	s22 =	sshrl.u32 s9, $0x2;
	s13 =	sadd.s32 s2, s11  }
0x11: {  	s15 =	sadd.s32 s6, s15;
	s2 =	smul.u32 $0xA000, s24;
	s26 =	sadd.s32 s6, s18  }
0x12: {  	[dreg:$0xb] =	wrdreg s4;
	s3 =	sadd.s32 s14, s0;
	s21 =	ssub.s32 s19, s20  }
0x13: {  	s8 =	sadd.s32 s22, s1;
	s14 =	sor.u32 $0x1C02, s23;
	[dreg:$0xa] =	wrdreg s26  }
0x14: {  	s22 =	simm.s32 $0x2;
	s23 =	simm.s32 $0x80;
	s26 =	simm.s32 $0x15900  }
0x15: {  	s20 =	simm.s32 $0x15880;
	s16 =	sadd.s32 $0x15400, s3;
	s3 =	sand.u32 $0x380, s25  }
0x16: {  	s0 =	smax.u32 s21, $0x1;
	s21 =	sshrl.u32 s8, $0x3;
	s8 =	simm.s32 $0x0  }
0x17: {  	s2 =	sor.u32 s3, s2;
	[dreg:$0xd] =	wrdreg s0;
	s0 =	simm.s32 $0x16D00  }
0x18: {  	v0 =	vimm.f32 $1.000000000e+00;
	vm0 =	vmmov $0xff;
	s3 =	simm.s32 $0x1B700;
	[dreg:$0xc] =	wrdreg s2;
	s2 =	simm.s32 $0x1  }
.LBB2_1:
0x19: {  	[dreg:$0xe] =	wrdreg s8;
	s4 =	simm.s32 $0x40;
	s8 =	simm.s32 $0x0  }
.LBB2_2:
0x1a: {  	p0 =	sne.s32 s4, $0x2700;
	[tilespmem:s8+$0x1AD00] =	vst v0;
	s8 =	smov.u32 s4;
	s4 =	sadd.s32 $0x40, s4  }
.Ltmp0:
0x1b: {  	(pc) =	sbr.rel @p0 .LBB2_2-.Ltmp0, $2  }
0x1c: {  	_ =	sdelay $0x2  }
0x1d: {  	s8 =	sshra.s32 s8, $0x2  }
0x1e: {  	[tilespmem:s8+$0x1AD00] =	vst v0  }
0x1f: {  	[spmem:s21], [sflag:s14] =	dma.local [hbm:s13], $0x2800  }
0x20: {  	_ =	swait.ge [sflag:s22], $0x2800  }
0x21: {  	[sflag:s22] =	ssyncset.done $0x0  }
0x22: {  	s4 =	sshrl.u32 s15, $0x3;
	[sflag:s22] =	ssyncadd.s32 $0xFFFFD800  }
0x23: {  	[spmem:s4], [sflag:s14] =	dma.local [hbm:s16], $0x50  }
0x24: {  	_ =	swait.ge [sflag:s22], $0x50  }
0x25: {  	[sflag:s22] =	ssyncset.done $0x0;
	s25 =	rddreg [dreg:$0xa]  }
0x26: {  	[sflag:s22] =	ssyncadd.s32 $0xFFFFFFB0;
	s8 =	sshrl.u32 s25, $0x3  }
0x27: {  	[spmem:s8], [sflag:s14] =	dma.local [hbm:s16], $0x50  }
0x28: {  	_ =	swait.ge [sflag:s22], $0x50  }
0x29: {  	[sflag:s22] =	ssyncset.done $0x0  }
0x2a: {  	[sflag:s22] =	ssyncadd.s32 $0xFFFFFFB0  }
0x2b: {  	s9 =	simm.s32 $0x0;
	[bflag:$0x0] =	sbarrier.arrive $0xFFFF  }
.LBB2_4:
0x2c: {  	s10 =	rddreg [dreg:$0xb]  }
0x2d: {  	s10 =	sadd.s32 s10, s9  }
0x2e: {  	s11 =	smul.u32 $0x14000, s10  }
0x2f: {  	s18 =	rddreg [dreg:$0xc]  }
0x30: {  	s11 =	sadd.s32 s18, s11  }
0x31: {  	s24 =	rddreg [dreg:$0x6];
	s11 =	sshrl.u32 s11, $0x3  }
0x32: {  	s19 =	simm.s32 $0x400;
	s18 =	sadd.s32 s24, s11;
	s24 =	simm.s32 $0x14500  }
0x33: {  	[tilespmem:s24], [sflag:$0x2] =	stream.strided.gather [hbm4b:s18+s23], $0x1400, s19, s23, $0x38;
	[tilespmem:$0x1C980] =	vst v63  }
0x34: {  	_ =	swait.ge [sflag:s22], $0x1400  }
0x35: {  	[sflag:s22] =	ssyncset.done $0x0;
	s25 =	rddreg [dreg:$0x7]  }
0x36: {  	[sflag:s22] =	ssyncadd.s32 $0xFFFFEC00;
	s11 =	sadd.s32 s25, s11  }
0x37: {  	[tilespmem:s26], [sflag:$0x2] =	stream.strided.gather [hbm4b:s11+s23], $0x1400, s19, s23, $0x38;
	[tilespmem:$0x1C980] =	vst v63  }
0x38: {  	_ =	swait.ge [sflag:s22], $0x1400  }
0x39: {  	[sflag:s22] =	ssyncset.done $0x0  }
0x3a: {  	[sflag:s22] =	ssyncadd.s32 $0xFFFFEC00  }
0x3b: {  	s18 =	rddreg [dreg:$0x3]  }
0x3c: {  	[spmem:s18] =	stream.indirect.scatter.add.f32 [tilespmem:s29], [sflag:$0x2], $0x1, s26, s28, $0xb8;
	[tilespmem:$0x1C980] =	vst v63  }
0x3d: {  	_ =	swait.ge [sflag:s22], $0x9C0  }
0x3e: {  	[sflag:s22] =	ssyncset.done $0x0  }
0x3f: {  	s19 =	simm.s32 $0x162C0;
	[sflag:s22] =	ssyncadd.s32 $0xFFFFF640  }
0x40: {  	[spmem:s18] =	stream.indirect.scatter.add.f32 [tilespmem:s29], [sflag:$0x2], $0x1, s19, s30, $0xb8;
	[tilespmem:$0x1C980] =	vst v63  }
0x41: {  	_ =	swait.ge [sflag:s22], $0x9C8  }
0x42: {  	[sflag:s22] =	ssyncset.done $0x0  }
0x43: {  	s24 =	simm.s32 $0x14500;
	[sflag:s22] =	ssyncadd.s32 $0xFFFFF638  }
0x44: {  	[tilespmem:s0], [sflag:$0x1] =	stream.indirect.gather [hbm4b:s7+s23], $0x80, s24, s23, $0xb8;
	[tilespmem:$0x1C980] =	vst v63  }
0x45: {  	_ =	swait.ge [sflag:s2], $0x4000  }
0x46: {  	[sflag:s2] =	ssyncset.done $0x0  }
0x47: {  	s25 =	simm.s32 $0x15900;
	[sflag:s2] =	ssyncadd.s32 $0xFFFFC000  }
0x48: {  	[spmem:s1] =	stream.indirect.scatter.add.f32 [tilespmem:s0], [sflag:$0x2], $0x80, s25, s23, $0xb8;
	[tilespmem:$0x1C980] =	vst v63  }
0x49: {  	_ =	swait.ge [sflag:s22], $0x4000  }
0x4a: {  	s11 =	simm.s32 $0x80;
	s18 =	simm.s32 $0x400;
	[sflag:s22] =	ssyncset.done $0x0  }
.LBB2_5:
0x4b: {  	s19 =	sadd.s32 $0x14500, s11  }
0x4c: {  	[sflag:s22] =	ssyncadd.s32 $0xFFFFC000;
	s24 =	smov.u32 s18;
	s25 =	sadd.s32 $0x200, s18  }
0x4d: {  	[tilespmem:s0], [sflag:$0x1] =	stream.indirect.gather [hbm4b:s7+s23], $0x80, s19, s23, $0xb8;
	[tilespmem:$0x1C980] =	vst v63  }
0x4e: {  	p0 =	sne.s32 s18, $0x4C00;
	_ =	swait.ge [sflag:s2], $0x4000  }
.Ltmp1:
0x4f: {  	[sflag:s2] =	ssyncset.done $0x0;
	(pc) =	sbr.rel @p0 .LBB2_5-.Ltmp1, $4  }
0x50: {  	s11 =	sadd.s32 $0x15900, s11;
	[sflag:s2] =	ssyncadd.s32 $0xFFFFC000  }
0x51: {  	[spmem:s1] =	stream.indirect.scatter.add.f32 [tilespmem:s0], [sflag:$0x2], $0x80, s11, s23, $0xb8;
	[tilespmem:$0x1C980] =	vst v63  }
0x52: {  	_ =	swait.ge [sflag:s22], $0x4000  }
0x53: {  	s18 =	smov.u32 s25;
	s11 =	sshra.s32 s24, $0x2;
	[sflag:s22] =	ssyncset.done $0x0  }
0x54: {  	s18 =	sadd.s32 $0x14500, s11;
	[sflag:s22] =	ssyncadd.s32 $0xFFFFC000  }
0x55: {  	[tilespmem:s0], [sflag:$0x1] =	stream.indirect.gather [hbm4b:s7+s23], $0x80, s18, s23, $0xb8;
	[tilespmem:$0x1C980] =	vst v63  }
0x56: {  	_ =	swait.ge [sflag:s2], $0x4000  }
0x57: {  	[sflag:s2] =	ssyncset.done $0x0  }
0x58: {  	s25 =	sadd.s32 $0x15900, s11;
	[sflag:s2] =	ssyncadd.s32 $0xFFFFC000  }
0x59: {  	[spmem:s1] =	stream.indirect.scatter.add.f32 [tilespmem:s0], [sflag:$0x2], $0x80, s25, s23, $0xb8;
	[tilespmem:$0x1C980] =	vst v63  }
0x5a: {  	_ =	swait.ge [sflag:s22], $0x4000  }
0x5b: {  	[sflag:s22] =	ssyncset.done $0x0  }
0x5c: {  	[sflag:s22] =	ssyncadd.s32 $0xFFFFC000  }
0x5d: {  	[tilespmem:s0], [sflag:$0x1] =	stream.indirect.gather [hbm4b:s7+s17], $0x80, s20, s17, $0xb8;
	[tilespmem:$0x1C980] =	vst v63  }
0x5e: {  	_ =	swait.ge [sflag:s2], $0x400  }
0x5f: {  	[sflag:s2] =	ssyncset.done $0x0  }
0x60: {  	[sflag:s2] =	ssyncadd.s32 $0xFFFFFC00  }
0x61: {  	[spmem:s1] =	stream.indirect.scatter.add.f32 [tilespmem:s0], [sflag:$0x2], $0x80, s31, s17, $0xb8;
	[tilespmem:$0x1C980] =	vst v63  }
0x62: {  	_ =	swait.ge [sflag:s22], $0x400  }
0x63: {  	s10 =	smul.u32 $0x2800, s10;
	[sflag:s22] =	ssyncset.done $0x0  }
0x64: {  	s11 =	simm.s32 $0x0;
	[sflag:s22] =	ssyncadd.s32 $0xFFFFFC00  }
0x65: {  	s18 =	simm.s32 $0x40;
	v1 =	vmov s10;
	v2 =	vld [tilespmem:s11+$0x14500]  }
.LBB2_7:
0x66: {  	p0 =	sne.s32 s18, $0x4DC0;
	v3 =	vld [tilespmem:s11+$0x15900];
	_ =	sdelay $0x1  }
.Ltmp2:
0x67: {  	(pc) =	sbr.rel @p0 .LBB2_7-.Ltmp2, $4  }
0x68: {  	_ = 	snop  }
0x69: {  	v2 =	vsub.s32 v2, v1  }
0x6a: {  	s19 =	sshra.s32 s18, $0x2;
	[tilespmem:s11+$0x14500] =	vst v2;
	v3 =	vadd.s32 v1, v3  }
0x6b: {  	s18 =	sadd.s32 $0x40, s18;
	v2 =	vld [tilespmem:s19+$0x14500];
	[tilespmem:s11+$0x15900] =	vst v3;
	s11 =	smov.u32 s19  }
0x6c: {  	v3 =	vld [tilespmem:s11+$0x15900];
	_ =	sdelay $0x3  }
0x6d: {  	v2 =	vsub.s32 v2, v1  }
0x6e: {  	[tilespmem:s11+$0x14500] =	vst v2;
	v2 =	vadd.s32 v1, v3  }
0x6f: {  	[tilespmem:s11+$0x15900] =	vst v2  }
0x70: {  	v2 =	vld [tilespmem:$0x15878]  }
0x71: {  	v3 =	vld [tilespmem:$0x16C78];
	_ =	sdelay $0x3  }
0x72: {  	v4 =	vsub.s32 v2, v1  }
0x73: {  	v1 =	vadd.s32 v1, v3;
	v2 =	vsel vm0, v2, v4  }
0x74: {  	v1 =	vsel vm0, v3, v1;
	[tilespmem:$0x15878] =	vst v2  }
0x75: {  	[tilespmem:$0x16C78] =	vst v1  }
0x76: {  	s25 =	simm.s32 $0x1C700;
	[bflag:$0x0] =	sbarrier.arrive $0xFFFF  }
0x77: {  	[tilespmem:s25], [sflag:$0x2] =	stream.linear.gather [spmem:s15], $0x280, $0x38;
	[tilespmem:$0x1C980] =	vst v63  }
0x78: {  	_ =	swait.ge [sflag:s22], $0x280  }
0x79: {  	[sflag:s22] =	ssyncset.done $0x0  }
0x7a: {  	s18 =	simm.s32 $0x40;
	s11 =	simm.s32 $0x0;
	[sflag:s22] =	ssyncadd.s32 $0xFFFFFD80  }
.LBB2_9:
0x7b: {  	p0 =	seq.s32 s18, $0x9C0;
	v1 =	vld [tilespmem:s11+$0x1C700];
	_ =	sdelay $0x4  }
0x7c: {  	v1 =	vmax.f32 v1, $1.000000000e+00  }
0x7d: {  	(erf) = vrcp.f32 v1;
	_ =	sdelay $0x5  }
.Ltmp3:
0x7e: {  	(pc) =	sbr.rel @!p0 .LBB2_9-.Ltmp3, $3  }
0x7f: {  	_ =	sdelay $0x1  }
0x80: {  	v1 =	vpop (erf)  }
0x81: {  	[tilespmem:s11+$0x1C700] =	vst v1;
	s11 =	sshra.s32 s18, $0x2;
	s18 =	sadd.s32 $0x40, s18  }
0x82: {  	v1 =	vld [tilespmem:s11+$0x1C700];
	_ =	sdelay $0x4  }
0x83: {  	v1 =	vmax.f32 v1, $1.000000000e+00  }
0x84: {  	(erf) = vrcp.f32 v1;
	_ =	sdelay $0x8  }
0x85: {  	v1 =	vpop (erf)  }
0x86: {  	s10 =	sadd.s32 s6, s10;
	[tilespmem:s11+$0x1C700] =	vst v1;
	s11 =	simm.s32 $0x0  }
.LBB2_11:
0x87: {  	s18 =	sshll.u32 s11, $0x5  }
0x88: {  	s19 =	sadd.s32 s6, s18  }
0x89: {  	s19 =	sshll.u32 s19, $0x7  }
0x8a: {  	s19 =	sand.u32 $0x3FFFFF80, s19  }
0x8b: {  	s25 =	sadd.s32 $0x1C700, s18;
	s19 =	sadd.s32 s19, s1  }
0x8c: {  	[tilespmem:s3], [sflag:$0x2] =	stream.linear.gather [spmem:s19], $0x1000, $0x38;
	[tilespmem:$0x1C980] =	vst v63  }
0x8d: {  	v1 =	vmov s25;
	_ =	swait.ge [sflag:s22], $0x1000  }
0x8e: {  	[sflag:s22] =	ssyncset.done $0x0  }
0x8f: {  	p0 =	por $0x1, $0x1;
	s19 =	simm.s32 $0x0;
	[sflag:s22] =	ssyncadd.s32 $0xFFFFF000  }
.LBB2_12:
0x90: {  	s24 =	sshll.u32 s19, $0x4  }
0x91: {  	s24 =	sand.u32 $0x3FFFFFF0, s24  }
0x92: {  	s25 =	sshll.u32 s19, $0xB;
	v2 =	vld.idx.msk [tilespmem:v1+s24+$0x0 ss:$0x1], $0xffff  }
0x93: {  	s19 =	sand.u32 $0x3FFFF800, s25  }
0x94: {  	v3 =	vld [tilespmem:s19+$0x1B700]  }
0x95: {  	v4 =	vld [tilespmem:s19+$0x1B710]  }
0x96: {  	v5 =	vld [tilespmem:s19+$0x1B720]  }
0x97: {  	v7 =	vld [tilespmem:s19+$0x1B730];
	v6 =	vbroadcast v2, $0x0  }
0x98: {  	v8 =	vld [tilespmem:s19+$0x1B740]  }
0x99: {  	v9 =	vld [tilespmem:s19+$0x1B750];
	v3 =	vmul.f32 v6, v3  }
0x9a: {  	v10 =	vld [tilespmem:s19+$0x1B760];
	v4 =	vmul.f32 v4, v6  }
0x9b: {  	v24 =	vld [tilespmem:s19+$0x1B770];
	[tilespmem:s19+$0x1B700] =	vst v3;
	v3 =	vmul.f32 v5, v6  }
0x9c: {  	v26 =	vld [tilespmem:s19+$0x1B780];
	v25 =	vmul.f32 v7, v6;
	[tilespmem:s19+$0x1B710] =	vst v4  }
0x9d: {  	v27 =	vld [tilespmem:s19+$0x1B790];
	[tilespmem:s19+$0x1B720] =	vst v3;
	v3 =	vmul.f32 v8, v6  }
0x9e: {  	v29 =	vld [tilespmem:s19+$0x1B7A0];
	v28 =	vmul.f32 v9, v6;
	[tilespmem:s19+$0x1B730] =	vst v25  }
0x9f: {  	v11 =	vld [tilespmem:s19+$0x1B7B0];
	v30 =	vbroadcast v2, $0x1;
	[tilespmem:s19+$0x1B740] =	vst v3;
	v3 =	vmul.f32 v10, v6  }
0xa0: {  	v32 =	vld [tilespmem:s19+$0x1B7C0];
	v31 =	vmul.f32 v24, v6;
	[tilespmem:s19+$0x1B750] =	vst v28  }
0xa1: {  	v33 =	vld [tilespmem:s19+$0x1B7D0];
	[tilespmem:s19+$0x1B760] =	vst v3;
	v3 =	vmul.f32 v26, v30  }
0xa2: {  	v35 =	vld [tilespmem:s19+$0x1B7E0];
	v34 =	vmul.f32 v27, v30;
	[tilespmem:s19+$0x1B770] =	vst v31  }
0xa3: {  	v36 =	vld [tilespmem:s19+$0x1B7F0];
	[tilespmem:s19+$0x1B780] =	vst v3;
	v3 =	vmul.f32 v29, v30  }
0xa4: {  	v38 =	vld [tilespmem:s19+$0x1B800];
	v37 =	vmul.f32 v11, v30;
	[tilespmem:s19+$0x1B790] =	vst v34  }
0xa5: {  	v39 =	vld [tilespmem:s19+$0x1B810];
	[tilespmem:s19+$0x1B7A0] =	vst v3;
	v3 =	vmul.f32 v32, v30  }
0xa6: {  	v41 =	vld [tilespmem:s19+$0x1B820];
	v40 =	vmul.f32 v33, v30;
	[tilespmem:s19+$0x1B7B0] =	vst v37  }
0xa7: {  	v43 =	vld [tilespmem:s19+$0x1B830];
	v42 =	vbroadcast v2, $0x2;
	[tilespmem:s19+$0x1B7C0] =	vst v3;
	v3 =	vmul.f32 v35, v30  }
0xa8: {  	v45 =	vld [tilespmem:s19+$0x1B840];
	v44 =	vmul.f32 v36, v30;
	[tilespmem:s19+$0x1B7D0] =	vst v40  }
0xa9: {  	v46 =	vld [tilespmem:s19+$0x1B850];
	[tilespmem:s19+$0x1B7E0] =	vst v3;
	v3 =	vmul.f32 v38, v42  }
0xaa: {  	v48 =	vld [tilespmem:s19+$0x1B860];
	v47 =	vmul.f32 v39, v42;
	[tilespmem:s19+$0x1B7F0] =	vst v44  }
0xab: {  	v49 =	vld [tilespmem:s19+$0x1B870];
	[tilespmem:s19+$0x1B800] =	vst v3;
	v3 =	vmul.f32 v41, v42  }
0xac: {  	v51 =	vld [tilespmem:s19+$0x1B880];
	v50 =	vmul.f32 v43, v42;
	[tilespmem:s19+$0x1B810] =	vst v47  }
0xad: {  	v52 =	vld [tilespmem:s19+$0x1B890];
	[tilespmem:s19+$0x1B820] =	vst v3;
	v3 =	vmul.f32 v45, v42  }
0xae: {  	v54 =	vld [tilespmem:s19+$0x1B8A0];
	v53 =	vmul.f32 v46, v42;
	[tilespmem:s19+$0x1B830] =	vst v50  }
0xaf: {  	v56 =	vld [tilespmem:s19+$0x1B8B0];
	v55 =	vbroadcast v2, $0x3;
	[tilespmem:s19+$0x1B840] =	vst v3;
	v3 =	vmul.f32 v48, v42  }
0xb0: {  	v58 =	vld [tilespmem:s19+$0x1B8C0];
	v57 =	vmul.f32 v49, v42;
	[tilespmem:s19+$0x1B850] =	vst v53  }
0xb1: {  	v59 =	vld [tilespmem:s19+$0x1B8D0];
	[tilespmem:s19+$0x1B860] =	vst v3;
	v3 =	vmul.f32 v51, v55  }
0xb2: {  	v61 =	vld [tilespmem:s19+$0x1B8E0];
	v60 =	vmul.f32 v52, v55;
	[tilespmem:s19+$0x1B870] =	vst v57  }
0xb3: {  	v62 =	vld [tilespmem:s19+$0x1B8F0];
	[tilespmem:s19+$0x1B880] =	vst v3;
	v3 =	vmul.f32 v54, v55  }
0xb4: {  	v12 =	vld [tilespmem:s19+$0x1B900];
	v63 =	vmul.f32 v56, v55;
	[tilespmem:s19+$0x1B890] =	vst v60  }
0xb5: {  	v13 =	vld [tilespmem:s19+$0x1B910];
	[tilespmem:s19+$0x1B8A0] =	vst v3;
	v3 =	vmul.f32 v58, v55  }
0xb6: {  	v15 =	vld [tilespmem:s19+$0x1B920];
	v14 =	vmul.f32 v59, v55;
	[tilespmem:s19+$0x1B8B0] =	vst v63  }
0xb7: {  	v17 =	vld [tilespmem:s19+$0x1B930];
	v16 =	vbroadcast v2, $0x4;
	[tilespmem:s19+$0x1B8C0] =	vst v3;
	v3 =	vmul.f32 v61, v55  }
0xb8: {  	v19 =	vld [tilespmem:s19+$0x1B940];
	v18 =	vmul.f32 v62, v55;
	[tilespmem:s19+$0x1B8D0] =	vst v14  }
0xb9: {  	v20 =	vld [tilespmem:s19+$0x1B950];
	[tilespmem:s19+$0x1B8E0] =	vst v3;
	v3 =	vmul.f32 v12, v16  }
0xba: {  	v22 =	vld [tilespmem:s19+$0x1B960];
	v21 =	vmul.f32 v13, v16;
	[tilespmem:s19+$0x1B8F0] =	vst v18  }
0xbb: {  	v23 =	vld [tilespmem:s19+$0x1B970];
	[tilespmem:s19+$0x1B900] =	vst v3;
	v3 =	vmul.f32 v15, v16  }
0xbc: {  	v24 =	vmul.f32 v17, v16;
	[tilespmem:s19+$0x1B910] =	vst v21;
	v25 =	vld [tilespmem:s19+$0x1B980]  }
0xbd: {  	v33 =	vld [tilespmem:s19+$0x1B9D0];
	[tilespmem:s19+$0x1B920] =	vst v3;
	v3 =	vmul.f32 v19, v16  }
0xbe: {  	v27 =	vmul.f32 v20, v16;
	[tilespmem:s19+$0x1B930] =	vst v24;
	v28 =	vld [tilespmem:s19+$0x1B9A0]  }
0xbf: {  	v36 =	vld [tilespmem:s19+$0x1B9F0];
	v29 =	vbroadcast v2, $0x5;
	[tilespmem:s19+$0x1B940] =	vst v3;
	v3 =	vmul.f32 v22, v16  }
0xc0: {  	[tilespmem:s19+$0x1B950] =	vst v27;
	v31 =	vmul.f32 v23, v16;
	v32 =	vld [tilespmem:s19+$0x1B9C0]  }
0xc1: {  	v26 =	vld [tilespmem:s19+$0x1B990];
	[tilespmem:s19+$0x1B960] =	vst v3;
	v3 =	vmul.f32 v25, v29  }
0xc2: {  	[tilespmem:s19+$0x1B970] =	vst v31;
	v40 =	vmul.f32 v33, v29;
	v35 =	vld [tilespmem:s19+$0x1B9E0]  }
0xc3: {  	v30 =	vld [tilespmem:s19+$0x1B9B0];
	[tilespmem:s19+$0x1B980] =	vst v3;
	v3 =	vmul.f32 v28, v29  }
0xc4: {  	v44 =	vmul.f32 v36, v29;
	[tilespmem:s19+$0x1B9D0] =	vst v40;
	v38 =	vld [tilespmem:s19+$0x1BA00]  }
0xc5: {  	v39 =	vld [tilespmem:s19+$0x1BA10];
	[tilespmem:s19+$0x1B9A0] =	vst v3;
	v3 =	vmul.f32 v32, v29  }
0xc6: {  	v34 =	vmul.f32 v26, v29;
	[tilespmem:s19+$0x1B9F0] =	vst v44;
	v41 =	vld [tilespmem:s19+$0x1BA20]  }
0xc7: {  	v43 =	vld [tilespmem:s19+$0x1BA30];
	v42 =	vbroadcast v2, $0x6;
	[tilespmem:s19+$0x1B9C0] =	vst v3;
	v3 =	vmul.f32 v35, v29  }
0xc8: {  	[tilespmem:s19+$0x1B990] =	vst v34;
	v37 =	vmul.f32 v30, v29;
	v45 =	vld [tilespmem:s19+$0x1BA40]  }
0xc9: {  	v46 =	vld [tilespmem:s19+$0x1BA50];
	[tilespmem:s19+$0x1B9E0] =	vst v3;
	v3 =	vmul.f32 v38, v42  }
0xca: {  	[tilespmem:s19+$0x1B9B0] =	vst v37;
	v48 =	vld [tilespmem:s19+$0x1BA60];
	v47 =	vmul.f32 v39, v42  }
0xcb: {  	v49 =	vld [tilespmem:s19+$0x1BA70];
	[tilespmem:s19+$0x1BA00] =	vst v3;
	v3 =	vmul.f32 v41, v42  }
0xcc: {  	v50 =	vmul.f32 v43, v42;
	v51 =	vld [tilespmem:s19+$0x1BA80];
	[tilespmem:s19+$0x1BA10] =	vst v47  }
0xcd: {  	v52 =	vld [tilespmem:s19+$0x1BA90];
	[tilespmem:s19+$0x1BA20] =	vst v3;
	v3 =	vmul.f32 v45, v42  }
0xce: {  	v53 =	vmul.f32 v46, v42;
	[tilespmem:s19+$0x1BA30] =	vst v50;
	v54 =	vld [tilespmem:s19+$0x1BAA0]  }
0xcf: {  	v56 =	vld [tilespmem:s19+$0x1BAB0];
	v55 =	vbroadcast v2, $0x7;
	[tilespmem:s19+$0x1BA40] =	vst v3;
	v3 =	vmul.f32 v48, v42  }
0xd0: {  	v57 =	vmul.f32 v49, v42;
	[tilespmem:s19+$0x1BA50] =	vst v53;
	v58 =	vld [tilespmem:s19+$0x1BAC0]  }
0xd1: {  	v59 =	vld [tilespmem:s19+$0x1BAD0];
	[tilespmem:s19+$0x1BA60] =	vst v3;
	v3 =	vmul.f32 v51, v55  }
0xd2: {  	[tilespmem:s19+$0x1BA70] =	vst v57;
	v61 =	vld [tilespmem:s19+$0x1BAE0];
	v60 =	vmul.f32 v52, v55  }
0xd3: {  	v62 =	vld [tilespmem:s19+$0x1BAF0];
	[tilespmem:s19+$0x1BA80] =	vst v3;
	v3 =	vmul.f32 v54, v55  }
0xd4: {  	v63 =	vmul.f32 v56, v55;
	v12 =	vld [tilespmem:s19+$0x1BB00];
	[tilespmem:s19+$0x1BA90] =	vst v60  }
0xd5: {  	v13 =	vld [tilespmem:s19+$0x1BB10];
	[tilespmem:s19+$0x1BAA0] =	vst v3;
	v3 =	vmul.f32 v58, v55  }
0xd6: {  	v14 =	vmul.f32 v59, v55;
	[tilespmem:s19+$0x1BAB0] =	vst v63;
	v15 =	vld [tilespmem:s19+$0x1BB20]  }
0xd7: {  	v17 =	vld [tilespmem:s19+$0x1BB30];
	v16 =	vbroadcast v2, $0x8;
	[tilespmem:s19+$0x1BAC0] =	vst v3;
	v3 =	vmul.f32 v61, v55  }
0xd8: {  	v18 =	vmul.f32 v62, v55;
	[tilespmem:s19+$0x1BAD0] =	vst v14;
	v19 =	vld [tilespmem:s19+$0x1BB40]  }
0xd9: {  	v20 =	vld [tilespmem:s19+$0x1BB50];
	[tilespmem:s19+$0x1BAE0] =	vst v3;
	v3 =	vmul.f32 v12, v16  }
0xda: {  	[tilespmem:s19+$0x1BAF0] =	vst v18;
	v22 =	vld [tilespmem:s19+$0x1BB60];
	v21 =	vmul.f32 v13, v16  }
0xdb: {  	v23 =	vld [tilespmem:s19+$0x1BB70];
	[tilespmem:s19+$0x1BB00] =	vst v3;
	v3 =	vmul.f32 v15, v16  }
0xdc: {  	v24 =	vmul.f32 v17, v16;
	v25 =	vld [tilespmem:s19+$0x1BB80];
	[tilespmem:s19+$0x1BB10] =	vst v21  }
0xdd: {  	v26 =	vld [tilespmem:s19+$0x1BB90];
	[tilespmem:s19+$0x1BB20] =	vst v3;
	v3 =	vmul.f32 v19, v16  }
0xde: {  	v27 =	vmul.f32 v20, v16;
	[tilespmem:s19+$0x1BB30] =	vst v24;
	v28 =	vld [tilespmem:s19+$0x1BBA0]  }
0xdf: {  	v30 =	vld [tilespmem:s19+$0x1BBB0];
	v29 =	vbroadcast v2, $0x9;
	[tilespmem:s19+$0x1BB40] =	vst v3;
	v3 =	vmul.f32 v22, v16  }
0xe0: {  	v31 =	vmul.f32 v23, v16;
	[tilespmem:s19+$0x1BB50] =	vst v27;
	v32 =	vld [tilespmem:s19+$0x1BBC0]  }
0xe1: {  	v33 =	vld [tilespmem:s19+$0x1BBD0];
	[tilespmem:s19+$0x1BB60] =	vst v3;
	v3 =	vmul.f32 v25, v29  }
0xe2: {  	[tilespmem:s19+$0x1BB70] =	vst v31;
	v35 =	vld [tilespmem:s19+$0x1BBE0];
	v34 =	vmul.f32 v26, v29  }
0xe3: {  	v36 =	vld [tilespmem:s19+$0x1BBF0];
	[tilespmem:s19+$0x1BB80] =	vst v3;
	v3 =	vmul.f32 v28, v29  }
0xe4: {  	v37 =	vmul.f32 v30, v29;
	v38 =	vld [tilespmem:s19+$0x1BC00];
	[tilespmem:s19+$0x1BB90] =	vst v34  }
0xe5: {  	v39 =	vld [tilespmem:s19+$0x1BC10];
	[tilespmem:s19+$0x1BBA0] =	vst v3;
	v3 =	vmul.f32 v32, v29  }
0xe6: {  	v40 =	vmul.f32 v33, v29;
	[tilespmem:s19+$0x1BBB0] =	vst v37;
	v41 =	vld [tilespmem:s19+$0x1BC20]  }
0xe7: {  	v43 =	vld [tilespmem:s19+$0x1BC30];
	v42 =	vbroadcast v2, $0xA;
	[tilespmem:s19+$0x1BBC0] =	vst v3;
	v3 =	vmul.f32 v35, v29  }
0xe8: {  	v44 =	vmul.f32 v36, v29;
	[tilespmem:s19+$0x1BBD0] =	vst v40;
	v45 =	vld [tilespmem:s19+$0x1BC40]  }
0xe9: {  	v46 =	vld [tilespmem:s19+$0x1BC50];
	[tilespmem:s19+$0x1BBE0] =	vst v3;
	v3 =	vmul.f32 v38, v42  }
0xea: {  	[tilespmem:s19+$0x1BBF0] =	vst v44;
	v48 =	vld [tilespmem:s19+$0x1BC60];
	v47 =	vmul.f32 v39, v42  }
0xeb: {  	v49 =	vld [tilespmem:s19+$0x1BC70];
	[tilespmem:s19+$0x1BC00] =	vst v3;
	v3 =	vmul.f32 v41, v42  }
0xec: {  	v50 =	vmul.f32 v43, v42;
	v51 =	vld [tilespmem:s19+$0x1BC80];
	[tilespmem:s19+$0x1BC10] =	vst v47  }
0xed: {  	v52 =	vld [tilespmem:s19+$0x1BC90];
	[tilespmem:s19+$0x1BC20] =	vst v3;
	v3 =	vmul.f32 v45, v42  }
0xee: {  	v53 =	vmul.f32 v46, v42;
	[tilespmem:s19+$0x1BC30] =	vst v50;
	v54 =	vld [tilespmem:s19+$0x1BCA0]  }
0xef: {  	v56 =	vld [tilespmem:s19+$0x1BCB0];
	v55 =	vbroadcast v2, $0xB;
	[tilespmem:s19+$0x1BC40] =	vst v3;
	v3 =	vmul.f32 v48, v42  }
0xf0: {  	v57 =	vmul.f32 v49, v42;
	[tilespmem:s19+$0x1BC50] =	vst v53;
	v58 =	vld [tilespmem:s19+$0x1BCC0]  }
0xf1: {  	v59 =	vld [tilespmem:s19+$0x1BCD0];
	[tilespmem:s19+$0x1BC60] =	vst v3;
	v3 =	vmul.f32 v51, v55  }
0xf2: {  	[tilespmem:s19+$0x1BC70] =	vst v57;
	v61 =	vld [tilespmem:s19+$0x1BCE0];
	v60 =	vmul.f32 v52, v55  }
0xf3: {  	v62 =	vld [tilespmem:s19+$0x1BCF0];
	[tilespmem:s19+$0x1BC80] =	vst v3;
	v3 =	vmul.f32 v54, v55  }
0xf4: {  	v63 =	vmul.f32 v56, v55;
	v12 =	vld [tilespmem:s19+$0x1BD00];
	[tilespmem:s19+$0x1BC90] =	vst v60  }
0xf5: {  	v13 =	vld [tilespmem:s19+$0x1BD10];
	[tilespmem:s19+$0x1BCA0] =	vst v3;
	v3 =	vmul.f32 v58, v55  }
0xf6: {  	v14 =	vmul.f32 v59, v55;
	[tilespmem:s19+$0x1BCB0] =	vst v63;
	v15 =	vld [tilespmem:s19+$0x1BD20]  }
0xf7: {  	v17 =	vld [tilespmem:s19+$0x1BD30];
	v16 =	vbroadcast v2, $0xC;
	[tilespmem:s19+$0x1BCC0] =	vst v3;
	v3 =	vmul.f32 v61, v55  }
0xf8: {  	v18 =	vmul.f32 v62, v55;
	[tilespmem:s19+$0x1BCD0] =	vst v14;
	v19 =	vld [tilespmem:s19+$0x1BD40]  }
0xf9: {  	v20 =	vld [tilespmem:s19+$0x1BD50];
	[tilespmem:s19+$0x1BCE0] =	vst v3;
	v3 =	vmul.f32 v12, v16  }
0xfa: {  	[tilespmem:s19+$0x1BCF0] =	vst v18;
	v22 =	vld [tilespmem:s19+$0x1BD60];
	v21 =	vmul.f32 v13, v16  }
0xfb: {  	v23 =	vld [tilespmem:s19+$0x1BD70];
	[tilespmem:s19+$0x1BD00] =	vst v3;
	v3 =	vmul.f32 v15, v16  }
0xfc: {  	v24 =	vmul.f32 v17, v16;
	v25 =	vld [tilespmem:s19+$0x1BD80];
	[tilespmem:s19+$0x1BD10] =	vst v21  }
0xfd: {  	v26 =	vld [tilespmem:s19+$0x1BD90];
	[tilespmem:s19+$0x1BD20] =	vst v3;
	v3 =	vmul.f32 v19, v16  }
0xfe: {  	v27 =	vmul.f32 v20, v16;
	[tilespmem:s19+$0x1BD30] =	vst v24;
	v28 =	vld [tilespmem:s19+$0x1BDA0]  }
0xff: {  	v30 =	vld [tilespmem:s19+$0x1BDB0];
	v29 =	vbroadcast v2, $0xD;
	[tilespmem:s19+$0x1BD40] =	vst v3;
	v3 =	vmul.f32 v22, v16  }
0x100: {  	v31 =	vmul.f32 v23, v16;
	[tilespmem:s19+$0x1BD50] =	vst v27;
	v32 =	vld [tilespmem:s19+$0x1BDC0]  }
0x101: {  	v33 =	vld [tilespmem:s19+$0x1BDD0];
	[tilespmem:s19+$0x1BD60] =	vst v3;
	v3 =	vmul.f32 v25, v29  }
0x102: {  	[tilespmem:s19+$0x1BD70] =	vst v31;
	v35 =	vld [tilespmem:s19+$0x1BDE0];
	v34 =	vmul.f32 v26, v29  }
0x103: {  	v36 =	vld [tilespmem:s19+$0x1BDF0];
	[tilespmem:s19+$0x1BD80] =	vst v3;
	v3 =	vmul.f32 v28, v29  }
0x104: {  	v37 =	vmul.f32 v30, v29;
	v38 =	vld [tilespmem:s19+$0x1BE00];
	[tilespmem:s19+$0x1BD90] =	vst v34  }
0x105: {  	v39 =	vld [tilespmem:s19+$0x1BE10];
	[tilespmem:s19+$0x1BDA0] =	vst v3;
	v3 =	vmul.f32 v32, v29  }
0x106: {  	v40 =	vmul.f32 v33, v29;
	[tilespmem:s19+$0x1BDB0] =	vst v37;
	v41 =	vld [tilespmem:s19+$0x1BE20]  }
0x107: {  	v43 =	vld [tilespmem:s19+$0x1BE30];
	v42 =	vbroadcast v2, $0xE;
	[tilespmem:s19+$0x1BDC0] =	vst v3;
	v3 =	vmul.f32 v35, v29  }
0x108: {  	v44 =	vmul.f32 v36, v29;
	[tilespmem:s19+$0x1BDD0] =	vst v40;
	v45 =	vld [tilespmem:s19+$0x1BE40]  }
0x109: {  	v46 =	vld [tilespmem:s19+$0x1BE50];
	[tilespmem:s19+$0x1BDE0] =	vst v3;
	v3 =	vmul.f32 v38, v42  }
0x10a: {  	[tilespmem:s19+$0x1BDF0] =	vst v44;
	v48 =	vld [tilespmem:s19+$0x1BE60];
	v47 =	vmul.f32 v39, v42  }
0x10b: {  	v49 =	vld [tilespmem:s19+$0x1BE70];
	[tilespmem:s19+$0x1BE00] =	vst v3;
	v3 =	vmul.f32 v41, v42  }
0x10c: {  	v50 =	vmul.f32 v43, v42;
	v51 =	vld [tilespmem:s19+$0x1BE80];
	[tilespmem:s19+$0x1BE10] =	vst v47  }
0x10d: {  	v52 =	vld [tilespmem:s19+$0x1BE90];
	[tilespmem:s19+$0x1BE20] =	vst v3;
	v3 =	vmul.f32 v45, v42  }
0x10e: {  	v53 =	vmul.f32 v46, v42;
	[tilespmem:s19+$0x1BE30] =	vst v50;
	v54 =	vld [tilespmem:s19+$0x1BEA0]  }
0x10f: {  	v2 =	vbroadcast v2, $0xF;
	v58 =	vld [tilespmem:s19+$0x1BED0];
	[tilespmem:s19+$0x1BE40] =	vst v3;
	v3 =	vmul.f32 v48, v42  }
0x110: {  	v57 =	vld [tilespmem:s19+$0x1BEC0];
	v56 =	vmul.f32 v49, v42;
	[tilespmem:s19+$0x1BE50] =	vst v53  }
0x111: {  	v55 =	vld [tilespmem:s19+$0x1BEB0];
	[tilespmem:s19+$0x1BE60] =	vst v3;
	v3 =	vmul.f32 v51, v2  }
0x112: {  	v60 =	vld [tilespmem:s19+$0x1BEE0];
	v59 =	vmul.f32 v52, v2;
	[tilespmem:s19+$0x1BE70] =	vst v56  }
0x113: {  	v61 =	vld [tilespmem:s19+$0x1BEF0];
	[tilespmem:s19+$0x1BE80] =	vst v3;
	v3 =	vmul.f32 v54, v2  }
0x114: {  	[tilespmem:s19+$0x1BE90] =	vst v59;
	v63 =	vmul.f32 v58, v2  }
0x115: {  	p1 =	por p0, p0;
	[tilespmem:s19+$0x1BEA0] =	vst v3;
	v3 =	vmul.f32 v57, v2  }
.Ltmp4:
0x116: {  	v62 =	vmul.f32 v55, v2;
	[tilespmem:s19+$0x1BED0] =	vst v63;
	(pc) =	sbr.rel @p1 .LBB2_12-.Ltmp4, $4  }
0x117: {  	[tilespmem:s19+$0x1BEC0] =	vst v3;
	v3 =	vmul.f32 v60, v2  }
0x118: {  	[tilespmem:s19+$0x1BEB0] =	vst v62;
	v2 =	vmul.f32 v61, v2  }
0x119: {  	[tilespmem:s19+$0x1BEE0] =	vst v3  }
0x11a: {  	p0 =	por $0x0, $0x0;
	[tilespmem:s19+$0x1BEF0] =	vst v2;
	s19 =	simm.s32 $0x1  }
0x11b: {  	s18 =	sadd.s32 s18, s10;
	s11 =	sadd.s32 $0x1, s11  }
0x11c: {  	s18 =	sshll.u32 s18, $0x4;
	p0 =	sne.s32 s11, $0x14  }
.Ltmp5:
0x11d: {  	s18 =	sadd.s32 s12, s18;
	(pc) =	sbr.rel @p0 .LBB2_11-.Ltmp5, $4  }
0x11e: {  	[hbm4b:s18+s5] =	stream.linear.scatter [tilespmem:s3], [sflag:$0x2], $0x1000, $0x38;
	[tilespmem:$0x1C980] =	vst v63  }
0x11f: {  	_ =	swait.ge [sflag:s22], $0x1000  }
0x120: {  	[sflag:s22] =	ssyncset.done $0x0  }
0x121: {  	[sflag:s22] =	ssyncadd.s32 $0xFFFFF000  }
0x122: {  	[spmem:s21], [sflag:s14] =	dma.local [hbm:s13], $0x2800  }
0x123: {  	_ =	swait.ge [sflag:s22], $0x2800  }
0x124: {  	[sflag:s22] =	ssyncset.done $0x0  }
0x125: {  	[sflag:s22] =	ssyncadd.s32 $0xFFFFD800  }
0x126: {  	[spmem:s4], [sflag:s14] =	dma.local [hbm:s16], $0x50  }
0x127: {  	_ =	swait.ge [sflag:s22], $0x50  }
0x128: {  	[sflag:s22] =	ssyncset.done $0x0  }
0x129: {  	[sflag:s22] =	ssyncadd.s32 $0xFFFFFFB0  }
0x12a: {  	[bflag:$0x0] =	sbarrier.arrive $0xFFFF  }
0x12b: {  	s18 =	simm.s32 $0x14500;
	s11 =	rddreg [dreg:$0x4]  }
0x12c: {  	[spmem:s11] =	stream.indirect.scatter.add.f32 [tilespmem:s29], [sflag:$0x2], $0x1, s18, s28, $0xb8;
	[tilespmem:$0x1C980] =	vst v63  }
0x12d: {  	_ =	swait.ge [sflag:s22], $0x9C0  }
0x12e: {  	[sflag:s22] =	ssyncset.done $0x0  }
0x12f: {  	s19 =	simm.s32 $0x14EC0;
	[sflag:s22] =	ssyncadd.s32 $0xFFFFF640  }
0x130: {  	[spmem:s11] =	stream.indirect.scatter.add.f32 [tilespmem:s29], [sflag:$0x2], $0x1, s19, s30, $0xb8;
	[tilespmem:$0x1C980] =	vst v63  }
0x131: {  	_ =	swait.ge [sflag:s22], $0x9C8  }
0x132: {  	[sflag:s22] =	ssyncset.done $0x0  }
0x133: {  	s24 =	simm.s32 $0x15900;
	[sflag:s22] =	ssyncadd.s32 $0xFFFFF638  }
0x134: {  	[tilespmem:s0], [sflag:$0x1] =	stream.indirect.gather [hbm4b:s12+s23], $0x80, s24, s23, $0xb8;
	[tilespmem:$0x1C980] =	vst v63  }
0x135: {  	_ =	swait.ge [sflag:s2], $0x4000  }
0x136: {  	[sflag:s2] =	ssyncset.done $0x0  }
0x137: {  	s25 =	simm.s32 $0x14500;
	[sflag:s2] =	ssyncadd.s32 $0xFFFFC000  }
0x138: {  	[spmem:s1] =	stream.indirect.scatter.add.f32 [tilespmem:s0], [sflag:$0x2], $0x80, s25, s23, $0xb8;
	[tilespmem:$0x1C980] =	vst v63  }
0x139: {  	_ =	swait.ge [sflag:s22], $0x4000  }
0x13a: {  	s18 =	simm.s32 $0x400;
	s11 =	simm.s32 $0x80;
	[sflag:s22] =	ssyncset.done $0x0  }
.LBB2_15:
0x13b: {  	s19 =	sadd.s32 $0x15900, s11  }
0x13c: {  	[sflag:s22] =	ssyncadd.s32 $0xFFFFC000;
	s24 =	smov.u32 s18;
	s25 =	sadd.s32 $0x200, s18  }
0x13d: {  	[tilespmem:s0], [sflag:$0x1] =	stream.indirect.gather [hbm4b:s12+s23], $0x80, s19, s23, $0xb8;
	[tilespmem:$0x1C980] =	vst v63  }
0x13e: {  	p0 =	sne.s32 s18, $0x4C00;
	_ =	swait.ge [sflag:s2], $0x4000  }
.Ltmp6:
0x13f: {  	[sflag:s2] =	ssyncset.done $0x0;
	(pc) =	sbr.rel @p0 .LBB2_15-.Ltmp6, $4  }
0x140: {  	s11 =	sadd.s32 $0x14500, s11;
	[sflag:s2] =	ssyncadd.s32 $0xFFFFC000  }
0x141: {  	[spmem:s1] =	stream.indirect.scatter.add.f32 [tilespmem:s0], [sflag:$0x2], $0x80, s11, s23, $0xb8;
	[tilespmem:$0x1C980] =	vst v63  }
0x142: {  	_ =	swait.ge [sflag:s22], $0x4000  }
0x143: {  	s18 =	smov.u32 s25;
	s11 =	sshra.s32 s24, $0x2;
	[sflag:s22] =	ssyncset.done $0x0  }
0x144: {  	s18 =	sadd.s32 $0x15900, s11;
	[sflag:s22] =	ssyncadd.s32 $0xFFFFC000  }
0x145: {  	[tilespmem:s0], [sflag:$0x1] =	stream.indirect.gather [hbm4b:s12+s23], $0x80, s18, s23, $0xb8;
	[tilespmem:$0x1C980] =	vst v63  }
0x146: {  	_ =	swait.ge [sflag:s2], $0x4000  }
0x147: {  	[sflag:s2] =	ssyncset.done $0x0  }
0x148: {  	s25 =	sadd.s32 $0x14500, s11;
	[sflag:s2] =	ssyncadd.s32 $0xFFFFC000  }
0x149: {  	[spmem:s1] =	stream.indirect.scatter.add.f32 [tilespmem:s0], [sflag:$0x2], $0x80, s25, s23, $0xb8;
	[tilespmem:$0x1C980] =	vst v63  }
0x14a: {  	_ =	swait.ge [sflag:s22], $0x4000  }
0x14b: {  	[sflag:s22] =	ssyncset.done $0x0  }
0x14c: {  	[sflag:s22] =	ssyncadd.s32 $0xFFFFC000  }
0x14d: {  	[tilespmem:s0], [sflag:$0x1] =	stream.indirect.gather [hbm4b:s12+s17], $0x80, s31, s17, $0xb8;
	[tilespmem:$0x1C980] =	vst v63  }
0x14e: {  	_ =	swait.ge [sflag:s2], $0x400  }
0x14f: {  	[sflag:s2] =	ssyncset.done $0x0  }
0x150: {  	[sflag:s2] =	ssyncadd.s32 $0xFFFFFC00  }
0x151: {  	[spmem:s1] =	stream.indirect.scatter.add.f32 [tilespmem:s0], [sflag:$0x2], $0x80, s20, s17, $0xb8;
	[tilespmem:$0x1C980] =	vst v63  }
0x152: {  	_ =	swait.ge [sflag:s22], $0x400  }
0x153: {  	[sflag:s22] =	ssyncset.done $0x0  }
0x154: {  	[sflag:s22] =	ssyncadd.s32 $0xFFFFFC00  }
0x155: {  	[bflag:$0x0] =	sbarrier.arrive $0xFFFF  }
0x156: {  	s18 =	sshll.u32 s10, $0x4;
	s19 =	rddreg [dreg:$0x8]  }
0x157: {  	s11 =	sadd.s32 s19, s18  }
0x158: {  	[hbm:s11], [sflag:s14] =	dma.local [spmem:s21], $0x2800  }
0x159: {  	_ =	swait.ge [sflag:s22], $0x2800  }
0x15a: {  	s24 =	sshrl.u32 s10, $0x3;
	[sflag:s22] =	ssyncset.done $0x0;
	s25 =	rddreg [dreg:$0x9]  }
0x15b: {  	[sflag:s22] =	ssyncadd.s32 $0xFFFFD800;
	s10 =	sadd.s32 s25, s24  }
0x15c: {  	[hbm:s10], [sflag:s14] =	dma.local [spmem:s8], $0x50  }
0x15d: {  	_ =	swait.ge [sflag:s22], $0x50  }
0x15e: {  	[sflag:s22] =	ssyncset.done $0x0  }
0x15f: {  	[sflag:s22] =	ssyncadd.s32 $0xFFFFFFB0  }
0x160: {  	[spmem:s21], [sflag:s14] =	dma.local [hbm:s13], $0x2800  }
0x161: {  	_ =	swait.ge [sflag:s22], $0x2800  }
0x162: {  	s9 =	sadd.s32 $0x1, s9;
	[sflag:s22] =	ssyncset.done $0x0  }
0x163: {  	p0 =	sne.s32 s9, $0x4;
	[sflag:s22] =	ssyncadd.s32 $0xFFFFD800  }
0x164: {  	[spmem:s8], [sflag:s14] =	dma.local [hbm:s16], $0x50  }
.Ltmp7:
0x165: {  	_ =	swait.ge [sflag:s22], $0x50;
	(pc) =	sbr.rel @p0 .LBB2_4-.Ltmp7, $3  }
0x166: {  	[sflag:s22] =	ssyncset.done $0x0  }
0x167: {  	[sflag:s22] =	ssyncadd.s32 $0xFFFFFFB0  }
0x168: {  	[bflag:$0x0] =	sbarrier.arrive $0xFFFF;
	_ =	sdelay $0x1  }
0x169: {  	s8 =	rddreg [dreg:$0xe]  }
0x16a: {  	s4 =	rddreg [dreg:$0xd];
	s8 =	sadd.s32 $0x1, s8  }
0x16b: {  	p0 =	sne.s32 s8, s4  }
.Ltmp8:
0x16c: {  	_ = 	snop;
	(pc) =	sbr.rel @p0 .LBB2_1-.Ltmp8, $1  }
0x16d: {  	_ =	sdelay $0x3  }
0x16e: {  	_ =	sfence.sel $0x180000  }
0x16f: {  	[bflag:$0x0] =	sbarrier.arrive $0xFFFF  }
0x170: {  	_ =	strace $0x90000047  }
0x171: {  	s0 =	stileid.u32;
	[bflag:$0x2] =	sbarrier.arrive $0xFFFF  }
0x172: {  	p0 =	sne.s32 s0, $0x0;
	s0 =	rddreg [dreg:$0x5]  }
0x173: {  	s0 =	sadd.s32 @!p0 $0x100000, s0  }
0x174: {  	[sflag:s0] =	ssyncadd.tile.s32 @!p0 $0x1;
	_ =	shalt  }
.Lfunc_end2:
_tile_overlayer_lowered:
.L_overlay_start_2:
0x175: {  	(tag) =	ssettag $0x2  }
0x176: {  	s0 =	rddreg [dreg:$0x0];
	s2 =	stileid.u32  }
0x177: {  	s1 =	rddreg [dreg:$0x1];
	p0 =	sne.s32 s2, $0x0  }
0x178: {  	s3 =	rddreg [dreg:$0x2];
	[bflag:$0x3] =	sbarrier.arrive $0xFFFF;
	s2 =	simm.s32 @!p0 $0x1C02  }
0x179: {  	[timem:s3], [sflag:s2] =	dma.local @!p0 [hbm:s0], s1  }
0x17a: {  	s0 =	simm.s32 @!p0 $0x2  }
0x17b: {  	_ =	swait.ge @!p0 [sflag:s0], s1  }
0x17c: {  	s1 =	ssub.s32 @!p0 $0x0, s1;
	[sflag:s0] =	ssyncset.done @!p0 $0x0  }
0x17d: {  	[sflag:s0] =	ssyncadd.s32 @!p0 s1  }
0x17e: {  	[bflag:$0x3] =	sbarrier.arrive $0xFFFF  }
0x17f: {  	_ =	shalt  }

// kernel: sparse-core-data-format-call.cloned.1.call-start
scs
called_computation_lowered:
.L_overlay_start_0:
0x0: {  	s2 =	sld [smem:$0x3FD9]  }
0x1: {  	s3 =	sld [smem:$0x3FFE];
	_ =	sdelay $0x1  }
0x2: {  	s1 =	srdreg.scid  }
0x3: {  	s0 =	sand.u32 $0x1, s1  }
0x4: {  	s18 =	sshll.u32 s0, $0xA;
	s2 =	sadd.s32 s3, s2  }
0x5: {  	s2 =	sadd.s32 s2, s18  }
0x6: {  	[smem:$0x3FC3] =	sst s2  }
0x7: {  	_ = 	snop  }
0x8: {  	s2 =	sld [smem:$0x3FD0];
	(tm) =	ssettm $0x1  }
0x9: {  	s19 =	sld [smem:$0x3FFB];
	_ =	sdelay $0x3  }
0xa: {  	_ =	strace s19  }
0xb: {  	s3 =	sld [smem:$0x3FFC];
	_ =	sdelay $0x3  }
0xc: {  	_ =	strace s3  }
0xd: {  	s3 =	sld [smem:$0x3FFD];
	_ =	sdelay $0x3  }
0xe: {  	_ =	strace s3  }
0xf: {  	_ =	strace $0x8FFFFFFF  }
0x10: {  	s20 =	sld [smem:$0x3FDB];
	_ =	sdelay $0x1  }
0x11: {  	s4 =	simm.s32 $_scs_section_size  }
0x12: {  	s5 =	simm.s32 $_size__tile_overlayer_lowered;
	s6 =	simm.s32 $_tile_overlayer_lowered  }
0x13: {  	s23 =	simm.s32 $0x1BFF;
	s22 =	sshll.u32 s6, $0x1;
	s3 =	sadd.s32 s4, s20  }
0x14: {  	s7 =	simm.s32 $0x0;
	s21 =	sshll.u32 s5, $0x1;
	s5 =	sadd.s32 s22, s3  }
0x15: {  	[timem:s7], [sflag:s23] =	dma.local [hbm:s5], s21  }
0x16: {  	_ =	swait.ge [sflag:s23], s21  }
0x17: {  	s4 =	ssub.s32 $0x0, s21;
	[sflag:s23] =	ssyncset.done $0x0  }
0x18: {  	[sflag:s23] =	ssyncadd.s32 s4;
	_ =	sdelay $0x1  }
0x19: {  	s24 =	simm.s32 $0x1B8B  }
0x1a: {  	_ =	swait.ge [sflag:s24], $0x1  }
0x1b: {  	[sflag:s24] =	ssyncset.done $0x0  }
0x1c: {  	s26 =	simm.s32 $0x1B8E;
	s25 =	sld [smem:$0x3FFE];
	[sflag:s24] =	ssyncadd.s32 $0xFFFFFFFF  }
0x1d: {  	s27 =	simm.s32 $execute0_lowered;
	[smem:$0x3FD2] =	sst s26  }
0x1e: {  	s5 =	sshll.u32 s27, $0x1;
	_ =	strace $0x80000049;
	[dreg:$0x1] =	wrdreg $0xFFFFFFFF  }
0x1f: {  	s28 =	simm.s32 $_size_execute0_lowered;
	s3 =	sadd.s32 s3, s5;
	[dreg:$0x0] =	wrdreg $0x0  }
0x20: {  	s5 =	sshll.u32 s28, $0x1;
	[dreg:$0x2] =	wrdreg s3  }
0x21: {  	[dreg:$0x3] =	wrdreg s5  }
0x22: {  	[dreg:$0x4] =	wrdreg $0xC0  }
0x23: {  	_ =	task [dreg:s7], $0x5FFFF  }
0x24: {  	[dreg:$0x1] =	wrdreg $0xFFFFFFFF  }
0x25: {  	[dreg:$0x0] =	wrdreg $0x60  }
0x26: {  	[dreg:$0x2] =	wrdreg s25  }
0x27: {  	[dreg:$0x3] =	wrdreg s2  }
0x28: {  	[dreg:$0x4] =	wrdreg $0x9  }
0x29: {  	_ =	task.clear_ibuf [dreg:s7], $0x5FFFF;
	_ =	strace $0x90000049  }
0x2a: {  	s29 =	simm.s32 $0x9;
	_ =	strace $0x8000004B  }
0x2b: {  	_ =	swait.ge [sflag:s29], $0x1  }
0x2c: {  	[sflag:s29] =	ssyncadd.s32 $0xFFFFFFFF  }
0x2d: {  	_ =	strace $0x9000004B  }
0x2e: {  	_ =	sfence  }
0x2f: {  	s30 =	sld [smem:$0x0];
	_ =	sdelay $0x2  }
0x30: {  	s31 =	sshll.u32 s1, $0xD;
	s1 =	sshrl.u32 s1, $0x2  }
0x31: {  	s3 =	sand.u32 $0x4000, s31;
	s1 =	sadd.s32 s1, s30  }
0x32: {  	s0 =	sor.u32 s3, s0;
	s1 =	sshll.u32 s1, $0x11  }
0x33: {  	s0 =	sor.u32 s1, s0  }
0x34: {  	s0 =	sadd.s32 $0x8F2B, s0  }
0x35: {  	[sflag:s0] =	ssyncadd.remote.s32 $0x1  }
0x36: {  	_ =	sfence.sel $0xFFFF  }
0x37: {  	[dreg:$0x0] =	wrdreg $0xFFFFFFFF;
	(pc) =	sbr.abs _section_cstart, $3  }
0x38: {  	[dreg:$0x1] =	wrdreg $0xFFFFFFFF  }
0x39: {  	_ =	task.clear_ibuf [dreg:s7], $0x2FFFF;
	_ =	strace $0x9FFFFFFF  }
0x3a: {  	(tm) =	ssettm $0x7FFFFFFF  }
0x3b: {  	_ =	shalt  }
tec
execute0_lowered:
.L_overlay_start_1:
0x0: {  	(tag) =	ssettag $0x1  }
0x1: {  	s7 =	rddreg [dreg:$0x0];
	s0 =	stileid.u32  }
0x2: {  	s1 =	srdreg.scid;
	s2 =	rddreg [dreg:$0x1];
	_ =	strace $0x8000004A  }
0x3: {  	s31 =	simm.s32 $0x2;
	s19 =	simm.s32 $0x0;
	p0 =	por $0x0, $0x0  }
0x4: {  	s21 =	simm.s32 $0x0;
	s20 =	simm.s32 $0x0;
	s22 =	simm.s32 $0x0  }
0x5: {  	s11 =	simm.s32 $0x0;
	s12 =	simm.s32 $0x0;
	s13 =	simm.s32 $0x0  }
0x6: {  	s16 =	simm.s32 $0x0;
	s3 =	sshll.u32 s0, $0x4;
	s4 =	sshll.u32 s1, $0x8  }
0x7: {  	s18 =	simm.s32 $0x0;
	s4 =	sor.u32 s3, s4;
	s3 =	sand.u32 $0x1, s0  }
0x8: {  	s8 =	sshrl.u32 s0, $0x1;
	s4 =	sand.u32 $0x180, s4;
	s5 =	ssub.s32 $0x2, s3  }
0x9: {  	s7 =	sadd.s32 $0x1400, s7;
	s6 =	ssub.s32 $0x2700, s4;
	s9 =	sshrl.u32 s5, $0x1  }
.Ltmp0:
0xa: {  	s10 =	sand.u32 $0x1, s5;
	s6 =	sshrl.u32 s6, $0x9;
	(pc) =	sbr.rel .LBB1_1-.Ltmp0, $4  }
0xb: {  	s8 =	sand.u32 $0x3, s8;
	s9 =	sadd.s32 s10, s9;
	s6 =	sadd.s32 $0x1, s6  }
0xc: {  	s15 =	smov.u32 s8;
	s5 =	simm.s32 $0x1;
	s6 =	smul.u32 s9, s6  }
0xd: {  	s17 =	smov.u32 s3;
	s14 =	smov.u32 s4;
	[sflag:s5] =	ssyncpa.u1 $0x0  }
0xe: {  	s10 =	simm.s32 $0x0;
	[sflag:s31] =	ssyncpa.u1 $0x0;
	s9 =	sadd.s32 $0x1, s6  }
.LBB1_4:
0xf: {  	[tilespmem:s25+$0x2040 ss:$0x81] =	vst.msk $0xffff, v4  }
0x10: {  	s28 =	sshll.u32 s10, $0x7;
	s29 =	sshll.u32 s12, $0x3;
	[tilespmem:s25+$0x2850 ss:$0x81] =	vst.msk $0xffff, v3  }
0x11: {  	s27 =	sshra.s32 s27, $0x2;
	p1 =	sgt.s32 s13, $0x1;
	s1 =	sshra.s32 s13, $0x1F;
	[tilespmem:s25+$0x3060 ss:$0x81] =	vst.msk $0xffff, v2  }
0x12: {  	s31 =	smov.u32 s11;
	[tilespmem:s25+$0x0 ss:$0x81] =	vst.msk $0xffff, v1;
	s25 =	smov.u32 s10;
	s30 =	sand.u32 $0xFFFFFC00, s28  }
0x13: {  	s29 =	sand.u32 $0xFFFFFC00, s29;
	s26 =	sadd.s32 s27, s26;
	s28 =	sand.u32 $0x380, s28  }
0x14: {  	s27 =	sadd.s32 s29, s30;
	s29 =	smov.u32 s13;
	s30 =	sand.u32 s1, s13  }
0x15: {  	s1 =	sshra.s32 s11, $0x1F;
	s29 =	simm.s32 @!p1 $0x1;
	p1 =	sgt.s32 s11, $0x3  }
0x16: {  	s30 =	sxor.u32 $0xFFFFFFFF, s30;
	s1 =	sand.u32 s1, s11;
	s27 =	sor.u32 s28, s27  }
0x17: {  	s31 =	simm.s32 @!p1 $0x3;
	s28 =	sadd.s32 s30, s29;
	s27 =	sshrl.u32 s27, $0x7  }
0x18: {  	s29 =	ssub.s32 $0x0, s12;
	s1 =	ssub.s32 s31, s1;
	p1 =	sgt.s32 s28, $0x0  }
0x19: {  	s28 =	ssub.s32 $0x1, s28;
	s31 =	smulhi.u32 $0x1A36E2F, s27;
	s29 =	smin.u32 s12, s29  }
0x1a: {  	v5 =	vld [tilespmem:s24+$0xFFFFFFD0];
	s30 =	sadd.s32 $0xFFFFFFFD, s1;
	s28 =	simm.s32 @p1 $0x0;
	s1 =	ssub.s32 $0x4, s1  }
0x1b: {  	v58 =	vld [tilespmem:s24+$0xFFFFFFE0];
	p1 =	sgt.s32 s29, $0x7F;
	s29 =	ssub.s32 $0x80, s29;
	p2 =	sgt.s32 s30, $0x0  }
0x1c: {  	v59 =	vld [tilespmem:s24+$0xFFFFFFF0];
	s30 =	sshrl.u32 s31, $0x6;
	s29 =	simm.s32 @p1 $0x0;
	p1 =	sgt.s32 s10, $0x2690  }
0x1d: {  	v60 =	vld [tilespmem:s24+$0x0];
	s31 =	sshra.s32 s10, $0x1F;
	s1 =	simm.s32 @p2 $0x0;
	s28 =	smul.u32 s28, s29  }
0x1e: {  	v61 =	vld [tilespmem:s24+$0x10];
	[tilespmem:s26+$0x3870 ss:$0x81] =	vst.msk $0xffff, v0;
	s30 =	smul.u32 $0x2710, s30;
	s25 =	simm.s32 @!p1 $0x2690;
	s29 =	sand.u32 s31, s10  }
0x1f: {  	v62 =	vld [tilespmem:s24+$0x20];
	[tilespmem:s26+$0x810 ss:$0x81] =	vst.msk $0xffff, v5;
	s25 =	ssub.s32 s25, s29;
	s1 =	smul.u32 s1, s28  }
0x20: {  	v63 =	vld [tilespmem:s24+$0xFFFFFFC0];
	[tilespmem:s26+$0x1020 ss:$0x81] =	vst.msk $0xffff, v58;
	s24 =	ssub.s32 s27, s30;
	s29 =	sadd.s32 $0xFFFFD970, s25;
	s28 =	smul.u32 $0x9C400, s13  }
0x21: {  	[tilespmem:s26+$0x1830 ss:$0x81] =	vst.msk $0xffff, v59;
	s25 =	ssub.s32 $0x2710, s25;
	s30 =	smul.u32 $0x27100, s11;
	p1 =	sgt.s32 s29, $0x7F  }
0x22: {  	[tilespmem:s26+$0x2040 ss:$0x81] =	vst.msk $0xffff, v60;
	s31 =	sshrl.u32 s12, $0x3;
	s25 =	simm.s32 @p1 $0x0;
	s28 =	sadd.s32 s2, s28  }
0x23: {  	[tilespmem:s26+$0x2850 ss:$0x81] =	vst.msk $0xffff, v61;
	s1 =	smul.u32 s25, s1;
	s28 =	sadd.s32 s30, s28;
	s30 =	sand.u32 $0xF, s31  }
0x24: {  	[tilespmem:s26+$0x3060 ss:$0x81] =	vst.msk $0xffff, v62;
	s24 =	sshll.u32 s24, $0x4;
	s25 =	sadd.s32 s30, s28  }
0x25: {  	[tilespmem:s26+$0x0 ss:$0x81] =	vst.msk $0xffff, v63;
	s31 =	sand.u32 $0x7, s12;
	s1 =	sand.u32 $0x3FFFFFFF, s1;
	s24 =	sadd.s32 s24, s25  }
0x26: {  	[hbm4b:s24+s31] =	stream.linear.scatter [tilespmem:s23], [sflag:$0x2], s1, $0x20;
	[tilespmem:$0x10100] =	vst v63  }
.LBB1_5:
0x27: {  	p1 =	slt.u32 s18, $0x2;
	s1 =	smov.u32 s22  }
0x28: {  	s25 =	smov.u32 s16;
	s26 =	smov.u32 s17;
	p0 =	por !p0, !p0  }
0x29: {  	p2 =	sgt.s32 @!p1 s22, $0x1;
	s23 =	sshra.s32 @!p1 s22, $0x1F;
	s24 =	sshra.s32 @!p1 s21, $0x1F  }
0x2a: {  	p3 =	sgt.s32 @!p1 s19, $0x2690;
	s27 =	simm.s32 @!p1 $0x2;
	p2 =	por !p2, p1  }
0x2b: {  	s22 =	sand.u32 @!p1 s23, s22;
	s23 =	smov.u32 s21;
	p3 =	por !p3, p1  }
0x2c: {  	s1 =	simm.s32 @p2 $0x1;
	p2 =	sgt.s32 @!p1 s21, $0x3;
	s22 =	sxor.u32 @!p1 $0xFFFFFFFF, s22  }
0x2d: {  	s21 =	sand.u32 @!p1 s24, s21;
	p2 =	por !p2, p1;
	s1 =	sadd.s32 @!p1 s22, s1  }
0x2e: {  	s24 =	smov.u32 s15;
	s23 =	simm.s32 @p2 $0x3;
	p2 =	sgt.s32 @!p1 s1, $0x0  }
0x2f: {  	s1 =	ssub.s32 @!p1 $0x1, s1;
	s21 =	ssub.s32 @!p1 s23, s21;
	p2 =	por !p2, p1  }
0x30: {  	s23 =	smov.u32 s19;
	s22 =	sadd.s32 @!p1 $0xFFFFFFFD, s21;
	s1 =	simm.s32 @!p2 $0x0  }
0x31: {  	s21 =	ssub.s32 @!p1 $0x4, s21;
	p2 =	sgt.s32 @!p1 s22, $0x0;
	s22 =	ssub.s32 @!p1 $0x0, s20  }
0x32: {  	s23 =	simm.s32 @p3 $0x2690;
	s20 =	smin.u32 @!p1 s20, s22;
	s22 =	sshra.s32 @!p1 s19, $0x1F  }
0x33: {  	p2 =	por !p2, p1;
	s19 =	sand.u32 @!p1 s22, s19;
	p3 =	sgt.s32 @!p1 s20, $0x7F  }
0x34: {  	s20 =	ssub.s32 @!p1 $0x80, s20;
	s21 =	simm.s32 @!p2 $0x0;
	s19 =	ssub.s32 @!p1 s23, s19  }
0x35: {  	p3 =	por !p3, p1;
	s23 =	sadd.s32 $0x200, s14;
	s22 =	sadd.s32 @!p1 $0xFFFFD970, s19  }
0x36: {  	s20 =	simm.s32 @!p3 $0x0;
	s19 =	ssub.s32 @!p1 $0x2710, s19;
	p3 =	sgt.s32 s23, $0x270F  }
0x37: {  	p2 =	sgt.s32 @!p1 s22, $0x7F;
	s1 =	smul.u32 @!p1 s1, s20;
	s20 =	sadd.s32 $0x4, s15  }
0x38: {  	p2 =	por !p2, p1;
	s24 =	smov.u32 @p3 s20;
	s20 =	sadd.s32 $0x80, s16  }
0x39: {  	s1 =	smul.u32 @!p1 s21, s1;
	s19 =	simm.s32 @!p2 $0x0;
	p2 =	sgt.s32 s24, $0x3  }
0x3a: {  	s23 =	smov.u32 @p3 s4;
	s22 =	smov.u32 s13;
	s25 =	smov.u32 @p2 s20  }
0x3b: {  	s1 =	smul.u32 @!p1 s19, s1;
	p3 =	sgt.s32 s25, $0x7F;
	s19 =	sadd.s32 $0x2, s17  }
0x3c: {  	s13 =	smov.u32 s17;
	s21 =	smov.u32 s11;
	s26 =	smov.u32 @p3 s19  }
0x3d: {  	s11 =	smov.u32 s15;
	s24 =	smov.u32 @p2 s8;
	p2 =	sgt.s32 s26, $0x1  }
0x3e: {  	s20 =	smov.u32 s12;
	s26 =	smov.u32 @p2 s3;
	p2 =	sne.s32 s18, s9  }
.Ltmp1:
0x3f: {  	s12 =	smov.u32 s16;
	s15 =	smov.u32 s24;
	(pc) =	sbr.rel @!p2 .LBB1_6-.Ltmp1, $4  }
0x40: {  	s25 =	simm.s32 @p3 $0x0;
	s19 =	smov.u32 s10;
	s1 =	sand.u32 @!p1 $0x3FFFFFFF, s1  }
0x41: {  	s10 =	smov.u32 s14;
	s14 =	smov.u32 s23;
	_ =	swait.ge @!p1 [sflag:s27], s1  }
0x42: {  	s16 =	smov.u32 s25;
	s1 =	ssub.s32 @!p1 $0x0, s1;
	[sflag:s27] =	ssyncset.done @!p1 $0x0  }
0x43: {  	s18 =	sadd.s32 $0x1, s18;
	s17 =	smov.u32 s26;
	[sflag:s27] =	ssyncadd.s32 @!p1 s1  }
.LBB1_1:
0x44: {  	p1 =	sge.u32 s18, s6  }
0x45: {  	s23 =	sshrl.u32 @!p1 s15, $0x2  }
0x46: {  	s24 =	sshll.u32 @!p1 s14, $0x2;
	s23 =	smul.u32 @!p1 $0x9E00, s23  }
0x47: {  	s25 =	sshll.u32 @!p1 s15, $0x7;
	s24 =	sand.u32 @!p1 $0xFFFFFE00, s24  }
0x48: {  	s23 =	sadd.s32 @!p1 s23, s24;
	s24 =	sand.u32 @!p1 $0x180, s25  }
0x49: {  	s25 =	sand.u32 @!p1 $0x7F, s14;
	s23 =	sor.u32 @!p1 s24, s23  }
0x4a: {  	s24 =	sor.u32 @!p1 s25, s23  }
0x4b: {  	s25 =	smulhi.u32 @!p1 $0xCF6474A9, s24  }
0x4c: {  	s23 =	smulhi.u32 @!p1 $0xCF6474A9, s23  }
0x4d: {  	s31 =	sadd.s32 $0xFFFFFFFF, s18;
	s27 =	smul.u32 @!p1 $0x9E000, s17;
	s25 =	sshrl.u32 @!p1 s25, $0xD  }
0x4e: {  	s26 =	sxor.u32 @!p1 $0xFFFFFFFF, s18;
	s23 =	sshrl.u32 @!p1 s23, $0xD;
	s25 =	smul.u32 @!p1 $0x2780, s25  }
0x4f: {  	s28 =	smul.u32 @!p1 $0x13C0, s16;
	s26 =	sshll.u32 @!p1 s26, $0xE;
	s23 =	sand.u32 @!p1 $0x3, s23  }
0x50: {  	s23 =	smul.u32 @!p1 $0x4F0, s23;
	s24 =	ssub.s32 @!p1 s24, s25;
	s25 =	sadd.s32 @!p1 s7, s27  }
0x51: {  	s26 =	sand.u32 @!p1 $0x4000, s26;
	s25 =	sadd.s32 @!p1 s28, s25;
	s27 =	sand.u32 @!p1 $0x7, s24  }
0x52: {  	s24 =	sshrl.u32 @!p1 s24, $0x3;
	s23 =	sadd.s32 @!p1 s23, s25;
	s25 =	sshll.u32 @!p1 s27, $0x12  }
0x53: {  	s23 =	sadd.s32 @!p1 s24, s23;
	s24 =	sor.u32 @!p1 $0x80, s25;
	s25 =	simm.s32 @!p1 $0x9E00  }
0x54: {  	[tilespmem:s26], [sflag:$0x1] =	stream.strided.gather @!p1 [hbm4b:s23+s24], $0x4000, s25, s24, $0x38;
	[tilespmem:$0x10100] =	vst v63  }
0x55: {  	p1 =	sge.u32 s31, s6  }
.Ltmp2:
0x56: {  	_ = 	snop;
	(pc) =	sbr.rel @p1 .LBB1_5-.Ltmp2, $1  }
0x57: {  	_ =	sdelay $0x3  }
0x58: {  	s23 =	simm.s32 $0x1  }
0x59: {  	_ =	swait.ge [sflag:s5], $0x4000;
	s23 =	simm.s32 @!p0 $0x0  }
0x5a: {  	[sflag:s5] =	ssyncset.done $0x0;
	s24 =	sshll.u32 s23, $0xE  }
0x5b: {  	[sflag:s5] =	ssyncadd.s32 $0xFFFFC000;
	s24 =	sor.u32 $0x40, s24  }
0x5c: {  	s23 =	smul.u32 $0x10200, s23;
	v0 =	vld [tilespmem:s24+$0x30]  }
0x5d: {  	v1 =	vld [tilespmem:s24+$0xFFFFFFD0]  }
0x5e: {  	s23 =	sshrl.u32 s23, $0x2;
	v5 =	vld [tilespmem:s24+$0xFFFFFFE0]  }
0x5f: {  	v6 =	vld [tilespmem:s24+$0xFFFFFFF0];
	s26 =	sor.u32 $0x8000, s23  }
0x60: {  	s31 =	sand.u32 $0x1, s18;
	v4 =	vld [tilespmem:s24+$0x0];
	s25 =	sadd.s32 $0x0, s26  }
0x61: {  	v3 =	vld [tilespmem:s24+$0x10];
	s23 =	smul.u32 $0x10200, s31;
	[tilespmem:s25+$0x3870 ss:$0x81] =	vst.msk $0xffff, v0  }
0x62: {  	v2 =	vld [tilespmem:s24+$0x20];
	[tilespmem:s25+$0x810 ss:$0x81] =	vst.msk $0xffff, v1  }
0x63: {  	s23 =	sshrl.u32 s23, $0x2;
	v1 =	vld [tilespmem:s24+$0xFFFFFFC0];
	[tilespmem:s25+$0x1020 ss:$0x81] =	vst.msk $0xffff, v5;
	s24 =	sadd.s32 $0x80, s24  }
0x64: {  	s27 =	simm.s32 $0x4;
	s28 =	simm.s32 $0x8;
	s23 =	sor.u32 $0x8000, s23;
	[tilespmem:s25+$0x1830 ss:$0x81] =	vst.msk $0xffff, v6;
	v0 =	vld [tilespmem:s24+$0x30]  }
.LBB1_3:
0x65: {  	p1 =	sne.s32 s28, $0x1FC;
	v5 =	vld [tilespmem:s24+$0xFFFFFFD0];
	[tilespmem:s25+$0x2040 ss:$0x81] =	vst.msk $0xffff, v4  }
0x66: {  	v6 =	vld [tilespmem:s24+$0xFFFFFFE0];
	[tilespmem:s25+$0x2850 ss:$0x81] =	vst.msk $0xffff, v3  }
0x67: {  	s29 =	sshra.s32 s27, $0x2;
	s27 =	smov.u32 s28;
	v7 =	vld [tilespmem:s24+$0xFFFFFFF0];
	[tilespmem:s25+$0x3060 ss:$0x81] =	vst.msk $0xffff, v2  }
.Ltmp3:
0x68: {  	v4 =	vld [tilespmem:s24+$0x0];
	[tilespmem:s25+$0x0 ss:$0x81] =	vst.msk $0xffff, v1;
	s25 =	sadd.s32 s29, s26;
	(pc) =	sbr.rel @p1 .LBB1_3-.Ltmp3, $4  }
0x69: {  	v3 =	vld [tilespmem:s24+$0x10];
	[tilespmem:s25+$0x3870 ss:$0x81] =	vst.msk $0xffff, v0  }
0x6a: {  	[tilespmem:s25+$0x810 ss:$0x81] =	vst.msk $0xffff, v5;
	v2 =	vld [tilespmem:s24+$0x20]  }
0x6b: {  	v1 =	vld [tilespmem:s24+$0xFFFFFFC0];
	[tilespmem:s25+$0x1020 ss:$0x81] =	vst.msk $0xffff, v6;
	s24 =	sadd.s32 $0x80, s24  }
0x6c: {  	s28 =	sadd.s32 $0x4, s28;
	v0 =	vld [tilespmem:s24+$0x30];
	[tilespmem:s25+$0x1830 ss:$0x81] =	vst.msk $0xffff, v7  }
.Ltmp4:
0x6d: {  	_ = 	snop;
	(pc) =	sbr.rel .LBB1_4-.Ltmp4, $1  }
0x6e: {  	_ =	sdelay $0x3  }
.LBB1_6:
0x6f: {  	_ =	sfence.sel $0x180000  }
0x70: {  	s1 =	simm.s32 $0x1;
	[bflag:$0x0] =	sbarrier.arrive $0xFFFF  }
0x71: {  	s31 =	simm.s32 $0x2;
	[sflag:s1] =	ssyncpa.u1 $0x1  }
0x72: {  	[sflag:s31] =	ssyncpa.u1 $0x1  }
0x73: {  	_ =	strace $0x9000004A  }
0x74: {  	[bflag:$0x2] =	sbarrier.arrive $0xFFFF  }
0x75: {  	p0 =	sne.s32 s0, $0x0;
	s0 =	rddreg [dreg:$0x2]  }
0x76: {  	s0 =	sadd.s32 @!p0 $0x100000, s0  }
0x77: {  	[sflag:s0] =	ssyncadd.tile.s32 @!p0 $0x1;
	_ =	shalt  }
.Lfunc_end1:
_tile_overlayer_lowered:
.L_overlay_start_2:
0x78: {  	(tag) =	ssettag $0x2  }
0x79: {  	s0 =	rddreg [dreg:$0x0];
	s2 =	stileid.u32  }
0x7a: {  	s1 =	rddreg [dreg:$0x1];
	p0 =	sne.s32 s2, $0x0  }
0x7b: {  	s3 =	rddreg [dreg:$0x2];
	[bflag:$0x3] =	sbarrier.arrive $0xFFFF;
	s2 =	simm.s32 @!p0 $0x1C01  }
0x7c: {  	[timem:s3], [sflag:s2] =	dma.local @!p0 [hbm:s0], s1  }
0x7d: {  	s0 =	simm.s32 @!p0 $0x1  }
0x7e: {  	_ =	swait.ge @!p0 [sflag:s0], s1  }
0x7f: {  	s1 =	ssub.s32 @!p0 $0x0, s1;
	[sflag:s0] =	ssyncset.done @!p0 $0x0  }
0x80: {  	[sflag:s0] =	ssyncadd.s32 @!p0 s1  }
0x81: {  	[bflag:$0x3] =	sbarrier.arrive $0xFFFF  }
0x82: {  	_ =	shalt  }

</sc_bundles>
